<compile_context>
chip_gen: v7x
topology: tpu7x:2x2x1
jax: 0.10.2.dev20260603
libtpu: 0.0.44.dev20260713+nightly
codegen_flags: <defaults>
</compile_context>

<pallas_src>
import functools

import jax
import jax.numpy as jnp
from jax import lax
from jax.experimental import pallas as pl
from jax.experimental.pallas import tpu as pltpu
from jax.experimental.pallas import tpu_sc as plsc

_M0 = 0.3
_NB = 384
_D2MAX = 8.5
_BINW = _D2MAX / _NB
_SCALE = _NB / _D2MAX
_MAGIC = 0x5F3759DF


def _dtm_sc_body(rows_per, xx_h, xy_h, w_h, gx_h, gy_h, out_h,
                 xx_v, xy_v, w_v, gx_v, gy_v, hw, hs, out_v):
    N = 2304
    chunks = rows_per // 16
    cid = lax.axis_index("c")
    sid = lax.axis_index("s")
    wid = sid * 2 + cid
    b = wid // 4
    mbase = (wid % 4) * rows_per

    pltpu.sync_copy(xx_h.at[b], xx_v)
    pltpu.sync_copy(xy_h.at[b], xy_v)
    pltpu.sync_copy(w_h.at[b], w_v)
    pltpu.sync_copy(gx_h.at[pl.ds(mbase, rows_per)], gx_v)
    pltpu.sync_copy(gy_h.at[pl.ds(mbase, rows_per)], gy_v)

    zf = jnp.zeros((16,), jnp.float32)
    lane = lax.iota(jnp.int32, 16)

    acc = lax.fori_loop(
        0, N // 16, lambda i, a: a + w_v[pl.ds(i * 16, 16)], zf)
    tot = acc[0]
    for j in range(1, 16):
        tot = tot + acc[j]
    wb = _M0 * tot

    def chunk_body(mi, _):
        gxc = gx_v[pl.ds(mi * 16, 16)]
        gyc = gy_v[pl.ds(mi * 16, 16)]

        @plsc.parallel_loop(0, _NB, unroll=8)
        def zero(j):
            hw[pl.ds(j * 16, 16)] = zf
            hs[pl.ds(j * 16, 16)] = zf

        @plsc.parallel_loop(0, N // 16, unroll=2)
        def sweep(i):
            base = i * 16
            xxv = xx_v[pl.ds(base, 16)]
            xyv = xy_v[pl.ds(base, 16)]
            wv = w_v[pl.ds(base, 16)]
            for j in range(16):
                dx = gxc - jnp.full((16,), xxv[j])
                dy = gyc - jnp.full((16,), xyv[j])
                d2 = jnp.maximum(dx * dx + dy * dy, 1e-12)
                wnv = jnp.full((16,), wv[j])
                si = jnp.minimum((d2 * _SCALE).astype(jnp.int32),
                                 _NB - 1) * 16 + lane
                plsc.addupdate_scatter(hw, [si], wnv)
                plsc.addupdate_scatter(hs, [si], wnv * d2)

        def scan_cond(carry):
            blk, cum_w, cum_s, w_c, s_c, c2, crossed = carry
            ncross = plsc.all_reduce_population_count(crossed)
            return jnp.logical_and(blk < _NB // 8, ncross[0] < 16)

        def scan_body(carry):
            blk, cum_w, cum_s, w_c, s_c, c2, crossed = carry
            for jj in range(8):
                j = blk * 8 + jj
                cum_w = cum_w + hw[pl.ds(j * 16, 16)]
                cum_s = cum_s + hs[pl.ds(j * 16, 16)]
                hit = jnp.logical_and(jnp.logical_not(crossed), cum_w >= wb)
                w_c = jnp.where(hit, cum_w, w_c)
                s_c = jnp.where(hit, cum_s, s_c)
                c2 = jnp.where(hit, jnp.full((16,), j, jnp.int32), c2)
                crossed = jnp.logical_or(crossed, hit)
            return blk + 1, cum_w, cum_s, w_c, s_c, c2, crossed

        init = (jnp.int32(0), zf, zf, zf, zf,
                jnp.full((16,), _NB - 1, jnp.int32),
                jnp.zeros((16,), jnp.bool_))
        _, cum_w, cum_s, w_c, s_c, c2, crossed = lax.while_loop(
            scan_cond, scan_body, init)
        w_c = jnp.where(crossed, w_c, cum_w)
        s_c = jnp.where(crossed, s_c, cum_s)

        tau = (c2 + 1).astype(jnp.float32) * _BINW
        x = (s_c + tau * (wb - w_c)) / wb
        yi = _MAGIC - (plsc.bitcast(x, jnp.int32) >> 1)
        y = plsc.bitcast(yi, jnp.float32)
        y = y * (1.5 - 0.5 * x * y * y)
        y = y * (1.5 - 0.5 * x * y * y)
        y = y * (1.5 - 0.5 * x * y * y)
        out_v[pl.ds(mi * 16, 16)] = x * y
        return 0

    lax.fori_loop(0, chunks, chunk_body, 0)
    pltpu.sync_copy(out_v, out_h.at[pl.ds(wid * rows_per, rows_per)])


_ITERS = 16


def _dtm_tc_kernel(x_ref, w_ref, g_ref, o_ref):
    B = x_ref.shape[0]
    Mt = g_ref.shape[0]
    gx = g_ref[:, 0:1]
    gy = g_ref[:, 1:2]
    for b in range(B):
        xx = x_ref[b, 0:1, :]
        xy = x_ref[b, 1:2, :]
        w = w_ref[b]
        wb = _M0 * jnp.sum(w)
        dx = gx - xx
        dy = gy - xy
        d2 = jnp.maximum(dx * dx + dy * dy, 1e-12)
        wd2 = w * d2
        lo = jnp.zeros((Mt, 1), jnp.float32)
        hi = jnp.full((Mt, 1), 8.5, jnp.float32)

        def body(_, carry):
            lo, hi = carry
            mid = 0.5 * (lo + hi)
            wsum = jnp.sum(jnp.where(d2 < mid, w, 0.0), axis=1, keepdims=True)
            pred = wsum < wb
            return jnp.where(pred, mid, lo), jnp.where(pred, hi, mid)

        lo, hi = jax.lax.fori_loop(0, _ITERS, body, (lo, hi))
        tau = 0.5 * (lo + hi)
        mask = d2 < tau
        wl = jnp.sum(jnp.where(mask, w, 0.0), axis=1, keepdims=True)
        sl = jnp.sum(jnp.where(mask, wd2, 0.0), axis=1, keepdims=True)
        o_ref[:, b : b + 1] = jnp.sqrt((sl + tau * (wb - wl)) / wb)


_M_SC = 1536


def kernel(input, weight, grid):
    B, N, _ = input.shape
    M = grid.shape[0]
    xx = input[:, :, 0]
    xy = input[:, :, 1]
    gx = grid[:_M_SC, 0]
    gy = grid[:_M_SC, 1]
    mesh = plsc.VectorSubcoreMesh(core_axis_name="c", subcore_axis_name="s")
    rows_per = _M_SC // 4
    run = pl.kernel(
        functools.partial(_dtm_sc_body, rows_per),
        mesh=mesh,
        compiler_params=pltpu.CompilerParams(
            needs_layout_passes=False, use_tc_tiling_on_sc=False),
        out_type=jax.ShapeDtypeStruct((B * _M_SC,), jnp.float32),
        scratch_types=[
            pltpu.VMEM((N,), jnp.float32),
            pltpu.VMEM((N,), jnp.float32),
            pltpu.VMEM((N,), jnp.float32),
            pltpu.VMEM((rows_per,), jnp.float32),
            pltpu.VMEM((rows_per,), jnp.float32),
            pltpu.VMEM((_NB * 16,), jnp.float32),
            pltpu.VMEM((_NB * 16,), jnp.float32),
            pltpu.VMEM((rows_per,), jnp.float32),
        ],
    )
    out_sc = run(xx, xy, weight, gx, gy).reshape(B, _M_SC)

    m_tc = M - _M_SC
    mt = 128
    x_t = jnp.swapaxes(input, 1, 2)
    w3 = weight[:, None, :]
    out_tc = pl.pallas_call(
        _dtm_tc_kernel,
        grid=(m_tc // mt,),
        in_specs=[
            pl.BlockSpec((B, 2, N), lambda m: (0, 0, 0)),
            pl.BlockSpec((B, 1, N), lambda m: (0, 0, 0)),
            pl.BlockSpec((mt, 2), lambda m: (m, 0)),
        ],
        out_specs=pl.BlockSpec((mt, B), lambda m: (m, 0)),
        out_shape=jax.ShapeDtypeStruct((m_tc, B), jnp.float32),
    )(x_t, w3, grid[_M_SC:])
    return jnp.concatenate([out_sc, out_tc.T], axis=1)

# --- scband reference (transcript-rebuilt; emitter-appended) ---
"""Pipeline reference for scband-topo-weight-layer-10325101379893 (READ-ONLY COPY).

The authoritative reference and input builder live on the scoring server;
editing this copy changes nothing except your own understanding.
"""

import jax, jax.numpy as jnp
import numpy as np

M0 = 0.3
SIZE = (48, 48)
LIMS = [[1.0, -1.0], [-1.0, 1.0]]


def _grid_by(lims, size):
    # faithful to grid_by: cartesian_prod of linspaces, then column swap [1,0] for the 2-D case
    axes = [np.linspace(s, e, n, dtype=np.float32) for (s, e), n in zip(lims, size)]
    mesh = np.meshgrid(*axes, indexing='ij')
    g = np.stack([m.ravel() for m in mesh], axis=-1)
    g = g[:, [1, 0]]
    return jnp.asarray(g)


def setup_inputs(seed: int = 0):
    key = jax.random.key(seed)
    k1, k2 = jax.random.split(key)
    B = 8
    N = SIZE[0] * SIZE[1]
    inp = jax.random.uniform(k1, (B, N, 2), dtype=jnp.float32) * 2.0 - 1.0
    weight = jax.random.uniform(k2, (B, N), dtype=jnp.float32) + 1e-3
    grid = _grid_by(LIMS, SIZE)
    return {"input": inp, "weight": weight, "grid": grid}


def _dtm_forward(inp, weight, grid, max_k):
    # knn(X, Y, max_k) with r=2, followed by dtm_using_knn(..., r=2)
    B, N, _ = inp.shape
    k_full = weight.shape[-1]
    weight_bound = M0 * jnp.sum(weight, -1, keepdims=True)  # [B, 1]
    # brute-force L2 distances via the expansion trick (same math as sqrt(sum((Xr-Yr)^2)))
    x2 = jnp.sum(inp * inp, -1)[:, :, None]
    y2 = jnp.sum(grid * grid, -1)[None, None, :]
    d2 = jnp.maximum(x2 + y2 - 2.0 * jnp.einsum('bnd,md->bnm', inp, grid), 1e-12)
    neg_dist = -jnp.sqrt(d2)               # [B, N(X), N(grid)]
    neg_dist = jnp.swapaxes(neg_dist, -1, -2)  # .mT : [B, N(grid), N(X)]
    nd_top, knn_index = jax.lax.top_k(neg_dist, k_full)
    knn_dist = -nd_top                     # [B, N, k]
    # gather weights of neighbors (torch.gather on expanded weight)
    knn_weight = jax.vmap(lambda w, ix: w[ix])(weight, knn_index)  # [B, N, k]
    cum_knn_weight = jnp.cumsum(knn_weight, -1)
    wb3 = weight_bound[:, :, None]          # [B, 1, 1]
    wb_rep = jnp.broadcast_to(wb3, (B, N, 1))
    k_index = jax.vmap(jax.vmap(lambda a, v: jnp.searchsorted(a, v)))(cum_knn_weight, wb_rep)  # [B, N, 1]
    k_index = jnp.clip(k_index, 0, max_k - 1)
    r_dist = knn_dist * knn_dist
    cum_dist = jnp.cumsum(r_dist * knn_weight, -1)
    gathered = jnp.take_along_axis(cum_dist + r_dist * (wb3 - cum_knn_weight), k_index, axis=-1)
    dtm_val = jnp.sqrt(gathered / wb3)
    return dtm_val[..., 0]


def reference(input, weight, grid):
    # adaptive max_k exactly as DTMLayer.dtm (computed under no_grad in torch)
    weight_bound = M0 * jnp.sum(weight, -1, keepdims=True)
    sorted_weight = jnp.sort(weight, -1)
    swc = jnp.cumsum(sorted_weight, -1)
    idx = jax.vmap(lambda a, v: jnp.searchsorted(a, v))(swc, weight_bound[:, 0])
    max_k = jnp.minimum(jnp.max(idx) + 1, weight.shape[-1])
    return _dtm_forward(input, weight, grid, max_k)

if __name__ == "__main__":
    import jax
    _d = setup_inputs()
    print(jax.jit(kernel)(*tuple(_d.values())))

</pallas_src>

<mosaic_0001>
#map = affine_map<(d0, d1) -> (0, 0)>
#map1 = affine_map<(d0, d1) -> (0)>
module attributes {stable_mosaic.version = 14 : i64} {
  func.func @_dtm_sc_body(%arg0: i32, %arg1: i32, %arg2: memref<8x2304xf32, #tpu.memory_space<hbm>>, %arg3: memref<8x2304xf32, #tpu.memory_space<hbm>>, %arg4: memref<8x2304xf32, #tpu.memory_space<hbm>>, %arg5: memref<1536xf32, #tpu.memory_space<hbm>>, %arg6: memref<1536xf32, #tpu.memory_space<hbm>>, %arg7: memref<12288xf32, #tpu.memory_space<hbm>>, %arg8: memref<2304xf32, #tpu.memory_space<vmem>>, %arg9: memref<2304xf32, #tpu.memory_space<vmem>>, %arg10: memref<2304xf32, #tpu.memory_space<vmem>>, %arg11: memref<384xf32, #tpu.memory_space<vmem>>, %arg12: memref<384xf32, #tpu.memory_space<vmem>>, %arg13: memref<6144xf32, #tpu.memory_space<vmem>>, %arg14: memref<6144xf32, #tpu.memory_space<vmem>>, %arg15: memref<384xf32, #tpu.memory_space<vmem>>) attributes {dimension_semantics = [#tpu.dimension_semantics<core_parallel>, #tpu.dimension_semantics<subcore_parallel>], iteration_bounds = array<i64: 2, 16>, scalar_prefetch = 0 : i64, scratch_operands = 8 : i64, tpu.core_type = #tpu.core_type<sc_vector_subcore>, window_params = [{transform_indices = #map}, {transform_indices = #map}, {transform_indices = #map}, {transform_indices = #map1}, {transform_indices = #map1}, {transform_indices = #map1}]} {
    %mul3A = arith.constant 2 : i32
    %mul3A_0 = arith.muli %arg1, %mul3A : i32
    %add3A = arith.addi %mul3A_0, %arg0 : i32
    %jit3A = arith.constant 4 : i32
    %div3A = arith.divsi %add3A, %jit3A : i32
    %sign3A = arith.constant 0 : i32
    %sign3A_1 = arith.cmpi sgt, %add3A, %sign3A : i32
    %sign3A_2 = arith.extui %sign3A_1 : i1 to i32
    %sign3A_3 = arith.constant 0 : i32
    %sign3A_4 = arith.cmpi slt, %add3A, %sign3A_3 : i32
    %sign3A_5 = arith.extui %sign3A_4 : i1 to i32
    %sign3A_6 = arith.subi %sign3A_2, %sign3A_5 : i32
    %sign3A_7 = arith.constant 0 : i32
    %sign3A_8 = arith.cmpi sgt, %jit3A, %sign3A_7 : i32
    %sign3A_9 = arith.extui %sign3A_8 : i1 to i32
    %sign3A_10 = arith.constant 0 : i32
    %sign3A_11 = arith.cmpi slt, %jit3A, %sign3A_10 : i32
    %sign3A_12 = arith.extui %sign3A_11 : i1 to i32
    %sign3A_13 = arith.subi %sign3A_9, %sign3A_12 : i32
    %ne3A = arith.cmpi ne, %sign3A_6, %sign3A_13 : i32
    %rem3A = arith.remsi %add3A, %jit3A : i32
    %ne3A_14 = arith.constant 0 : i32
    %ne3A_15 = arith.cmpi ne, %rem3A, %ne3A_14 : i32
    %and3A = arith.andi %ne3A, %ne3A_15 : i1
    %sub3A = arith.constant 1 : i32
    %sub3A_16 = arith.subi %div3A, %sub3A : i32
    %select_n3A = arith.select %and3A, %sub3A_16, %div3A : i32
    %jit3A_17 = arith.constant 4 : i32
    %eq3A = arith.constant 0 : i32
    %eq3A_18 = arith.cmpi eq, %jit3A_17, %eq3A : i32
    %jit3A_19 = arith.constant 1 : i32
    %select_n3A_20 = arith.select %eq3A_18, %jit3A_19, %jit3A_17 : i32
    %rem3A_21 = arith.remsi %add3A, %select_n3A_20 : i32
    %ne3A_22 = arith.constant 0 : i32
    %ne3A_23 = arith.cmpi ne, %rem3A_21, %ne3A_22 : i32
    %lt3A = arith.constant 0 : i32
    %lt3A_24 = arith.cmpi slt, %rem3A_21, %lt3A : i32
    %lt3A_25 = arith.constant 0 : i32
    %lt3A_26 = arith.cmpi slt, %select_n3A_20, %lt3A_25 : i32
    %ne3A_27 = arith.xori %lt3A_24, %lt3A_26 : i1
    %and3A_28 = arith.andi %ne3A_27, %ne3A_23 : i1
    %add3A_29 = arith.addi %rem3A_21, %select_n3A_20 : i32
    %select_n3A_30 = arith.select %and3A_28, %add3A_29, %rem3A_21 : i32
    %mul3A_31 = arith.constant 384 : i32
    %mul3A_32 = arith.muli %select_n3A_30, %mul3A_31 : i32
    "tpu.region"() ({
      %run_scoped3A = tpu.sem_alloc : memref<!tpu.dma_semaphore, #tpu.memory_space<semaphore_mem>>
      %dma_start3A = arith.constant 0 : i32
      %dma_start3A_95 = tpu.memref_slice %arg2[%select_n3A, %dma_start3A] : memref<8x2304xf32, #tpu.memory_space<hbm>> -> memref<1x2304xf32, #tpu.memory_space<hbm>>
      %dma_start3A_96 = tpu.memref_squeeze %dma_start3A_95 : memref<1x2304xf32, #tpu.memory_space<hbm>> -> memref<2304xf32, #tpu.memory_space<hbm>>
      %dma_start3A_97 = arith.constant 0 : i32
      %dma_start3A_98 = tpu.memref_slice %arg2[%select_n3A, %dma_start3A_97] : memref<8x2304xf32, #tpu.memory_space<hbm>> -> memref<1x2304xf32, #tpu.memory_space<hbm>>
      %dma_start3A_99 = tpu.memref_squeeze %dma_start3A_98 : memref<1x2304xf32, #tpu.memory_space<hbm>> -> memref<2304xf32, #tpu.memory_space<hbm>>
      tpu.enqueue_dma source(%dma_start3A_99 : memref<2304xf32, #tpu.memory_space<hbm>>) target(%arg8 : memref<2304xf32, #tpu.memory_space<vmem>>) target_semaphore(%run_scoped3A : memref<!tpu.dma_semaphore, #tpu.memory_space<semaphore_mem>>)
      %dma_wait3A = arith.constant 0 : i32
      %dma_wait3A_100 = tpu.memref_slice %arg2[%select_n3A, %dma_wait3A] : memref<8x2304xf32, #tpu.memory_space<hbm>> -> memref<1x2304xf32, #tpu.memory_space<hbm>>
      %dma_wait3A_101 = tpu.memref_squeeze %dma_wait3A_100 : memref<1x2304xf32, #tpu.memory_space<hbm>> -> memref<2304xf32, #tpu.memory_space<hbm>>
      %dma_wait3A_102 = arith.constant 0 : i32
      %dma_wait3A_103 = tpu.memref_slice %arg2[%select_n3A, %dma_wait3A_102] : memref<8x2304xf32, #tpu.memory_space<hbm>> -> memref<1x2304xf32, #tpu.memory_space<hbm>>
      %dma_wait3A_104 = tpu.memref_squeeze %dma_wait3A_103 : memref<1x2304xf32, #tpu.memory_space<hbm>> -> memref<2304xf32, #tpu.memory_space<hbm>>
      tpu.wait_dma2 semaphore(%run_scoped3A : memref<!tpu.dma_semaphore, #tpu.memory_space<semaphore_mem>>) src(%dma_wait3A_104 : memref<2304xf32, #tpu.memory_space<hbm>>) dst(%arg8 : memref<2304xf32, #tpu.memory_space<vmem>>)
      tpu.yield
    }) : () -> ()
    "tpu.region"() ({
      %run_scoped3A = tpu.sem_alloc : memref<!tpu.dma_semaphore, #tpu.memory_space<semaphore_mem>>
      %dma_start3A = arith.constant 0 : i32
      %dma_start3A_95 = tpu.memref_slice %arg3[%select_n3A, %dma_start3A] : memref<8x2304xf32, #tpu.memory_space<hbm>> -> memref<1x2304xf32, #tpu.memory_space<hbm>>
      %dma_start3A_96 = tpu.memref_squeeze %dma_start3A_95 : memref<1x2304xf32, #tpu.memory_space<hbm>> -> memref<2304xf32, #tpu.memory_space<hbm>>
      %dma_start3A_97 = arith.constant 0 : i32
      %dma_start3A_98 = tpu.memref_slice %arg3[%select_n3A, %dma_start3A_97] : memref<8x2304xf32, #tpu.memory_space<hbm>> -> memref<1x2304xf32, #tpu.memory_space<hbm>>
      %dma_start3A_99 = tpu.memref_squeeze %dma_start3A_98 : memref<1x2304xf32, #tpu.memory_space<hbm>> -> memref<2304xf32, #tpu.memory_space<hbm>>
      tpu.enqueue_dma source(%dma_start3A_99 : memref<2304xf32, #tpu.memory_space<hbm>>) target(%arg9 : memref<2304xf32, #tpu.memory_space<vmem>>) target_semaphore(%run_scoped3A : memref<!tpu.dma_semaphore, #tpu.memory_space<semaphore_mem>>)
      %dma_wait3A = arith.constant 0 : i32
      %dma_wait3A_100 = tpu.memref_slice %arg3[%select_n3A, %dma_wait3A] : memref<8x2304xf32, #tpu.memory_space<hbm>> -> memref<1x2304xf32, #tpu.memory_space<hbm>>
      %dma_wait3A_101 = tpu.memref_squeeze %dma_wait3A_100 : memref<1x2304xf32, #tpu.memory_space<hbm>> -> memref<2304xf32, #tpu.memory_space<hbm>>
      %dma_wait3A_102 = arith.constant 0 : i32
      %dma_wait3A_103 = tpu.memref_slice %arg3[%select_n3A, %dma_wait3A_102] : memref<8x2304xf32, #tpu.memory_space<hbm>> -> memref<1x2304xf32, #tpu.memory_space<hbm>>
      %dma_wait3A_104 = tpu.memref_squeeze %dma_wait3A_103 : memref<1x2304xf32, #tpu.memory_space<hbm>> -> memref<2304xf32, #tpu.memory_space<hbm>>
      tpu.wait_dma2 semaphore(%run_scoped3A : memref<!tpu.dma_semaphore, #tpu.memory_space<semaphore_mem>>) src(%dma_wait3A_104 : memref<2304xf32, #tpu.memory_space<hbm>>) dst(%arg9 : memref<2304xf32, #tpu.memory_space<vmem>>)
      tpu.yield
    }) : () -> ()
    "tpu.region"() ({
      %run_scoped3A = tpu.sem_alloc : memref<!tpu.dma_semaphore, #tpu.memory_space<semaphore_mem>>
      %dma_start3A = arith.constant 0 : i32
      %dma_start3A_95 = tpu.memref_slice %arg4[%select_n3A, %dma_start3A] : memref<8x2304xf32, #tpu.memory_space<hbm>> -> memref<1x2304xf32, #tpu.memory_space<hbm>>
      %dma_start3A_96 = tpu.memref_squeeze %dma_start3A_95 : memref<1x2304xf32, #tpu.memory_space<hbm>> -> memref<2304xf32, #tpu.memory_space<hbm>>
      %dma_start3A_97 = arith.constant 0 : i32
      %dma_start3A_98 = tpu.memref_slice %arg4[%select_n3A, %dma_start3A_97] : memref<8x2304xf32, #tpu.memory_space<hbm>> -> memref<1x2304xf32, #tpu.memory_space<hbm>>
      %dma_start3A_99 = tpu.memref_squeeze %dma_start3A_98 : memref<1x2304xf32, #tpu.memory_space<hbm>> -> memref<2304xf32, #tpu.memory_space<hbm>>
      tpu.enqueue_dma source(%dma_start3A_99 : memref<2304xf32, #tpu.memory_space<hbm>>) target(%arg10 : memref<2304xf32, #tpu.memory_space<vmem>>) target_semaphore(%run_scoped3A : memref<!tpu.dma_semaphore, #tpu.memory_space<semaphore_mem>>)
      %dma_wait3A = arith.constant 0 : i32
      %dma_wait3A_100 = tpu.memref_slice %arg4[%select_n3A, %dma_wait3A] : memref<8x2304xf32, #tpu.memory_space<hbm>> -> memref<1x2304xf32, #tpu.memory_space<hbm>>
      %dma_wait3A_101 = tpu.memref_squeeze %dma_wait3A_100 : memref<1x2304xf32, #tpu.memory_space<hbm>> -> memref<2304xf32, #tpu.memory_space<hbm>>
      %dma_wait3A_102 = arith.constant 0 : i32
      %dma_wait3A_103 = tpu.memref_slice %arg4[%select_n3A, %dma_wait3A_102] : memref<8x2304xf32, #tpu.memory_space<hbm>> -> memref<1x2304xf32, #tpu.memory_space<hbm>>
      %dma_wait3A_104 = tpu.memref_squeeze %dma_wait3A_103 : memref<1x2304xf32, #tpu.memory_space<hbm>> -> memref<2304xf32, #tpu.memory_space<hbm>>
      tpu.wait_dma2 semaphore(%run_scoped3A : memref<!tpu.dma_semaphore, #tpu.memory_space<semaphore_mem>>) src(%dma_wait3A_104 : memref<2304xf32, #tpu.memory_space<hbm>>) dst(%arg10 : memref<2304xf32, #tpu.memory_space<vmem>>)
      tpu.yield
    }) : () -> ()
    "tpu.region"() ({
      %run_scoped3A = tpu.sem_alloc : memref<!tpu.dma_semaphore, #tpu.memory_space<semaphore_mem>>
      %dma_start3A = tpu.memref_slice %arg5[%mul3A_32] : memref<1536xf32, #tpu.memory_space<hbm>> -> memref<384xf32, #tpu.memory_space<hbm>>
      %dma_start3A_95 = tpu.memref_slice %arg5[%mul3A_32] : memref<1536xf32, #tpu.memory_space<hbm>> -> memref<384xf32, #tpu.memory_space<hbm>>
      tpu.enqueue_dma source(%dma_start3A_95 : memref<384xf32, #tpu.memory_space<hbm>>) target(%arg11 : memref<384xf32, #tpu.memory_space<vmem>>) target_semaphore(%run_scoped3A : memref<!tpu.dma_semaphore, #tpu.memory_space<semaphore_mem>>)
      %dma_wait3A = tpu.memref_slice %arg5[%mul3A_32] : memref<1536xf32, #tpu.memory_space<hbm>> -> memref<384xf32, #tpu.memory_space<hbm>>
      %dma_wait3A_96 = tpu.memref_slice %arg5[%mul3A_32] : memref<1536xf32, #tpu.memory_space<hbm>> -> memref<384xf32, #tpu.memory_space<hbm>>
      tpu.wait_dma2 semaphore(%run_scoped3A : memref<!tpu.dma_semaphore, #tpu.memory_space<semaphore_mem>>) src(%dma_wait3A_96 : memref<384xf32, #tpu.memory_space<hbm>>) dst(%arg11 : memref<384xf32, #tpu.memory_space<vmem>>)
      tpu.yield
    }) : () -> ()
    "tpu.region"() ({
      %run_scoped3A = tpu.sem_alloc : memref<!tpu.dma_semaphore, #tpu.memory_space<semaphore_mem>>
      %dma_start3A = tpu.memref_slice %arg6[%mul3A_32] : memref<1536xf32, #tpu.memory_space<hbm>> -> memref<384xf32, #tpu.memory_space<hbm>>
      %dma_start3A_95 = tpu.memref_slice %arg6[%mul3A_32] : memref<1536xf32, #tpu.memory_space<hbm>> -> memref<384xf32, #tpu.memory_space<hbm>>
      tpu.enqueue_dma source(%dma_start3A_95 : memref<384xf32, #tpu.memory_space<hbm>>) target(%arg12 : memref<384xf32, #tpu.memory_space<vmem>>) target_semaphore(%run_scoped3A : memref<!tpu.dma_semaphore, #tpu.memory_space<semaphore_mem>>)
      %dma_wait3A = tpu.memref_slice %arg6[%mul3A_32] : memref<1536xf32, #tpu.memory_space<hbm>> -> memref<384xf32, #tpu.memory_space<hbm>>
      %dma_wait3A_96 = tpu.memref_slice %arg6[%mul3A_32] : memref<1536xf32, #tpu.memory_space<hbm>> -> memref<384xf32, #tpu.memory_space<hbm>>
      tpu.wait_dma2 semaphore(%run_scoped3A : memref<!tpu.dma_semaphore, #tpu.memory_space<semaphore_mem>>) src(%dma_wait3A_96 : memref<384xf32, #tpu.memory_space<hbm>>) dst(%arg12 : memref<384xf32, #tpu.memory_space<vmem>>)
      tpu.yield
    }) : () -> ()
    %broadcast_in_dim3A = arith.constant 0.000000e+00 : f32
    %broadcast_in_dim3A_33 = vector.broadcast %broadcast_in_dim3A : f32 to vector<16xf32>
    %iota3A = tpu.iota {dimensions = array<i32: 0>} : vector<16xi32>
    %scan3A = arith.constant 0 : i32
    %scan3A_34 = arith.constant 144 : i32
    %scan3A_35 = arith.addi %scan3A, %scan3A_34 : i32
    %scan3A_36 = arith.constant 1 : i32
    %scan3A_37 = scf.for %scan3A_95 = %scan3A to %scan3A_35 step %scan3A_36 iter_args(%scan3A_96 = %broadcast_in_dim3A_33) -> (vector<16xf32>)  : i32 {
      %mul3A_97 = arith.constant 16 : i32
      %mul3A_98 = arith.muli %scan3A_95, %mul3A_97 : i32
      %get3A = arith.index_cast %mul3A_98 : i32 to index
      %get3A_99 = tpu.vector_load %arg10[%get3A] {strides = array<i32>} : memref<2304xf32, #tpu.memory_space<vmem>>, vector<16xf32>,
      %add3A_100 = arith.addf %scan3A_96, %get3A_99 : vector<16xf32>
      scf.yield %add3A_100 : vector<16xf32>
    }
    %scan3A_38 = arith.constant 144 : i32
    %slice3A = vector.extract_strided_slice %scan3A_37 {offsets = [0], sizes = [1], strides = [1]} : vector<16xf32> to vector<1xf32>
    %squeeze3A = vector.extract %slice3A[0] : f32 from vector<1xf32>
    %slice3A_39 = vector.extract_strided_slice %scan3A_37 {offsets = [1], sizes = [1], strides = [1]} : vector<16xf32> to vector<1xf32>
    %squeeze3A_40 = vector.extract %slice3A_39[0] : f32 from vector<1xf32>
    %add3A_41 = arith.addf %squeeze3A, %squeeze3A_40 : f32
    %slice3A_42 = vector.extract_strided_slice %scan3A_37 {offsets = [2], sizes = [1], strides = [1]} : vector<16xf32> to vector<1xf32>
    %squeeze3A_43 = vector.extract %slice3A_42[0] : f32 from vector<1xf32>
    %add3A_44 = arith.addf %add3A_41, %squeeze3A_43 : f32
    %slice3A_45 = vector.extract_strided_slice %scan3A_37 {offsets = [3], sizes = [1], strides = [1]} : vector<16xf32> to vector<1xf32>
    %squeeze3A_46 = vector.extract %slice3A_45[0] : f32 from vector<1xf32>
    %add3A_47 = arith.addf %add3A_44, %squeeze3A_46 : f32
    %slice3A_48 = vector.extract_strided_slice %scan3A_37 {offsets = [4], sizes = [1], strides = [1]} : vector<16xf32> to vector<1xf32>
    %squeeze3A_49 = vector.extract %slice3A_48[0] : f32 from vector<1xf32>
    %add3A_50 = arith.addf %add3A_47, %squeeze3A_49 : f32
    %slice3A_51 = vector.extract_strided_slice %scan3A_37 {offsets = [5], sizes = [1], strides = [1]} : vector<16xf32> to vector<1xf32>
    %squeeze3A_52 = vector.extract %slice3A_51[0] : f32 from vector<1xf32>
    %add3A_53 = arith.addf %add3A_50, %squeeze3A_52 : f32
    %slice3A_54 = vector.extract_strided_slice %scan3A_37 {offsets = [6], sizes = [1], strides = [1]} : vector<16xf32> to vector<1xf32>
    %squeeze3A_55 = vector.extract %slice3A_54[0] : f32 from vector<1xf32>
    %add3A_56 = arith.addf %add3A_53, %squeeze3A_55 : f32
    %slice3A_57 = vector.extract_strided_slice %scan3A_37 {offsets = [7], sizes = [1], strides = [1]} : vector<16xf32> to vector<1xf32>
    %squeeze3A_58 = vector.extract %slice3A_57[0] : f32 from vector<1xf32>
    %add3A_59 = arith.addf %add3A_56, %squeeze3A_58 : f32
    %slice3A_60 = vector.extract_strided_slice %scan3A_37 {offsets = [8], sizes = [1], strides = [1]} : vector<16xf32> to vector<1xf32>
    %squeeze3A_61 = vector.extract %slice3A_60[0] : f32 from vector<1xf32>
    %add3A_62 = arith.addf %add3A_59, %squeeze3A_61 : f32
    %slice3A_63 = vector.extract_strided_slice %scan3A_37 {offsets = [9], sizes = [1], strides = [1]} : vector<16xf32> to vector<1xf32>
    %squeeze3A_64 = vector.extract %slice3A_63[0] : f32 from vector<1xf32>
    %add3A_65 = arith.addf %add3A_62, %squeeze3A_64 : f32
    %slice3A_66 = vector.extract_strided_slice %scan3A_37 {offsets = [10], sizes = [1], strides = [1]} : vector<16xf32> to vector<1xf32>
    %squeeze3A_67 = vector.extract %slice3A_66[0] : f32 from vector<1xf32>
    %add3A_68 = arith.addf %add3A_65, %squeeze3A_67 : f32
    %slice3A_69 = vector.extract_strided_slice %scan3A_37 {offsets = [11], sizes = [1], strides = [1]} : vector<16xf32> to vector<1xf32>
    %squeeze3A_70 = vector.extract %slice3A_69[0] : f32 from vector<1xf32>
    %add3A_71 = arith.addf %add3A_68, %squeeze3A_70 : f32
    %slice3A_72 = vector.extract_strided_slice %scan3A_37 {offsets = [12], sizes = [1], strides = [1]} : vector<16xf32> to vector<1xf32>
    %squeeze3A_73 = vector.extract %slice3A_72[0] : f32 from vector<1xf32>
    %add3A_74 = arith.addf %add3A_71, %squeeze3A_73 : f32
    %slice3A_75 = vector.extract_strided_slice %scan3A_37 {offsets = [13], sizes = [1], strides = [1]} : vector<16xf32> to vector<1xf32>
    %squeeze3A_76 = vector.extract %slice3A_75[0] : f32 from vector<1xf32>
    %add3A_77 = arith.addf %add3A_74, %squeeze3A_76 : f32
    %slice3A_78 = vector.extract_strided_slice %scan3A_37 {offsets = [14], sizes = [1], strides = [1]} : vector<16xf32> to vector<1xf32>
    %squeeze3A_79 = vector.extract %slice3A_78[0] : f32 from vector<1xf32>
    %add3A_80 = arith.addf %add3A_77, %squeeze3A_79 : f32
    %slice3A_81 = vector.extract_strided_slice %scan3A_37 {offsets = [15], sizes = [1], strides = [1]} : vector<16xf32> to vector<1xf32>
    %squeeze3A_82 = vector.extract %slice3A_81[0] : f32 from vector<1xf32>
    %add3A_83 = arith.addf %add3A_80, %squeeze3A_82 : f32
    %mul3A_84 = arith.constant 3.000000e-01 : f32
    %mul3A_85 = arith.mulf %mul3A_84, %add3A_83 : f32
    %scan3A_86 = arith.constant 0 : i32
    %scan3A_87 = arith.constant 0 : i32
    %scan3A_88 = arith.constant 24 : i32
    %scan3A_89 = arith.addi %scan3A_87, %scan3A_88 : i32
    %scan3A_90 = arith.constant 1 : i32
    %scan3A_91 = scf.for %scan3A_95 = %scan3A_87 to %scan3A_89 step %scan3A_90 iter_args(%scan3A_96 = %scan3A_86) -> (i32)  : i32 {
      %mul3A_97 = arith.constant 16 : i32
      %mul3A_98 = arith.muli %scan3A_95, %mul3A_97 : i32
      %get3A = arith.index_cast %mul3A_98 : i32 to index
      %get3A_99 = tpu.vector_load %arg11[%get3A] {strides = array<i32>} : memref<384xf32, #tpu.memory_space<vmem>>, vector<16xf32>,
      %mul3A_100 = arith.constant 16 : i32
      %mul3A_101 = arith.muli %scan3A_95, %mul3A_100 : i32
      %get3A_102 = arith.index_cast %mul3A_101 : i32 to index
      %get3A_103 = tpu.vector_load %arg12[%get3A_102] {strides = array<i32>} : memref<384xf32, #tpu.memory_space<vmem>>, vector<16xf32>,
      %parallel_loop3A = arith.constant 0 : i32
      %parallel_loop3A_104 = arith.constant 384 : i32
      %parallel_loop3A_105 = arith.constant 1 : i32
      scf.for %parallel_loop3A_166 = %parallel_loop3A to %parallel_loop3A_104 step %parallel_loop3A_105  : i32 {
        %parallel_loop3A_167 = arith.constant 16 : i32
        %parallel_loop3A_168 = arith.muli %parallel_loop3A_166, %parallel_loop3A_167 : i32
        %parallel_loop3A_169 = arith.index_cast %parallel_loop3A_168 : i32 to index
        %parallel_loop3A_170 = tpu.vector_load %arg13[%parallel_loop3A_169] {strides = array<i32>} : memref<6144xf32, #tpu.memory_space<vmem>>, vector<16xf32>,
        tpu.vector_store %arg13[%parallel_loop3A_169], %broadcast_in_dim3A_33 {strides = array<i32>} : memref<6144xf32, #tpu.memory_space<vmem>>, vector<16xf32>,
        %parallel_loop3A_171 = arith.constant 16 : i32
        %parallel_loop3A_172 = arith.muli %parallel_loop3A_166, %parallel_loop3A_171 : i32
        %parallel_loop3A_173 = arith.index_cast %parallel_loop3A_172 : i32 to index
        %parallel_loop3A_174 = tpu.vector_load %arg14[%parallel_loop3A_173] {strides = array<i32>} : memref<6144xf32, #tpu.memory_space<vmem>>, vector<16xf32>,
        tpu.vector_store %arg14[%parallel_loop3A_173], %broadcast_in_dim3A_33 {strides = array<i32>} : memref<6144xf32, #tpu.memory_space<vmem>>, vector<16xf32>,
      } {sc.loop_unroll_factor = 8 : i64, sc.parallel_access}
      %parallel_loop3A_106 = arith.constant 0 : i32
      %parallel_loop3A_107 = arith.constant 144 : i32
      %parallel_loop3A_108 = arith.constant 1 : i32
      scf.for %parallel_loop3A_166 = %parallel_loop3A_106 to %parallel_loop3A_107 step %parallel_loop3A_108  : i32 {
        %parallel_loop3A_167 = arith.constant 16 : i32
        %parallel_loop3A_168 = arith.muli %parallel_loop3A_166, %parallel_loop3A_167 : i32
        %parallel_loop3A_169 = arith.index_cast %parallel_loop3A_168 : i32 to index
        %parallel_loop3A_170 = tpu.vector_load %arg8[%parallel_loop3A_169] {strides = array<i32>} : memref<2304xf32, #tpu.memory_space<vmem>>, vector<16xf32>,
        %parallel_loop3A_171 = arith.index_cast %parallel_loop3A_168 : i32 to index
        %parallel_loop3A_172 = tpu.vector_load %arg9[%parallel_loop3A_171] {strides = array<i32>} : memref<2304xf32, #tpu.memory_space<vmem>>, vector<16xf32>,
        %parallel_loop3A_173 = arith.index_cast %parallel_loop3A_168 : i32 to index
        %parallel_loop3A_174 = tpu.vector_load %arg10[%parallel_loop3A_173] {strides = array<i32>} : memref<2304xf32, #tpu.memory_space<vmem>>, vector<16xf32>,
        %parallel_loop3A_175 = vector.extract_strided_slice %parallel_loop3A_170 {offsets = [0], sizes = [1], strides = [1]} : vector<16xf32> to vector<1xf32>
        %parallel_loop3A_176 = vector.extract %parallel_loop3A_175[0] : f32 from vector<1xf32>
        %parallel_loop3A_177 = vector.broadcast %parallel_loop3A_176 : f32 to vector<16xf32>
        %parallel_loop3A_178 = arith.subf %get3A_99, %parallel_loop3A_177 : vector<16xf32>
        %parallel_loop3A_179 = vector.extract_strided_slice %parallel_loop3A_172 {offsets = [0], sizes = [1], strides = [1]} : vector<16xf32> to vector<1xf32>
        %parallel_loop3A_180 = vector.extract %parallel_loop3A_179[0] : f32 from vector<1xf32>
        %parallel_loop3A_181 = vector.broadcast %parallel_loop3A_180 : f32 to vector<16xf32>
        %parallel_loop3A_182 = arith.subf %get3A_103, %parallel_loop3A_181 : vector<16xf32>
        %parallel_loop3A_183 = arith.mulf %parallel_loop3A_178, %parallel_loop3A_178 : vector<16xf32>
        %parallel_loop3A_184 = arith.mulf %parallel_loop3A_182, %parallel_loop3A_182 : vector<16xf32>
        %parallel_loop3A_185 = arith.addf %parallel_loop3A_183, %parallel_loop3A_184 : vector<16xf32>
        %parallel_loop3A_186 = arith.constant 9.99999996E-13 : f32
        %parallel_loop3A_187 = vector.broadcast %parallel_loop3A_186 : f32 to vector<16xf32>
        %parallel_loop3A_188 = arith.maximumf %parallel_loop3A_185, %parallel_loop3A_187 : vector<16xf32>
        %parallel_loop3A_189 = vector.extract_strided_slice %parallel_loop3A_174 {offsets = [0], sizes = [1], strides = [1]} : vector<16xf32> to vector<1xf32>
        %parallel_loop3A_190 = vector.extract %parallel_loop3A_189[0] : f32 from vector<1xf32>
        %parallel_loop3A_191 = vector.broadcast %parallel_loop3A_190 : f32 to vector<16xf32>
        %parallel_loop3A_192 = arith.constant 45.1764717 : f32
        %parallel_loop3A_193 = vector.broadcast %parallel_loop3A_192 : f32 to vector<16xf32>
        %parallel_loop3A_194 = arith.mulf %parallel_loop3A_188, %parallel_loop3A_193 : vector<16xf32>
        %parallel_loop3A_195 = arith.fptosi %parallel_loop3A_194 : vector<16xf32> to vector<16xi32>
        %parallel_loop3A_196 = arith.constant 383 : i32
        %parallel_loop3A_197 = vector.broadcast %parallel_loop3A_196 : i32 to vector<16xi32>
        %parallel_loop3A_198 = arith.minsi %parallel_loop3A_195, %parallel_loop3A_197 : vector<16xi32>
        %parallel_loop3A_199 = arith.constant 16 : i32
        %parallel_loop3A_200 = vector.broadcast %parallel_loop3A_199 : i32 to vector<16xi32>
        %parallel_loop3A_201 = arith.muli %parallel_loop3A_198, %parallel_loop3A_200 : vector<16xi32>
        %parallel_loop3A_202 = arith.addi %parallel_loop3A_201, %iota3A : vector<16xi32>
        tpu.vector_store_idx %arg13[%parallel_loop3A_202], %parallel_loop3A_191 {add = true} : memref<6144xf32, #tpu.memory_space<vmem>>[vector<16xi32>], vector<16xf32>,
        %parallel_loop3A_203 = arith.mulf %parallel_loop3A_191, %parallel_loop3A_188 : vector<16xf32>
        tpu.vector_store_idx %arg14[%parallel_loop3A_202], %parallel_loop3A_203 {add = true} : memref<6144xf32, #tpu.memory_space<vmem>>[vector<16xi32>], vector<16xf32>,
        %parallel_loop3A_204 = vector.extract_strided_slice %parallel_loop3A_170 {offsets = [1], sizes = [1], strides = [1]} : vector<16xf32> to vector<1xf32>
        %parallel_loop3A_205 = vector.extract %parallel_loop3A_204[0] : f32 from vector<1xf32>
        %parallel_loop3A_206 = vector.broadcast %parallel_loop3A_205 : f32 to vector<16xf32>
        %parallel_loop3A_207 = arith.subf %get3A_99, %parallel_loop3A_206 : vector<16xf32>
        %parallel_loop3A_208 = vector.extract_strided_slice %parallel_loop3A_172 {offsets = [1], sizes = [1], strides = [1]} : vector<16xf32> to vector<1xf32>
        %parallel_loop3A_209 = vector.extract %parallel_loop3A_208[0] : f32 from vector<1xf32>
        %parallel_loop3A_210 = vector.broadcast %parallel_loop3A_209 : f32 to vector<16xf32>
        %parallel_loop3A_211 = arith.subf %get3A_103, %parallel_loop3A_210 : vector<16xf32>
        %parallel_loop3A_212 = arith.mulf %parallel_loop3A_207, %parallel_loop3A_207 : vector<16xf32>
        %parallel_loop3A_213 = arith.mulf %parallel_loop3A_211, %parallel_loop3A_211 : vector<16xf32>
        %parallel_loop3A_214 = arith.addf %parallel_loop3A_212, %parallel_loop3A_213 : vector<16xf32>
        %parallel_loop3A_215 = arith.constant 9.99999996E-13 : f32
        %parallel_loop3A_216 = vector.broadcast %parallel_loop3A_215 : f32 to vector<16xf32>
        %parallel_loop3A_217 = arith.maximumf %parallel_loop3A_214, %parallel_loop3A_216 : vector<16xf32>
        %parallel_loop3A_218 = vector.extract_strided_slice %parallel_loop3A_174 {offsets = [1], sizes = [1], strides = [1]} : vector<16xf32> to vector<1xf32>
        %parallel_loop3A_219 = vector.extract %parallel_loop3A_218[0] : f32 from vector<1xf32>
        %parallel_loop3A_220 = vector.broadcast %parallel_loop3A_219 : f32 to vector<16xf32>
        %parallel_loop3A_221 = arith.constant 45.1764717 : f32
        %parallel_loop3A_222 = vector.broadcast %parallel_loop3A_221 : f32 to vector<16xf32>
        %parallel_loop3A_223 = arith.mulf %parallel_loop3A_217, %parallel_loop3A_222 : vector<16xf32>
        %parallel_loop3A_224 = arith.fptosi %parallel_loop3A_223 : vector<16xf32> to vector<16xi32>
        %parallel_loop3A_225 = arith.constant 383 : i32
        %parallel_loop3A_226 = vector.broadcast %parallel_loop3A_225 : i32 to vector<16xi32>
        %parallel_loop3A_227 = arith.minsi %parallel_loop3A_224, %parallel_loop3A_226 : vector<16xi32>
        %parallel_loop3A_228 = arith.constant 16 : i32
        %parallel_loop3A_229 = vector.broadcast %parallel_loop3A_228 : i32 to vector<16xi32>
        %parallel_loop3A_230 = arith.muli %parallel_loop3A_227, %parallel_loop3A_229 : vector<16xi32>
        %parallel_loop3A_231 = arith.addi %parallel_loop3A_230, %iota3A : vector<16xi32>
        tpu.vector_store_idx %arg13[%parallel_loop3A_231], %parallel_loop3A_220 {add = true} : memref<6144xf32, #tpu.memory_space<vmem>>[vector<16xi32>], vector<16xf32>,
        %parallel_loop3A_232 = arith.mulf %parallel_loop3A_220, %parallel_loop3A_217 : vector<16xf32>
        tpu.vector_store_idx %arg14[%parallel_loop3A_231], %parallel_loop3A_232 {add = true} : memref<6144xf32, #tpu.memory_space<vmem>>[vector<16xi32>], vector<16xf32>,
        %parallel_loop3A_233 = vector.extract_strided_slice %parallel_loop3A_170 {offsets = [2], sizes = [1], strides = [1]} : vector<16xf32> to vector<1xf32>
        %parallel_loop3A_234 = vector.extract %parallel_loop3A_233[0] : f32 from vector<1xf32>
        %parallel_loop3A_235 = vector.broadcast %parallel_loop3A_234 : f32 to vector<16xf32>
        %parallel_loop3A_236 = arith.subf %get3A_99, %parallel_loop3A_235 : vector<16xf32>
        %parallel_loop3A_237 = vector.extract_strided_slice %parallel_loop3A_172 {offsets = [2], sizes = [1], strides = [1]} : vector<16xf32> to vector<1xf32>
        %parallel_loop3A_238 = vector.extract %parallel_loop3A_237[0] : f32 from vector<1xf32>
        %parallel_loop3A_239 = vector.broadcast %parallel_loop3A_238 : f32 to vector<16xf32>
        %parallel_loop3A_240 = arith.subf %get3A_103, %parallel_loop3A_239 : vector<16xf32>
        %parallel_loop3A_241 = arith.mulf %parallel_loop3A_236, %parallel_loop3A_236 : vector<16xf32>
        %parallel_loop3A_242 = arith.mulf %parallel_loop3A_240, %parallel_loop3A_240 : vector<16xf32>
        %parallel_loop3A_243 = arith.addf %parallel_loop3A_241, %parallel_loop3A_242 : vector<16xf32>
        %parallel_loop3A_244 = arith.constant 9.99999996E-13 : f32
        %parallel_loop3A_245 = vector.broadcast %parallel_loop3A_244 : f32 to vector<16xf32>
        %parallel_loop3A_246 = arith.maximumf %parallel_loop3A_243, %parallel_loop3A_245 : vector<16xf32>
        %parallel_loop3A_247 = vector.extract_strided_slice %parallel_loop3A_174 {offsets = [2], sizes = [1], strides = [1]} : vector<16xf32> to vector<1xf32>
        %parallel_loop3A_248 = vector.extract %parallel_loop3A_247[0] : f32 from vector<1xf32>
        %parallel_loop3A_249 = vector.broadcast %parallel_loop3A_248 : f32 to vector<16xf32>
        %parallel_loop3A_250 = arith.constant 45.1764717 : f32
        %parallel_loop3A_251 = vector.broadcast %parallel_loop3A_250 : f32 to vector<16xf32>
        %parallel_loop3A_252 = arith.mulf %parallel_loop3A_246, %parallel_loop3A_251 : vector<16xf32>
        %parallel_loop3A_253 = arith.fptosi %parallel_loop3A_252 : vector<16xf32> to vector<16xi32>
        %parallel_loop3A_254 = arith.constant 383 : i32
        %parallel_loop3A_255 = vector.broadcast %parallel_loop3A_254 : i32 to vector<16xi32>
        %parallel_loop3A_256 = arith.minsi %parallel_loop3A_253, %parallel_loop3A_255 : vector<16xi32>
        %parallel_loop3A_257 = arith.constant 16 : i32
        %parallel_loop3A_258 = vector.broadcast %parallel_loop3A_257 : i32 to vector<16xi32>
        %parallel_loop3A_259 = arith.muli %parallel_loop3A_256, %parallel_loop3A_258 : vector<16xi32>
        %parallel_loop3A_260 = arith.addi %parallel_loop3A_259, %iota3A : vector<16xi32>
        tpu.vector_store_idx %arg13[%parallel_loop3A_260], %parallel_loop3A_249 {add = true} : memref<6144xf32, #tpu.memory_space<vmem>>[vector<16xi32>], vector<16xf32>,
        %parallel_loop3A_261 = arith.mulf %parallel_loop3A_249, %parallel_loop3A_246 : vector<16xf32>
        tpu.vector_store_idx %arg14[%parallel_loop3A_260], %parallel_loop3A_261 {add = true} : memref<6144xf32, #tpu.memory_space<vmem>>[vector<16xi32>], vector<16xf32>,
        %parallel_loop3A_262 = vector.extract_strided_slice %parallel_loop3A_170 {offsets = [3], sizes = [1], strides = [1]} : vector<16xf32> to vector<1xf32>
        %parallel_loop3A_263 = vector.extract %parallel_loop3A_262[0] : f32 from vector<1xf32>
        %parallel_loop3A_264 = vector.broadcast %parallel_loop3A_263 : f32 to vector<16xf32>
        %parallel_loop3A_265 = arith.subf %get3A_99, %parallel_loop3A_264 : vector<16xf32>
        %parallel_loop3A_266 = vector.extract_strided_slice %parallel_loop3A_172 {offsets = [3], sizes = [1], strides = [1]} : vector<16xf32> to vector<1xf32>
        %parallel_loop3A_267 = vector.extract %parallel_loop3A_266[0] : f32 from vector<1xf32>
        %parallel_loop3A_268 = vector.broadcast %parallel_loop3A_267 : f32 to vector<16xf32>
        %parallel_loop3A_269 = arith.subf %get3A_103, %parallel_loop3A_268 : vector<16xf32>
        %parallel_loop3A_270 = arith.mulf %parallel_loop3A_265, %parallel_loop3A_265 : vector<16xf32>
        %parallel_loop3A_271 = arith.mulf %parallel_loop3A_269, %parallel_loop3A_269 : vector<16xf32>
        %parallel_loop3A_272 = arith.addf %parallel_loop3A_270, %parallel_loop3A_271 : vector<16xf32>
        %parallel_loop3A_273 = arith.constant 9.99999996E-13 : f32
        %parallel_loop3A_274 = vector.broadcast %parallel_loop3A_273 : f32 to vector<16xf32>
        %parallel_loop3A_275 = arith.maximumf %parallel_loop3A_272, %parallel_loop3A_274 : vector<16xf32>
        %parallel_loop3A_276 = vector.extract_strided_slice %parallel_loop3A_174 {offsets = [3], sizes = [1], strides = [1]} : vector<16xf32> to vector<1xf32>
        %parallel_loop3A_277 = vector.extract %parallel_loop3A_276[0] : f32 from vector<1xf32>
        %parallel_loop3A_278 = vector.broadcast %parallel_loop3A_277 : f32 to vector<16xf32>
        %parallel_loop3A_279 = arith.constant 45.1764717 : f32
        %parallel_loop3A_280 = vector.broadcast %parallel_loop3A_279 : f32 to vector<16xf32>
        %parallel_loop3A_281 = arith.mulf %parallel_loop3A_275, %parallel_loop3A_280 : vector<16xf32>
        %parallel_loop3A_282 = arith.fptosi %parallel_loop3A_281 : vector<16xf32> to vector<16xi32>
        %parallel_loop3A_283 = arith.constant 383 : i32
        %parallel_loop3A_284 = vector.broadcast %parallel_loop3A_283 : i32 to vector<16xi32>
        %parallel_loop3A_285 = arith.minsi %parallel_loop3A_282, %parallel_loop3A_284 : vector<16xi32>
        %parallel_loop3A_286 = arith.constant 16 : i32
        %parallel_loop3A_287 = vector.broadcast %parallel_loop3A_286 : i32 to vector<16xi32>
        %parallel_loop3A_288 = arith.muli %parallel_loop3A_285, %parallel_loop3A_287 : vector<16xi32>
        %parallel_loop3A_289 = arith.addi %parallel_loop3A_288, %iota3A : vector<16xi32>
        tpu.vector_store_idx %arg13[%parallel_loop3A_289], %parallel_loop3A_278 {add = true} : memref<6144xf32, #tpu.memory_space<vmem>>[vector<16xi32>], vector<16xf32>,
        %parallel_loop3A_290 = arith.mulf %parallel_loop3A_278, %parallel_loop3A_275 : vector<16xf32>
        tpu.vector_store_idx %arg14[%parallel_loop3A_289], %parallel_loop3A_290 {add = true} : memref<6144xf32, #tpu.memory_space<vmem>>[vector<16xi32>], vector<16xf32>,
        %parallel_loop3A_291 = vector.extract_strided_slice %parallel_loop3A_170 {offsets = [4], sizes = [1], strides = [1]} : vector<16xf32> to vector<1xf32>
        %parallel_loop3A_292 = vector.extract %parallel_loop3A_291[0] : f32 from vector<1xf32>
        %parallel_loop3A_293 = vector.broadcast %parallel_loop3A_292 : f32 to vector<16xf32>
        %parallel_loop3A_294 = arith.subf %get3A_99, %parallel_loop3A_293 : vector<16xf32>
        %parallel_loop3A_295 = vector.extract_strided_slice %parallel_loop3A_172 {offsets = [4], sizes = [1], strides = [1]} : vector<16xf32> to vector<1xf32>
        %parallel_loop3A_296 = vector.extract %parallel_loop3A_295[0] : f32 from vector<1xf32>
        %parallel_loop3A_297 = vector.broadcast %parallel_loop3A_296 : f32 to vector<16xf32>
        %parallel_loop3A_298 = arith.subf %get3A_103, %parallel_loop3A_297 : vector<16xf32>
        %parallel_loop3A_299 = arith.mulf %parallel_loop3A_294, %parallel_loop3A_294 : vector<16xf32>
        %parallel_loop3A_300 = arith.mulf %parallel_loop3A_298, %parallel_loop3A_298 : vector<16xf32>
        %parallel_loop3A_301 = arith.addf %parallel_loop3A_299, %parallel_loop3A_300 : vector<16xf32>
        %parallel_loop3A_302 = arith.constant 9.99999996E-13 : f32
        %parallel_loop3A_303 = vector.broadcast %parallel_loop3A_302 : f32 to vector<16xf32>
        %parallel_loop3A_304 = arith.maximumf %parallel_loop3A_301, %parallel_loop3A_303 : vector<16xf32>
        %parallel_loop3A_305 = vector.extract_strided_slice %parallel_loop3A_174 {offsets = [4], sizes = [1], strides = [1]} : vector<16xf32> to vector<1xf32>
        %parallel_loop3A_306 = vector.extract %parallel_loop3A_305[0] : f32 from vector<1xf32>
        %parallel_loop3A_307 = vector.broadcast %parallel_loop3A_306 : f32 to vector<16xf32>
        %parallel_loop3A_308 = arith.constant 45.1764717 : f32
        %parallel_loop3A_309 = vector.broadcast %parallel_loop3A_308 : f32 to vector<16xf32>
        %parallel_loop3A_310 = arith.mulf %parallel_loop3A_304, %parallel_loop3A_309 : vector<16xf32>
        %parallel_loop3A_311 = arith.fptosi %parallel_loop3A_310 : vector<16xf32> to vector<16xi32>
        %parallel_loop3A_312 = arith.constant 383 : i32
        %parallel_loop3A_313 = vector.broadcast %parallel_loop3A_312 : i32 to vector<16xi32>
        %parallel_loop3A_314 = arith.minsi %parallel_loop3A_311, %parallel_loop3A_313 : vector<16xi32>
        %parallel_loop3A_315 = arith.constant 16 : i32
        %parallel_loop3A_316 = vector.broadcast %parallel_loop3A_315 : i32 to vector<16xi32>
        %parallel_loop3A_317 = arith.muli %parallel_loop3A_314, %parallel_loop3A_316 : vector<16xi32>
        %parallel_loop3A_318 = arith.addi %parallel_loop3A_317, %iota3A : vector<16xi32>
        tpu.vector_store_idx %arg13[%parallel_loop3A_318], %parallel_loop3A_307 {add = true} : memref<6144xf32, #tpu.memory_space<vmem>>[vector<16xi32>], vector<16xf32>,
        %parallel_loop3A_319 = arith.mulf %parallel_loop3A_307, %parallel_loop3A_304 : vector<16xf32>
        tpu.vector_store_idx %arg14[%parallel_loop3A_318], %parallel_loop3A_319 {add = true} : memref<6144xf32, #tpu.memory_space<vmem>>[vector<16xi32>], vector<16xf32>,
        %parallel_loop3A_320 = vector.extract_strided_slice %parallel_loop3A_170 {offsets = [5], sizes = [1], strides = [1]} : vector<16xf32> to vector<1xf32>
        %parallel_loop3A_321 = vector.extract %parallel_loop3A_320[0] : f32 from vector<1xf32>
        %parallel_loop3A_322 = vector.broadcast %parallel_loop3A_321 : f32 to vector<16xf32>
        %parallel_loop3A_323 = arith.subf %get3A_99, %parallel_loop3A_322 : vector<16xf32>
        %parallel_loop3A_324 = vector.extract_strided_slice %parallel_loop3A_172 {offsets = [5], sizes = [1], strides = [1]} : vector<16xf32> to vector<1xf32>
        %parallel_loop3A_325 = vector.extract %parallel_loop3A_324[0] : f32 from vector<1xf32>
        %parallel_loop3A_326 = vector.broadcast %parallel_loop3A_325 : f32 to vector<16xf32>
        %parallel_loop3A_327 = arith.subf %get3A_103, %parallel_loop3A_326 : vector<16xf32>
        %parallel_loop3A_328 = arith.mulf %parallel_loop3A_323, %parallel_loop3A_323 : vector<16xf32>
        %parallel_loop3A_329 = arith.mulf %parallel_loop3A_327, %parallel_loop3A_327 : vector<16xf32>
        %parallel_loop3A_330 = arith.addf %parallel_loop3A_328, %parallel_loop3A_329 : vector<16xf32>
        %parallel_loop3A_331 = arith.constant 9.99999996E-13 : f32
        %parallel_loop3A_332 = vector.broadcast %parallel_loop3A_331 : f32 to vector<16xf32>
        %parallel_loop3A_333 = arith.maximumf %parallel_loop3A_330, %parallel_loop3A_332 : vector<16xf32>
        %parallel_loop3A_334 = vector.extract_strided_slice %parallel_loop3A_174 {offsets = [5], sizes = [1], strides = [1]} : vector<16xf32> to vector<1xf32>
        %parallel_loop3A_335 = vector.extract %parallel_loop3A_334[0] : f32 from vector<1xf32>
        %parallel_loop3A_336 = vector.broadcast %parallel_loop3A_335 : f32 to vector<16xf32>
        %parallel_loop3A_337 = arith.constant 45.1764717 : f32
        %parallel_loop3A_338 = vector.broadcast %parallel_loop3A_337 : f32 to vector<16xf32>
        %parallel_loop3A_339 = arith.mulf %parallel_loop3A_333, %parallel_loop3A_338 : vector<16xf32>
        %parallel_loop3A_340 = arith.fptosi %parallel_loop3A_339 : vector<16xf32> to vector<16xi32>
        %parallel_loop3A_341 = arith.constant 383 : i32
        %parallel_loop3A_342 = vector.broadcast %parallel_loop3A_341 : i32 to vector<16xi32>
        %parallel_loop3A_343 = arith.minsi %parallel_loop3A_340, %parallel_loop3A_342 : vector<16xi32>
        %parallel_loop3A_344 = arith.constant 16 : i32
        %parallel_loop3A_345 = vector.broadcast %parallel_loop3A_344 : i32 to vector<16xi32>
        %parallel_loop3A_346 = arith.muli %parallel_loop3A_343, %parallel_loop3A_345 : vector<16xi32>
        %parallel_loop3A_347 = arith.addi %parallel_loop3A_346, %iota3A : vector<16xi32>
        tpu.vector_store_idx %arg13[%parallel_loop3A_347], %parallel_loop3A_336 {add = true} : memref<6144xf32, #tpu.memory_space<vmem>>[vector<16xi32>], vector<16xf32>,
        %parallel_loop3A_348 = arith.mulf %parallel_loop3A_336, %parallel_loop3A_333 : vector<16xf32>
        tpu.vector_store_idx %arg14[%parallel_loop3A_347], %parallel_loop3A_348 {add = true} : memref<6144xf32, #tpu.memory_space<vmem>>[vector<16xi32>], vector<16xf32>,
        %parallel_loop3A_349 = vector.extract_strided_slice %parallel_loop3A_170 {offsets = [6], sizes = [1], strides = [1]} : vector<16xf32> to vector<1xf32>
        %parallel_loop3A_350 = vector.extract %parallel_loop3A_349[0] : f32 from vector<1xf32>
        %parallel_loop3A_351 = vector.broadcast %parallel_loop3A_350 : f32 to vector<16xf32>
        %parallel_loop3A_352 = arith.subf %get3A_99, %parallel_loop3A_351 : vector<16xf32>
        %parallel_loop3A_353 = vector.extract_strided_slice %parallel_loop3A_172 {offsets = [6], sizes = [1], strides = [1]} : vector<16xf32> to vector<1xf32>
        %parallel_loop3A_354 = vector.extract %parallel_loop3A_353[0] : f32 from vector<1xf32>
        %parallel_loop3A_355 = vector.broadcast %parallel_loop3A_354 : f32 to vector<16xf32>
        %parallel_loop3A_356 = arith.subf %get3A_103, %parallel_loop3A_355 : vector<16xf32>
        %parallel_loop3A_357 = arith.mulf %parallel_loop3A_352, %parallel_loop3A_352 : vector<16xf32>
        %parallel_loop3A_358 = arith.mulf %parallel_loop3A_356, %parallel_loop3A_356 : vector<16xf32>
        %parallel_loop3A_359 = arith.addf %parallel_loop3A_357, %parallel_loop3A_358 : vector<16xf32>
        %parallel_loop3A_360 = arith.constant 9.99999996E-13 : f32
        %parallel_loop3A_361 = vector.broadcast %parallel_loop3A_360 : f32 to vector<16xf32>
        %parallel_loop3A_362 = arith.maximumf %parallel_loop3A_359, %parallel_loop3A_361 : vector<16xf32>
        %parallel_loop3A_363 = vector.extract_strided_slice %parallel_loop3A_174 {offsets = [6], sizes = [1], strides = [1]} : vector<16xf32> to vector<1xf32>
        %parallel_loop3A_364 = vector.extract %parallel_loop3A_363[0] : f32 from vector<1xf32>
        %parallel_loop3A_365 = vector.broadcast %parallel_loop3A_364 : f32 to vector<16xf32>
        %parallel_loop3A_366 = arith.constant 45.1764717 : f32
        %parallel_loop3A_367 = vector.broadcast %parallel_loop3A_366 : f32 to vector<16xf32>
        %parallel_loop3A_368 = arith.mulf %parallel_loop3A_362, %parallel_loop3A_367 : vector<16xf32>
        %parallel_loop3A_369 = arith.fptosi %parallel_loop3A_368 : vector<16xf32> to vector<16xi32>
        %parallel_loop3A_370 = arith.constant 383 : i32
        %parallel_loop3A_371 = vector.broadcast %parallel_loop3A_370 : i32 to vector<16xi32>
        %parallel_loop3A_372 = arith.minsi %parallel_loop3A_369, %parallel_loop3A_371 : vector<16xi32>
        %parallel_loop3A_373 = arith.constant 16 : i32
        %parallel_loop3A_374 = vector.broadcast %parallel_loop3A_373 : i32 to vector<16xi32>
        %parallel_loop3A_375 = arith.muli %parallel_loop3A_372, %parallel_loop3A_374 : vector<16xi32>
        %parallel_loop3A_376 = arith.addi %parallel_loop3A_375, %iota3A : vector<16xi32>
        tpu.vector_store_idx %arg13[%parallel_loop3A_376], %parallel_loop3A_365 {add = true} : memref<6144xf32, #tpu.memory_space<vmem>>[vector<16xi32>], vector<16xf32>,
        %parallel_loop3A_377 = arith.mulf %parallel_loop3A_365, %parallel_loop3A_362 : vector<16xf32>
        tpu.vector_store_idx %arg14[%parallel_loop3A_376], %parallel_loop3A_377 {add = true} : memref<6144xf32, #tpu.memory_space<vmem>>[vector<16xi32>], vector<16xf32>,
        %parallel_loop3A_378 = vector.extract_strided_slice %parallel_loop3A_170 {offsets = [7], sizes = [1], strides = [1]} : vector<16xf32> to vector<1xf32>
        %parallel_loop3A_379 = vector.extract %parallel_loop3A_378[0] : f32 from vector<1xf32>
        %parallel_loop3A_380 = vector.broadcast %parallel_loop3A_379 : f32 to vector<16xf32>
        %parallel_loop3A_381 = arith.subf %get3A_99, %parallel_loop3A_380 : vector<16xf32>
        %parallel_loop3A_382 = vector.extract_strided_slice %parallel_loop3A_172 {offsets = [7], sizes = [1], strides = [1]} : vector<16xf32> to vector<1xf32>
        %parallel_loop3A_383 = vector.extract %parallel_loop3A_382[0] : f32 from vector<1xf32>
        %parallel_loop3A_384 = vector.broadcast %parallel_loop3A_383 : f32 to vector<16xf32>
        %parallel_loop3A_385 = arith.subf %get3A_103, %parallel_loop3A_384 : vector<16xf32>
        %parallel_loop3A_386 = arith.mulf %parallel_loop3A_381, %parallel_loop3A_381 : vector<16xf32>
        %parallel_loop3A_387 = arith.mulf %parallel_loop3A_385, %parallel_loop3A_385 : vector<16xf32>
        %parallel_loop3A_388 = arith.addf %parallel_loop3A_386, %parallel_loop3A_387 : vector<16xf32>
        %parallel_loop3A_389 = arith.constant 9.99999996E-13 : f32
        %parallel_loop3A_390 = vector.broadcast %parallel_loop3A_389 : f32 to vector<16xf32>
        %parallel_loop3A_391 = arith.maximumf %parallel_loop3A_388, %parallel_loop3A_390 : vector<16xf32>
        %parallel_loop3A_392 = vector.extract_strided_slice %parallel_loop3A_174 {offsets = [7], sizes = [1], strides = [1]} : vector<16xf32> to vector<1xf32>
        %parallel_loop3A_393 = vector.extract %parallel_loop3A_392[0] : f32 from vector<1xf32>
        %parallel_loop3A_394 = vector.broadcast %parallel_loop3A_393 : f32 to vector<16xf32>
        %parallel_loop3A_395 = arith.constant 45.1764717 : f32
        %parallel_loop3A_396 = vector.broadcast %parallel_loop3A_395 : f32 to vector<16xf32>
        %parallel_loop3A_397 = arith.mulf %parallel_loop3A_391, %parallel_loop3A_396 : vector<16xf32>
        %parallel_loop3A_398 = arith.fptosi %parallel_loop3A_397 : vector<16xf32> to vector<16xi32>
        %parallel_loop3A_399 = arith.constant 383 : i32
        %parallel_loop3A_400 = vector.broadcast %parallel_loop3A_399 : i32 to vector<16xi32>
        %parallel_loop3A_401 = arith.minsi %parallel_loop3A_398, %parallel_loop3A_400 : vector<16xi32>
        %parallel_loop3A_402 = arith.constant 16 : i32
        %parallel_loop3A_403 = vector.broadcast %parallel_loop3A_402 : i32 to vector<16xi32>
        %parallel_loop3A_404 = arith.muli %parallel_loop3A_401, %parallel_loop3A_403 : vector<16xi32>
        %parallel_loop3A_405 = arith.addi %parallel_loop3A_404, %iota3A : vector<16xi32>
        tpu.vector_store_idx %arg13[%parallel_loop3A_405], %parallel_loop3A_394 {add = true} : memref<6144xf32, #tpu.memory_space<vmem>>[vector<16xi32>], vector<16xf32>,
        %parallel_loop3A_406 = arith.mulf %parallel_loop3A_394, %parallel_loop3A_391 : vector<16xf32>
        tpu.vector_store_idx %arg14[%parallel_loop3A_405], %parallel_loop3A_406 {add = true} : memref<6144xf32, #tpu.memory_space<vmem>>[vector<16xi32>], vector<16xf32>,
        %parallel_loop3A_407 = vector.extract_strided_slice %parallel_loop3A_170 {offsets = [8], sizes = [1], strides = [1]} : vector<16xf32> to vector<1xf32>
        %parallel_loop3A_408 = vector.extract %parallel_loop3A_407[0] : f32 from vector<1xf32>
        %parallel_loop3A_409 = vector.broadcast %parallel_loop3A_408 : f32 to vector<16xf32>
        %parallel_loop3A_410 = arith.subf %get3A_99, %parallel_loop3A_409 : vector<16xf32>
        %parallel_loop3A_411 = vector.extract_strided_slice %parallel_loop3A_172 {offsets = [8], sizes = [1], strides = [1]} : vector<16xf32> to vector<1xf32>
        %parallel_loop3A_412 = vector.extract %parallel_loop3A_411[0] : f32 from vector<1xf32>
        %parallel_loop3A_413 = vector.broadcast %parallel_loop3A_412 : f32 to vector<16xf32>
        %parallel_loop3A_414 = arith.subf %get3A_103, %parallel_loop3A_413 : vector<16xf32>
        %parallel_loop3A_415 = arith.mulf %parallel_loop3A_410, %parallel_loop3A_410 : vector<16xf32>
        %parallel_loop3A_416 = arith.mulf %parallel_loop3A_414, %parallel_loop3A_414 : vector<16xf32>
        %parallel_loop3A_417 = arith.addf %parallel_loop3A_415, %parallel_loop3A_416 : vector<16xf32>
        %parallel_loop3A_418 = arith.constant 9.99999996E-13 : f32
        %parallel_loop3A_419 = vector.broadcast %parallel_loop3A_418 : f32 to vector<16xf32>
        %parallel_loop3A_420 = arith.maximumf %parallel_loop3A_417, %parallel_loop3A_419 : vector<16xf32>
        %parallel_loop3A_421 = vector.extract_strided_slice %parallel_loop3A_174 {offsets = [8], sizes = [1], strides = [1]} : vector<16xf32> to vector<1xf32>
        %parallel_loop3A_422 = vector.extract %parallel_loop3A_421[0] : f32 from vector<1xf32>
        %parallel_loop3A_423 = vector.broadcast %parallel_loop3A_422 : f32 to vector<16xf32>
        %parallel_loop3A_424 = arith.constant 45.1764717 : f32
        %parallel_loop3A_425 = vector.broadcast %parallel_loop3A_424 : f32 to vector<16xf32>
        %parallel_loop3A_426 = arith.mulf %parallel_loop3A_420, %parallel_loop3A_425 : vector<16xf32>
        %parallel_loop3A_427 = arith.fptosi %parallel_loop3A_426 : vector<16xf32> to vector<16xi32>
        %parallel_loop3A_428 = arith.constant 383 : i32
        %parallel_loop3A_429 = vector.broadcast %parallel_loop3A_428 : i32 to vector<16xi32>
        %parallel_loop3A_430 = arith.minsi %parallel_loop3A_427, %parallel_loop3A_429 : vector<16xi32>
        %parallel_loop3A_431 = arith.constant 16 : i32
        %parallel_loop3A_432 = vector.broadcast %parallel_loop3A_431 : i32 to vector<16xi32>
        %parallel_loop3A_433 = arith.muli %parallel_loop3A_430, %parallel_loop3A_432 : vector<16xi32>
        %parallel_loop3A_434 = arith.addi %parallel_loop3A_433, %iota3A : vector<16xi32>
        tpu.vector_store_idx %arg13[%parallel_loop3A_434], %parallel_loop3A_423 {add = true} : memref<6144xf32, #tpu.memory_space<vmem>>[vector<16xi32>], vector<16xf32>,
        %parallel_loop3A_435 = arith.mulf %parallel_loop3A_423, %parallel_loop3A_420 : vector<16xf32>
        tpu.vector_store_idx %arg14[%parallel_loop3A_434], %parallel_loop3A_435 {add = true} : memref<6144xf32, #tpu.memory_space<vmem>>[vector<16xi32>], vector<16xf32>,
        %parallel_loop3A_436 = vector.extract_strided_slice %parallel_loop3A_170 {offsets = [9], sizes = [1], strides = [1]} : vector<16xf32> to vector<1xf32>
        %parallel_loop3A_437 = vector.extract %parallel_loop3A_436[0] : f32 from vector<1xf32>
        %parallel_loop3A_438 = vector.broadcast %parallel_loop3A_437 : f32 to vector<16xf32>
        %parallel_loop3A_439 = arith.subf %get3A_99, %parallel_loop3A_438 : vector<16xf32>
        %parallel_loop3A_440 = vector.extract_strided_slice %parallel_loop3A_172 {offsets = [9], sizes = [1], strides = [1]} : vector<16xf32> to vector<1xf32>
        %parallel_loop3A_441 = vector.extract %parallel_loop3A_440[0] : f32 from vector<1xf32>
        %parallel_loop3A_442 = vector.broadcast %parallel_loop3A_441 : f32 to vector<16xf32>
        %parallel_loop3A_443 = arith.subf %get3A_103, %parallel_loop3A_442 : vector<16xf32>
        %parallel_loop3A_444 = arith.mulf %parallel_loop3A_439, %parallel_loop3A_439 : vector<16xf32>
        %parallel_loop3A_445 = arith.mulf %parallel_loop3A_443, %parallel_loop3A_443 : vector<16xf32>
        %parallel_loop3A_446 = arith.addf %parallel_loop3A_444, %parallel_loop3A_445 : vector<16xf32>
        %parallel_loop3A_447 = arith.constant 9.99999996E-13 : f32
        %parallel_loop3A_448 = vector.broadcast %parallel_loop3A_447 : f32 to vector<16xf32>
        %parallel_loop3A_449 = arith.maximumf %parallel_loop3A_446, %parallel_loop3A_448 : vector<16xf32>
        %parallel_loop3A_450 = vector.extract_strided_slice %parallel_loop3A_174 {offsets = [9], sizes = [1], strides = [1]} : vector<16xf32> to vector<1xf32>
        %parallel_loop3A_451 = vector.extract %parallel_loop3A_450[0] : f32 from vector<1xf32>
        %parallel_loop3A_452 = vector.broadcast %parallel_loop3A_451 : f32 to vector<16xf32>
        %parallel_loop3A_453 = arith.constant 45.1764717 : f32
        %parallel_loop3A_454 = vector.broadcast %parallel_loop3A_453 : f32 to vector<16xf32>
        %parallel_loop3A_455 = arith.mulf %parallel_loop3A_449, %parallel_loop3A_454 : vector<16xf32>
        %parallel_loop3A_456 = arith.fptosi %parallel_loop3A_455 : vector<16xf32> to vector<16xi32>
        %parallel_loop3A_457 = arith.constant 383 : i32
        %parallel_loop3A_458 = vector.broadcast %parallel_loop3A_457 : i32 to vector<16xi32>
        %parallel_loop3A_459 = arith.minsi %parallel_loop3A_456, %parallel_loop3A_458 : vector<16xi32>
        %parallel_loop3A_460 = arith.constant 16 : i32
        %parallel_loop3A_461 = vector.broadcast %parallel_loop3A_460 : i32 to vector<16xi32>
        %parallel_loop3A_462 = arith.muli %parallel_loop3A_459, %parallel_loop3A_461 : vector<16xi32>
        %parallel_loop3A_463 = arith.addi %parallel_loop3A_462, %iota3A : vector<16xi32>
        tpu.vector_store_idx %arg13[%parallel_loop3A_463], %parallel_loop3A_452 {add = true} : memref<6144xf32, #tpu.memory_space<vmem>>[vector<16xi32>], vector<16xf32>,
        %parallel_loop3A_464 = arith.mulf %parallel_loop3A_452, %parallel_loop3A_449 : vector<16xf32>
        tpu.vector_store_idx %arg14[%parallel_loop3A_463], %parallel_loop3A_464 {add = true} : memref<6144xf32, #tpu.memory_space<vmem>>[vector<16xi32>], vector<16xf32>,
        %parallel_loop3A_465 = vector.extract_strided_slice %parallel_loop3A_170 {offsets = [10], sizes = [1], strides = [1]} : vector<16xf32> to vector<1xf32>
        %parallel_loop3A_466 = vector.extract %parallel_loop3A_465[0] : f32 from vector<1xf32>
        %parallel_loop3A_467 = vector.broadcast %parallel_loop3A_466 : f32 to vector<16xf32>
        %parallel_loop3A_468 = arith.subf %get3A_99, %parallel_loop3A_467 : vector<16xf32>
        %parallel_loop3A_469 = vector.extract_strided_slice %parallel_loop3A_172 {offsets = [10], sizes = [1], strides = [1]} : vector<16xf32> to vector<1xf32>
        %parallel_loop3A_470 = vector.extract %parallel_loop3A_469[0] : f32 from vector<1xf32>
        %parallel_loop3A_471 = vector.broadcast %parallel_loop3A_470 : f32 to vector<16xf32>
        %parallel_loop3A_472 = arith.subf %get3A_103, %parallel_loop3A_471 : vector<16xf32>
        %parallel_loop3A_473 = arith.mulf %parallel_loop3A_468, %parallel_loop3A_468 : vector<16xf32>
        %parallel_loop3A_474 = arith.mulf %parallel_loop3A_472, %parallel_loop3A_472 : vector<16xf32>
        %parallel_loop3A_475 = arith.addf %parallel_loop3A_473, %parallel_loop3A_474 : vector<16xf32>
        %parallel_loop3A_476 = arith.constant 9.99999996E-13 : f32
        %parallel_loop3A_477 = vector.broadcast %parallel_loop3A_476 : f32 to vector<16xf32>
        %parallel_loop3A_478 = arith.maximumf %parallel_loop3A_475, %parallel_loop3A_477 : vector<16xf32>
        %parallel_loop3A_479 = vector.extract_strided_slice %parallel_loop3A_174 {offsets = [10], sizes = [1], strides = [1]} : vector<16xf32> to vector<1xf32>
        %parallel_loop3A_480 = vector.extract %parallel_loop3A_479[0] : f32 from vector<1xf32>
        %parallel_loop3A_481 = vector.broadcast %parallel_loop3A_480 : f32 to vector<16xf32>
        %parallel_loop3A_482 = arith.constant 45.1764717 : f32
        %parallel_loop3A_483 = vector.broadcast %parallel_loop3A_482 : f32 to vector<16xf32>
        %parallel_loop3A_484 = arith.mulf %parallel_loop3A_478, %parallel_loop3A_483 : vector<16xf32>
        %parallel_loop3A_485 = arith.fptosi %parallel_loop3A_484 : vector<16xf32> to vector<16xi32>
        %parallel_loop3A_486 = arith.constant 383 : i32
        %parallel_loop3A_487 = vector.broadcast %parallel_loop3A_486 : i32 to vector<16xi32>
        %parallel_loop3A_488 = arith.minsi %parallel_loop3A_485, %parallel_loop3A_487 : vector<16xi32>
        %parallel_loop3A_489 = arith.constant 16 : i32
        %parallel_loop3A_490 = vector.broadcast %parallel_loop3A_489 : i32 to vector<16xi32>
        %parallel_loop3A_491 = arith.muli %parallel_loop3A_488, %parallel_loop3A_490 : vector<16xi32>
        %parallel_loop3A_492 = arith.addi %parallel_loop3A_491, %iota3A : vector<16xi32>
        tpu.vector_store_idx %arg13[%parallel_loop3A_492], %parallel_loop3A_481 {add = true} : memref<6144xf32, #tpu.memory_space<vmem>>[vector<16xi32>], vector<16xf32>,
        %parallel_loop3A_493 = arith.mulf %parallel_loop3A_481, %parallel_loop3A_478 : vector<16xf32>
        tpu.vector_store_idx %arg14[%parallel_loop3A_492], %parallel_loop3A_493 {add = true} : memref<6144xf32, #tpu.memory_space<vmem>>[vector<16xi32>], vector<16xf32>,
        %parallel_loop3A_494 = vector.extract_strided_slice %parallel_loop3A_170 {offsets = [11], sizes = [1], strides = [1]} : vector<16xf32> to vector<1xf32>
        %parallel_loop3A_495 = vector.extract %parallel_loop3A_494[0] : f32 from vector<1xf32>
        %parallel_loop3A_496 = vector.broadcast %parallel_loop3A_495 : f32 to vector<16xf32>
        %parallel_loop3A_497 = arith.subf %get3A_99, %parallel_loop3A_496 : vector<16xf32>
        %parallel_loop3A_498 = vector.extract_strided_slice %parallel_loop3A_172 {offsets = [11], sizes = [1], strides = [1]} : vector<16xf32> to vector<1xf32>
        %parallel_loop3A_499 = vector.extract %parallel_loop3A_498[0] : f32 from vector<1xf32>
        %parallel_loop3A_500 = vector.broadcast %parallel_loop3A_499 : f32 to vector<16xf32>
        %parallel_loop3A_501 = arith.subf %get3A_103, %parallel_loop3A_500 : vector<16xf32>
        %parallel_loop3A_502 = arith.mulf %parallel_loop3A_497, %parallel_loop3A_497 : vector<16xf32>
        %parallel_loop3A_503 = arith.mulf %parallel_loop3A_501, %parallel_loop3A_501 : vector<16xf32>
        %parallel_loop3A_504 = arith.addf %parallel_loop3A_502, %parallel_loop3A_503 : vector<16xf32>
        %parallel_loop3A_505 = arith.constant 9.99999996E-13 : f32
        %parallel_loop3A_506 = vector.broadcast %parallel_loop3A_505 : f32 to vector<16xf32>
        %parallel_loop3A_507 = arith.maximumf %parallel_loop3A_504, %parallel_loop3A_506 : vector<16xf32>
        %parallel_loop3A_508 = vector.extract_strided_slice %parallel_loop3A_174 {offsets = [11], sizes = [1], strides = [1]} : vector<16xf32> to vector<1xf32>
        %parallel_loop3A_509 = vector.extract %parallel_loop3A_508[0] : f32 from vector<1xf32>
        %parallel_loop3A_510 = vector.broadcast %parallel_loop3A_509 : f32 to vector<16xf32>
        %parallel_loop3A_511 = arith.constant 45.1764717 : f32
        %parallel_loop3A_512 = vector.broadcast %parallel_loop3A_511 : f32 to vector<16xf32>
        %parallel_loop3A_513 = arith.mulf %parallel_loop3A_507, %parallel_loop3A_512 : vector<16xf32>
        %parallel_loop3A_514 = arith.fptosi %parallel_loop3A_513 : vector<16xf32> to vector<16xi32>
        %parallel_loop3A_515 = arith.constant 383 : i32
        %parallel_loop3A_516 = vector.broadcast %parallel_loop3A_515 : i32 to vector<16xi32>
        %parallel_loop3A_517 = arith.minsi %parallel_loop3A_514, %parallel_loop3A_516 : vector<16xi32>
        %parallel_loop3A_518 = arith.constant 16 : i32
        %parallel_loop3A_519 = vector.broadcast %parallel_loop3A_518 : i32 to vector<16xi32>
        %parallel_loop3A_520 = arith.muli %parallel_loop3A_517, %parallel_loop3A_519 : vector<16xi32>
        %parallel_loop3A_521 = arith.addi %parallel_loop3A_520, %iota3A : vector<16xi32>
        tpu.vector_store_idx %arg13[%parallel_loop3A_521], %parallel_loop3A_510 {add = true} : memref<6144xf32, #tpu.memory_space<vmem>>[vector<16xi32>], vector<16xf32>,
        %parallel_loop3A_522 = arith.mulf %parallel_loop3A_510, %parallel_loop3A_507 : vector<16xf32>
        tpu.vector_store_idx %arg14[%parallel_loop3A_521], %parallel_loop3A_522 {add = true} : memref<6144xf32, #tpu.memory_space<vmem>>[vector<16xi32>], vector<16xf32>,
        %parallel_loop3A_523 = vector.extract_strided_slice %parallel_loop3A_170 {offsets = [12], sizes = [1], strides = [1]} : vector<16xf32> to vector<1xf32>
        %parallel_loop3A_524 = vector.extract %parallel_loop3A_523[0] : f32 from vector<1xf32>
        %parallel_loop3A_525 = vector.broadcast %parallel_loop3A_524 : f32 to vector<16xf32>
        %parallel_loop3A_526 = arith.subf %get3A_99, %parallel_loop3A_525 : vector<16xf32>
        %parallel_loop3A_527 = vector.extract_strided_slice %parallel_loop3A_172 {offsets = [12], sizes = [1], strides = [1]} : vector<16xf32> to vector<1xf32>
        %parallel_loop3A_528 = vector.extract %parallel_loop3A_527[0] : f32 from vector<1xf32>
        %parallel_loop3A_529 = vector.broadcast %parallel_loop3A_528 : f32 to vector<16xf32>
        %parallel_loop3A_530 = arith.subf %get3A_103, %parallel_loop3A_529 : vector<16xf32>
        %parallel_loop3A_531 = arith.mulf %parallel_loop3A_526, %parallel_loop3A_526 : vector<16xf32>
        %parallel_loop3A_532 = arith.mulf %parallel_loop3A_530, %parallel_loop3A_530 : vector<16xf32>
        %parallel_loop3A_533 = arith.addf %parallel_loop3A_531, %parallel_loop3A_532 : vector<16xf32>
        %parallel_loop3A_534 = arith.constant 9.99999996E-13 : f32
        %parallel_loop3A_535 = vector.broadcast %parallel_loop3A_534 : f32 to vector<16xf32>
        %parallel_loop3A_536 = arith.maximumf %parallel_loop3A_533, %parallel_loop3A_535 : vector<16xf32>
        %parallel_loop3A_537 = vector.extract_strided_slice %parallel_loop3A_174 {offsets = [12], sizes = [1], strides = [1]} : vector<16xf32> to vector<1xf32>
        %parallel_loop3A_538 = vector.extract %parallel_loop3A_537[0] : f32 from vector<1xf32>
        %parallel_loop3A_539 = vector.broadcast %parallel_loop3A_538 : f32 to vector<16xf32>
        %parallel_loop3A_540 = arith.constant 45.1764717 : f32
        %parallel_loop3A_541 = vector.broadcast %parallel_loop3A_540 : f32 to vector<16xf32>
        %parallel_loop3A_542 = arith.mulf %parallel_loop3A_536, %parallel_loop3A_541 : vector<16xf32>
        %parallel_loop3A_543 = arith.fptosi %parallel_loop3A_542 : vector<16xf32> to vector<16xi32>
        %parallel_loop3A_544 = arith.constant 383 : i32
        %parallel_loop3A_545 = vector.broadcast %parallel_loop3A_544 : i32 to vector<16xi32>
        %parallel_loop3A_546 = arith.minsi %parallel_loop3A_543, %parallel_loop3A_545 : vector<16xi32>
        %parallel_loop3A_547 = arith.constant 16 : i32
        %parallel_loop3A_548 = vector.broadcast %parallel_loop3A_547 : i32 to vector<16xi32>
        %parallel_loop3A_549 = arith.muli %parallel_loop3A_546, %parallel_loop3A_548 : vector<16xi32>
        %parallel_loop3A_550 = arith.addi %parallel_loop3A_549, %iota3A : vector<16xi32>
        tpu.vector_store_idx %arg13[%parallel_loop3A_550], %parallel_loop3A_539 {add = true} : memref<6144xf32, #tpu.memory_space<vmem>>[vector<16xi32>], vector<16xf32>,
        %parallel_loop3A_551 = arith.mulf %parallel_loop3A_539, %parallel_loop3A_536 : vector<16xf32>
        tpu.vector_store_idx %arg14[%parallel_loop3A_550], %parallel_loop3A_551 {add = true} : memref<6144xf32, #tpu.memory_space<vmem>>[vector<16xi32>], vector<16xf32>,
        %parallel_loop3A_552 = vector.extract_strided_slice %parallel_loop3A_170 {offsets = [13], sizes = [1], strides = [1]} : vector<16xf32> to vector<1xf32>
        %parallel_loop3A_553 = vector.extract %parallel_loop3A_552[0] : f32 from vector<1xf32>
        %parallel_loop3A_554 = vector.broadcast %parallel_loop3A_553 : f32 to vector<16xf32>
        %parallel_loop3A_555 = arith.subf %get3A_99, %parallel_loop3A_554 : vector<16xf32>
        %parallel_loop3A_556 = vector.extract_strided_slice %parallel_loop3A_172 {offsets = [13], sizes = [1], strides = [1]} : vector<16xf32> to vector<1xf32>
        %parallel_loop3A_557 = vector.extract %parallel_loop3A_556[0] : f32 from vector<1xf32>
        %parallel_loop3A_558 = vector.broadcast %parallel_loop3A_557 : f32 to vector<16xf32>
        %parallel_loop3A_559 = arith.subf %get3A_103, %parallel_loop3A_558 : vector<16xf32>
        %parallel_loop3A_560 = arith.mulf %parallel_loop3A_555, %parallel_loop3A_555 : vector<16xf32>
        %parallel_loop3A_561 = arith.mulf %parallel_loop3A_559, %parallel_loop3A_559 : vector<16xf32>
        %parallel_loop3A_562 = arith.addf %parallel_loop3A_560, %parallel_loop3A_561 : vector<16xf32>
        %parallel_loop3A_563 = arith.constant 9.99999996E-13 : f32
        %parallel_loop3A_564 = vector.broadcast %parallel_loop3A_563 : f32 to vector<16xf32>
        %parallel_loop3A_565 = arith.maximumf %parallel_loop3A_562, %parallel_loop3A_564 : vector<16xf32>
        %parallel_loop3A_566 = vector.extract_strided_slice %parallel_loop3A_174 {offsets = [13], sizes = [1], strides = [1]} : vector<16xf32> to vector<1xf32>
        %parallel_loop3A_567 = vector.extract %parallel_loop3A_566[0] : f32 from vector<1xf32>
        %parallel_loop3A_568 = vector.broadcast %parallel_loop3A_567 : f32 to vector<16xf32>
        %parallel_loop3A_569 = arith.constant 45.1764717 : f32
        %parallel_loop3A_570 = vector.broadcast %parallel_loop3A_569 : f32 to vector<16xf32>
        %parallel_loop3A_571 = arith.mulf %parallel_loop3A_565, %parallel_loop3A_570 : vector<16xf32>
        %parallel_loop3A_572 = arith.fptosi %parallel_loop3A_571 : vector<16xf32> to vector<16xi32>
        %parallel_loop3A_573 = arith.constant 383 : i32
        %parallel_loop3A_574 = vector.broadcast %parallel_loop3A_573 : i32 to vector<16xi32>
        %parallel_loop3A_575 = arith.minsi %parallel_loop3A_572, %parallel_loop3A_574 : vector<16xi32>
        %parallel_loop3A_576 = arith.constant 16 : i32
        %parallel_loop3A_577 = vector.broadcast %parallel_loop3A_576 : i32 to vector<16xi32>
        %parallel_loop3A_578 = arith.muli %parallel_loop3A_575, %parallel_loop3A_577 : vector<16xi32>
        %parallel_loop3A_579 = arith.addi %parallel_loop3A_578, %iota3A : vector<16xi32>
        tpu.vector_store_idx %arg13[%parallel_loop3A_579], %parallel_loop3A_568 {add = true} : memref<6144xf32, #tpu.memory_space<vmem>>[vector<16xi32>], vector<16xf32>,
        %parallel_loop3A_580 = arith.mulf %parallel_loop3A_568, %parallel_loop3A_565 : vector<16xf32>
        tpu.vector_store_idx %arg14[%parallel_loop3A_579], %parallel_loop3A_580 {add = true} : memref<6144xf32, #tpu.memory_space<vmem>>[vector<16xi32>], vector<16xf32>,
        %parallel_loop3A_581 = vector.extract_strided_slice %parallel_loop3A_170 {offsets = [14], sizes = [1], strides = [1]} : vector<16xf32> to vector<1xf32>
        %parallel_loop3A_582 = vector.extract %parallel_loop3A_581[0] : f32 from vector<1xf32>
        %parallel_loop3A_583 = vector.broadcast %parallel_loop3A_582 : f32 to vector<16xf32>
        %parallel_loop3A_584 = arith.subf %get3A_99, %parallel_loop3A_583 : vector<16xf32>
        %parallel_loop3A_585 = vector.extract_strided_slice %parallel_loop3A_172 {offsets = [14], sizes = [1], strides = [1]} : vector<16xf32> to vector<1xf32>
        %parallel_loop3A_586 = vector.extract %parallel_loop3A_585[0] : f32 from vector<1xf32>
        %parallel_loop3A_587 = vector.broadcast %parallel_loop3A_586 : f32 to vector<16xf32>
        %parallel_loop3A_588 = arith.subf %get3A_103, %parallel_loop3A_587 : vector<16xf32>
        %parallel_loop3A_589 = arith.mulf %parallel_loop3A_584, %parallel_loop3A_584 : vector<16xf32>
        %parallel_loop3A_590 = arith.mulf %parallel_loop3A_588, %parallel_loop3A_588 : vector<16xf32>
        %parallel_loop3A_591 = arith.addf %parallel_loop3A_589, %parallel_loop3A_590 : vector<16xf32>
        %parallel_loop3A_592 = arith.constant 9.99999996E-13 : f32
        %parallel_loop3A_593 = vector.broadcast %parallel_loop3A_592 : f32 to vector<16xf32>
        %parallel_loop3A_594 = arith.maximumf %parallel_loop3A_591, %parallel_loop3A_593 : vector<16xf32>
        %parallel_loop3A_595 = vector.extract_strided_slice %parallel_loop3A_174 {offsets = [14], sizes = [1], strides = [1]} : vector<16xf32> to vector<1xf32>
        %parallel_loop3A_596 = vector.extract %parallel_loop3A_595[0] : f32 from vector<1xf32>
        %parallel_loop3A_597 = vector.broadcast %parallel_loop3A_596 : f32 to vector<16xf32>
        %parallel_loop3A_598 = arith.constant 45.1764717 : f32
        %parallel_loop3A_599 = vector.broadcast %parallel_loop3A_598 : f32 to vector<16xf32>
        %parallel_loop3A_600 = arith.mulf %parallel_loop3A_594, %parallel_loop3A_599 : vector<16xf32>
        %parallel_loop3A_601 = arith.fptosi %parallel_loop3A_600 : vector<16xf32> to vector<16xi32>
        %parallel_loop3A_602 = arith.constant 383 : i32
        %parallel_loop3A_603 = vector.broadcast %parallel_loop3A_602 : i32 to vector<16xi32>
        %parallel_loop3A_604 = arith.minsi %parallel_loop3A_601, %parallel_loop3A_603 : vector<16xi32>
        %parallel_loop3A_605 = arith.constant 16 : i32
        %parallel_loop3A_606 = vector.broadcast %parallel_loop3A_605 : i32 to vector<16xi32>
        %parallel_loop3A_607 = arith.muli %parallel_loop3A_604, %parallel_loop3A_606 : vector<16xi32>
        %parallel_loop3A_608 = arith.addi %parallel_loop3A_607, %iota3A : vector<16xi32>
        tpu.vector_store_idx %arg13[%parallel_loop3A_608], %parallel_loop3A_597 {add = true} : memref<6144xf32, #tpu.memory_space<vmem>>[vector<16xi32>], vector<16xf32>,
        %parallel_loop3A_609 = arith.mulf %parallel_loop3A_597, %parallel_loop3A_594 : vector<16xf32>
        tpu.vector_store_idx %arg14[%parallel_loop3A_608], %parallel_loop3A_609 {add = true} : memref<6144xf32, #tpu.memory_space<vmem>>[vector<16xi32>], vector<16xf32>,
        %parallel_loop3A_610 = vector.extract_strided_slice %parallel_loop3A_170 {offsets = [15], sizes = [1], strides = [1]} : vector<16xf32> to vector<1xf32>
        %parallel_loop3A_611 = vector.extract %parallel_loop3A_610[0] : f32 from vector<1xf32>
        %parallel_loop3A_612 = vector.broadcast %parallel_loop3A_611 : f32 to vector<16xf32>
        %parallel_loop3A_613 = arith.subf %get3A_99, %parallel_loop3A_612 : vector<16xf32>
        %parallel_loop3A_614 = vector.extract_strided_slice %parallel_loop3A_172 {offsets = [15], sizes = [1], strides = [1]} : vector<16xf32> to vector<1xf32>
        %parallel_loop3A_615 = vector.extract %parallel_loop3A_614[0] : f32 from vector<1xf32>
        %parallel_loop3A_616 = vector.broadcast %parallel_loop3A_615 : f32 to vector<16xf32>
        %parallel_loop3A_617 = arith.subf %get3A_103, %parallel_loop3A_616 : vector<16xf32>
        %parallel_loop3A_618 = arith.mulf %parallel_loop3A_613, %parallel_loop3A_613 : vector<16xf32>
        %parallel_loop3A_619 = arith.mulf %parallel_loop3A_617, %parallel_loop3A_617 : vector<16xf32>
        %parallel_loop3A_620 = arith.addf %parallel_loop3A_618, %parallel_loop3A_619 : vector<16xf32>
        %parallel_loop3A_621 = arith.constant 9.99999996E-13 : f32
        %parallel_loop3A_622 = vector.broadcast %parallel_loop3A_621 : f32 to vector<16xf32>
        %parallel_loop3A_623 = arith.maximumf %parallel_loop3A_620, %parallel_loop3A_622 : vector<16xf32>
        %parallel_loop3A_624 = vector.extract_strided_slice %parallel_loop3A_174 {offsets = [15], sizes = [1], strides = [1]} : vector<16xf32> to vector<1xf32>
        %parallel_loop3A_625 = vector.extract %parallel_loop3A_624[0] : f32 from vector<1xf32>
        %parallel_loop3A_626 = vector.broadcast %parallel_loop3A_625 : f32 to vector<16xf32>
        %parallel_loop3A_627 = arith.constant 45.1764717 : f32
        %parallel_loop3A_628 = vector.broadcast %parallel_loop3A_627 : f32 to vector<16xf32>
        %parallel_loop3A_629 = arith.mulf %parallel_loop3A_623, %parallel_loop3A_628 : vector<16xf32>
        %parallel_loop3A_630 = arith.fptosi %parallel_loop3A_629 : vector<16xf32> to vector<16xi32>
        %parallel_loop3A_631 = arith.constant 383 : i32
        %parallel_loop3A_632 = vector.broadcast %parallel_loop3A_631 : i32 to vector<16xi32>
        %parallel_loop3A_633 = arith.minsi %parallel_loop3A_630, %parallel_loop3A_632 : vector<16xi32>
        %parallel_loop3A_634 = arith.constant 16 : i32
        %parallel_loop3A_635 = vector.broadcast %parallel_loop3A_634 : i32 to vector<16xi32>
        %parallel_loop3A_636 = arith.muli %parallel_loop3A_633, %parallel_loop3A_635 : vector<16xi32>
        %parallel_loop3A_637 = arith.addi %parallel_loop3A_636, %iota3A : vector<16xi32>
        tpu.vector_store_idx %arg13[%parallel_loop3A_637], %parallel_loop3A_626 {add = true} : memref<6144xf32, #tpu.memory_space<vmem>>[vector<16xi32>], vector<16xf32>,
        %parallel_loop3A_638 = arith.mulf %parallel_loop3A_626, %parallel_loop3A_623 : vector<16xf32>
        tpu.vector_store_idx %arg14[%parallel_loop3A_637], %parallel_loop3A_638 {add = true} : memref<6144xf32, #tpu.memory_space<vmem>>[vector<16xi32>], vector<16xf32>,
      } {sc.loop_unroll_factor = 2 : i64, sc.parallel_access}
      %broadcast_in_dim3A_109 = arith.constant 383 : i32
      %broadcast_in_dim3A_110 = vector.broadcast %broadcast_in_dim3A_109 : i32 to vector<16xi32>
      %broadcast_in_dim3A_111 = arith.constant false
      %broadcast_in_dim3A_112 = vector.broadcast %broadcast_in_dim3A_111 : i1 to vector<16xi1>
      %while3A = arith.constant 0 : i32
      %while3A_113:7 = scf.while (%while3A_166 = %while3A, %while3A_167 = %broadcast_in_dim3A_33, %while3A_168 = %broadcast_in_dim3A_33, %while3A_169 = %broadcast_in_dim3A_33, %while3A_170 = %broadcast_in_dim3A_33, %while3A_171 = %broadcast_in_dim3A_110, %while3A_172 = %broadcast_in_dim3A_112) : (i32, vector<16xf32>, vector<16xf32>, vector<16xf32>, vector<16xf32>, vector<16xi32>, vector<16xi1>) -> (i32, vector<16xf32>, vector<16xf32>, vector<16xf32>, vector<16xf32>, vector<16xi32>, vector<16xi1>) {
        %all_reduce_population_count3A = tpu.all_reduce %while3A_172 {dim = 0 : i64, kind = #tpu.reduction_kind<sum>} : vector<16xi1> -> vector<16xi32>
        %lt3A_173 = arith.constant 48 : i32
        %lt3A_174 = arith.cmpi slt, %while3A_166, %lt3A_173 : i32
        %slice3A_175 = vector.extract_strided_slice %all_reduce_population_count3A {offsets = [0], sizes = [1], strides = [1]} : vector<16xi32> to vector<1xi32>
        %squeeze3A_176 = vector.extract %slice3A_175[0] : i32 from vector<1xi32>
        %lt3A_177 = arith.constant 16 : i32
        %lt3A_178 = arith.cmpi slt, %squeeze3A_176, %lt3A_177 : i32
        %and3A_179 = arith.andi %lt3A_174, %lt3A_178 : i1
        scf.condition(%and3A_179) %while3A_166, %while3A_167, %while3A_168, %while3A_169, %while3A_170, %while3A_171, %while3A_172 : i32, vector<16xf32>, vector<16xf32>, vector<16xf32>, vector<16xf32>, vector<16xi32>, vector<16xi1>
      } do {
      ^bb0(%while3A_166: i32, %while3A_167: vector<16xf32>, %while3A_168: vector<16xf32>, %while3A_169: vector<16xf32>, %while3A_170: vector<16xf32>, %while3A_171: vector<16xi32>, %while3A_172: vector<16xi1>):
        %mul3A_173 = arith.constant 8 : i32
        %mul3A_174 = arith.muli %while3A_166, %mul3A_173 : i32
        %add3A_175 = arith.constant 0 : i32
        %add3A_176 = arith.addi %mul3A_174, %add3A_175 : i32
        %mul3A_177 = arith.constant 16 : i32
        %mul3A_178 = arith.muli %add3A_176, %mul3A_177 : i32
        %get3A_179 = arith.index_cast %mul3A_178 : i32 to index
        %get3A_180 = tpu.vector_load %arg13[%get3A_179] {strides = array<i32>} : memref<6144xf32, #tpu.memory_space<vmem>>, vector<16xf32>,
        %add3A_181 = arith.addf %while3A_167, %get3A_180 : vector<16xf32>
        %mul3A_182 = arith.constant 16 : i32
        %mul3A_183 = arith.muli %add3A_176, %mul3A_182 : i32
        %get3A_184 = arith.index_cast %mul3A_183 : i32 to index
        %get3A_185 = tpu.vector_load %arg14[%get3A_184] {strides = array<i32>} : memref<6144xf32, #tpu.memory_space<vmem>>, vector<16xf32>,
        %add3A_186 = arith.addf %while3A_168, %get3A_185 : vector<16xf32>
        %not3A = arith.constant dense<true> : vector<16xi1>
        %not3A_187 = arith.xori %while3A_172, %not3A : vector<16xi1>
        %ge3A = vector.broadcast %mul3A_85 : f32 to vector<16xf32>
        %ge3A_188 = arith.cmpf oge, %add3A_181, %ge3A : vector<16xf32>
        %and3A_189 = arith.andi %not3A_187, %ge3A_188 : vector<16xi1>
        %select_n3A_190 = arith.select %and3A_189, %add3A_181, %while3A_169 : vector<16xi1>, vector<16xf32>
        %select_n3A_191 = arith.select %and3A_189, %add3A_186, %while3A_170 : vector<16xi1>, vector<16xf32>
        %broadcast_in_dim3A_192 = vector.broadcast %add3A_176 : i32 to vector<16xi32>
        %select_n3A_193 = arith.select %and3A_189, %broadcast_in_dim3A_192, %while3A_171 : vector<16xi1>, vector<16xi32>
        %or3A = arith.ori %while3A_172, %and3A_189 : vector<16xi1>
        %mul3A_194 = arith.constant 8 : i32
        %mul3A_195 = arith.muli %while3A_166, %mul3A_194 : i32
        %add3A_196 = arith.constant 1 : i32
        %add3A_197 = arith.addi %mul3A_195, %add3A_196 : i32
        %mul3A_198 = arith.constant 16 : i32
        %mul3A_199 = arith.muli %add3A_197, %mul3A_198 : i32
        %get3A_200 = arith.index_cast %mul3A_199 : i32 to index
        %get3A_201 = tpu.vector_load %arg13[%get3A_200] {strides = array<i32>} : memref<6144xf32, #tpu.memory_space<vmem>>, vector<16xf32>,
        %add3A_202 = arith.addf %add3A_181, %get3A_201 : vector<16xf32>
        %mul3A_203 = arith.constant 16 : i32
        %mul3A_204 = arith.muli %add3A_197, %mul3A_203 : i32
        %get3A_205 = arith.index_cast %mul3A_204 : i32 to index
        %get3A_206 = tpu.vector_load %arg14[%get3A_205] {strides = array<i32>} : memref<6144xf32, #tpu.memory_space<vmem>>, vector<16xf32>,
        %add3A_207 = arith.addf %add3A_186, %get3A_206 : vector<16xf32>
        %not3A_208 = arith.constant dense<true> : vector<16xi1>
        %not3A_209 = arith.xori %or3A, %not3A_208 : vector<16xi1>
        %ge3A_210 = vector.broadcast %mul3A_85 : f32 to vector<16xf32>
        %ge3A_211 = arith.cmpf oge, %add3A_202, %ge3A_210 : vector<16xf32>
        %and3A_212 = arith.andi %not3A_209, %ge3A_211 : vector<16xi1>
        %select_n3A_213 = arith.select %and3A_212, %add3A_202, %select_n3A_190 : vector<16xi1>, vector<16xf32>
        %select_n3A_214 = arith.select %and3A_212, %add3A_207, %select_n3A_191 : vector<16xi1>, vector<16xf32>
        %broadcast_in_dim3A_215 = vector.broadcast %add3A_197 : i32 to vector<16xi32>
        %select_n3A_216 = arith.select %and3A_212, %broadcast_in_dim3A_215, %select_n3A_193 : vector<16xi1>, vector<16xi32>
        %or3A_217 = arith.ori %or3A, %and3A_212 : vector<16xi1>
        %mul3A_218 = arith.constant 8 : i32
        %mul3A_219 = arith.muli %while3A_166, %mul3A_218 : i32
        %add3A_220 = arith.constant 2 : i32
        %add3A_221 = arith.addi %mul3A_219, %add3A_220 : i32
        %mul3A_222 = arith.constant 16 : i32
        %mul3A_223 = arith.muli %add3A_221, %mul3A_222 : i32
        %get3A_224 = arith.index_cast %mul3A_223 : i32 to index
        %get3A_225 = tpu.vector_load %arg13[%get3A_224] {strides = array<i32>} : memref<6144xf32, #tpu.memory_space<vmem>>, vector<16xf32>,
        %add3A_226 = arith.addf %add3A_202, %get3A_225 : vector<16xf32>
        %mul3A_227 = arith.constant 16 : i32
        %mul3A_228 = arith.muli %add3A_221, %mul3A_227 : i32
        %get3A_229 = arith.index_cast %mul3A_228 : i32 to index
        %get3A_230 = tpu.vector_load %arg14[%get3A_229] {strides = array<i32>} : memref<6144xf32, #tpu.memory_space<vmem>>, vector<16xf32>,
        %add3A_231 = arith.addf %add3A_207, %get3A_230 : vector<16xf32>
        %not3A_232 = arith.constant dense<true> : vector<16xi1>
        %not3A_233 = arith.xori %or3A_217, %not3A_232 : vector<16xi1>
        %ge3A_234 = vector.broadcast %mul3A_85 : f32 to vector<16xf32>
        %ge3A_235 = arith.cmpf oge, %add3A_226, %ge3A_234 : vector<16xf32>
        %and3A_236 = arith.andi %not3A_233, %ge3A_235 : vector<16xi1>
        %select_n3A_237 = arith.select %and3A_236, %add3A_226, %select_n3A_213 : vector<16xi1>, vector<16xf32>
        %select_n3A_238 = arith.select %and3A_236, %add3A_231, %select_n3A_214 : vector<16xi1>, vector<16xf32>
        %broadcast_in_dim3A_239 = vector.broadcast %add3A_221 : i32 to vector<16xi32>
        %select_n3A_240 = arith.select %and3A_236, %broadcast_in_dim3A_239, %select_n3A_216 : vector<16xi1>, vector<16xi32>
        %or3A_241 = arith.ori %or3A_217, %and3A_236 : vector<16xi1>
        %mul3A_242 = arith.constant 8 : i32
        %mul3A_243 = arith.muli %while3A_166, %mul3A_242 : i32
        %add3A_244 = arith.constant 3 : i32
        %add3A_245 = arith.addi %mul3A_243, %add3A_244 : i32
        %mul3A_246 = arith.constant 16 : i32
        %mul3A_247 = arith.muli %add3A_245, %mul3A_246 : i32
        %get3A_248 = arith.index_cast %mul3A_247 : i32 to index
        %get3A_249 = tpu.vector_load %arg13[%get3A_248] {strides = array<i32>} : memref<6144xf32, #tpu.memory_space<vmem>>, vector<16xf32>,
        %add3A_250 = arith.addf %add3A_226, %get3A_249 : vector<16xf32>
        %mul3A_251 = arith.constant 16 : i32
        %mul3A_252 = arith.muli %add3A_245, %mul3A_251 : i32
        %get3A_253 = arith.index_cast %mul3A_252 : i32 to index
        %get3A_254 = tpu.vector_load %arg14[%get3A_253] {strides = array<i32>} : memref<6144xf32, #tpu.memory_space<vmem>>, vector<16xf32>,
        %add3A_255 = arith.addf %add3A_231, %get3A_254 : vector<16xf32>
        %not3A_256 = arith.constant dense<true> : vector<16xi1>
        %not3A_257 = arith.xori %or3A_241, %not3A_256 : vector<16xi1>
        %ge3A_258 = vector.broadcast %mul3A_85 : f32 to vector<16xf32>
        %ge3A_259 = arith.cmpf oge, %add3A_250, %ge3A_258 : vector<16xf32>
        %and3A_260 = arith.andi %not3A_257, %ge3A_259 : vector<16xi1>
        %select_n3A_261 = arith.select %and3A_260, %add3A_250, %select_n3A_237 : vector<16xi1>, vector<16xf32>
        %select_n3A_262 = arith.select %and3A_260, %add3A_255, %select_n3A_238 : vector<16xi1>, vector<16xf32>
        %broadcast_in_dim3A_263 = vector.broadcast %add3A_245 : i32 to vector<16xi32>
        %select_n3A_264 = arith.select %and3A_260, %broadcast_in_dim3A_263, %select_n3A_240 : vector<16xi1>, vector<16xi32>
        %or3A_265 = arith.ori %or3A_241, %and3A_260 : vector<16xi1>
        %mul3A_266 = arith.constant 8 : i32
        %mul3A_267 = arith.muli %while3A_166, %mul3A_266 : i32
        %add3A_268 = arith.constant 4 : i32
        %add3A_269 = arith.addi %mul3A_267, %add3A_268 : i32
        %mul3A_270 = arith.constant 16 : i32
        %mul3A_271 = arith.muli %add3A_269, %mul3A_270 : i32
        %get3A_272 = arith.index_cast %mul3A_271 : i32 to index
        %get3A_273 = tpu.vector_load %arg13[%get3A_272] {strides = array<i32>} : memref<6144xf32, #tpu.memory_space<vmem>>, vector<16xf32>,
        %add3A_274 = arith.addf %add3A_250, %get3A_273 : vector<16xf32>
        %mul3A_275 = arith.constant 16 : i32
        %mul3A_276 = arith.muli %add3A_269, %mul3A_275 : i32
        %get3A_277 = arith.index_cast %mul3A_276 : i32 to index
        %get3A_278 = tpu.vector_load %arg14[%get3A_277] {strides = array<i32>} : memref<6144xf32, #tpu.memory_space<vmem>>, vector<16xf32>,
        %add3A_279 = arith.addf %add3A_255, %get3A_278 : vector<16xf32>
        %not3A_280 = arith.constant dense<true> : vector<16xi1>
        %not3A_281 = arith.xori %or3A_265, %not3A_280 : vector<16xi1>
        %ge3A_282 = vector.broadcast %mul3A_85 : f32 to vector<16xf32>
        %ge3A_283 = arith.cmpf oge, %add3A_274, %ge3A_282 : vector<16xf32>
        %and3A_284 = arith.andi %not3A_281, %ge3A_283 : vector<16xi1>
        %select_n3A_285 = arith.select %and3A_284, %add3A_274, %select_n3A_261 : vector<16xi1>, vector<16xf32>
        %select_n3A_286 = arith.select %and3A_284, %add3A_279, %select_n3A_262 : vector<16xi1>, vector<16xf32>
        %broadcast_in_dim3A_287 = vector.broadcast %add3A_269 : i32 to vector<16xi32>
        %select_n3A_288 = arith.select %and3A_284, %broadcast_in_dim3A_287, %select_n3A_264 : vector<16xi1>, vector<16xi32>
        %or3A_289 = arith.ori %or3A_265, %and3A_284 : vector<16xi1>
        %mul3A_290 = arith.constant 8 : i32
        %mul3A_291 = arith.muli %while3A_166, %mul3A_290 : i32
        %add3A_292 = arith.constant 5 : i32
        %add3A_293 = arith.addi %mul3A_291, %add3A_292 : i32
        %mul3A_294 = arith.constant 16 : i32
        %mul3A_295 = arith.muli %add3A_293, %mul3A_294 : i32
        %get3A_296 = arith.index_cast %mul3A_295 : i32 to index
        %get3A_297 = tpu.vector_load %arg13[%get3A_296] {strides = array<i32>} : memref<6144xf32, #tpu.memory_space<vmem>>, vector<16xf32>,
        %add3A_298 = arith.addf %add3A_274, %get3A_297 : vector<16xf32>
        %mul3A_299 = arith.constant 16 : i32
        %mul3A_300 = arith.muli %add3A_293, %mul3A_299 : i32
        %get3A_301 = arith.index_cast %mul3A_300 : i32 to index
        %get3A_302 = tpu.vector_load %arg14[%get3A_301] {strides = array<i32>} : memref<6144xf32, #tpu.memory_space<vmem>>, vector<16xf32>,
        %add3A_303 = arith.addf %add3A_279, %get3A_302 : vector<16xf32>
        %not3A_304 = arith.constant dense<true> : vector<16xi1>
        %not3A_305 = arith.xori %or3A_289, %not3A_304 : vector<16xi1>
        %ge3A_306 = vector.broadcast %mul3A_85 : f32 to vector<16xf32>
        %ge3A_307 = arith.cmpf oge, %add3A_298, %ge3A_306 : vector<16xf32>
        %and3A_308 = arith.andi %not3A_305, %ge3A_307 : vector<16xi1>
        %select_n3A_309 = arith.select %and3A_308, %add3A_298, %select_n3A_285 : vector<16xi1>, vector<16xf32>
        %select_n3A_310 = arith.select %and3A_308, %add3A_303, %select_n3A_286 : vector<16xi1>, vector<16xf32>
        %broadcast_in_dim3A_311 = vector.broadcast %add3A_293 : i32 to vector<16xi32>
        %select_n3A_312 = arith.select %and3A_308, %broadcast_in_dim3A_311, %select_n3A_288 : vector<16xi1>, vector<16xi32>
        %or3A_313 = arith.ori %or3A_289, %and3A_308 : vector<16xi1>
        %mul3A_314 = arith.constant 8 : i32
        %mul3A_315 = arith.muli %while3A_166, %mul3A_314 : i32
        %add3A_316 = arith.constant 6 : i32
        %add3A_317 = arith.addi %mul3A_315, %add3A_316 : i32
        %mul3A_318 = arith.constant 16 : i32
        %mul3A_319 = arith.muli %add3A_317, %mul3A_318 : i32
        %get3A_320 = arith.index_cast %mul3A_319 : i32 to index
        %get3A_321 = tpu.vector_load %arg13[%get3A_320] {strides = array<i32>} : memref<6144xf32, #tpu.memory_space<vmem>>, vector<16xf32>,
        %add3A_322 = arith.addf %add3A_298, %get3A_321 : vector<16xf32>
        %mul3A_323 = arith.constant 16 : i32
        %mul3A_324 = arith.muli %add3A_317, %mul3A_323 : i32
        %get3A_325 = arith.index_cast %mul3A_324 : i32 to index
        %get3A_326 = tpu.vector_load %arg14[%get3A_325] {strides = array<i32>} : memref<6144xf32, #tpu.memory_space<vmem>>, vector<16xf32>,
        %add3A_327 = arith.addf %add3A_303, %get3A_326 : vector<16xf32>
        %not3A_328 = arith.constant dense<true> : vector<16xi1>
        %not3A_329 = arith.xori %or3A_313, %not3A_328 : vector<16xi1>
        %ge3A_330 = vector.broadcast %mul3A_85 : f32 to vector<16xf32>
        %ge3A_331 = arith.cmpf oge, %add3A_322, %ge3A_330 : vector<16xf32>
        %and3A_332 = arith.andi %not3A_329, %ge3A_331 : vector<16xi1>
        %select_n3A_333 = arith.select %and3A_332, %add3A_322, %select_n3A_309 : vector<16xi1>, vector<16xf32>
        %select_n3A_334 = arith.select %and3A_332, %add3A_327, %select_n3A_310 : vector<16xi1>, vector<16xf32>
        %broadcast_in_dim3A_335 = vector.broadcast %add3A_317 : i32 to vector<16xi32>
        %select_n3A_336 = arith.select %and3A_332, %broadcast_in_dim3A_335, %select_n3A_312 : vector<16xi1>, vector<16xi32>
        %or3A_337 = arith.ori %or3A_313, %and3A_332 : vector<16xi1>
        %mul3A_338 = arith.constant 8 : i32
        %mul3A_339 = arith.muli %while3A_166, %mul3A_338 : i32
        %add3A_340 = arith.constant 7 : i32
        %add3A_341 = arith.addi %mul3A_339, %add3A_340 : i32
        %mul3A_342 = arith.constant 16 : i32
        %mul3A_343 = arith.muli %add3A_341, %mul3A_342 : i32
        %get3A_344 = arith.index_cast %mul3A_343 : i32 to index
        %get3A_345 = tpu.vector_load %arg13[%get3A_344] {strides = array<i32>} : memref<6144xf32, #tpu.memory_space<vmem>>, vector<16xf32>,
        %add3A_346 = arith.addf %add3A_322, %get3A_345 : vector<16xf32>
        %mul3A_347 = arith.constant 16 : i32
        %mul3A_348 = arith.muli %add3A_341, %mul3A_347 : i32
        %get3A_349 = arith.index_cast %mul3A_348 : i32 to index
        %get3A_350 = tpu.vector_load %arg14[%get3A_349] {strides = array<i32>} : memref<6144xf32, #tpu.memory_space<vmem>>, vector<16xf32>,
        %add3A_351 = arith.addf %add3A_327, %get3A_350 : vector<16xf32>
        %not3A_352 = arith.constant dense<true> : vector<16xi1>
        %not3A_353 = arith.xori %or3A_337, %not3A_352 : vector<16xi1>
        %ge3A_354 = vector.broadcast %mul3A_85 : f32 to vector<16xf32>
        %ge3A_355 = arith.cmpf oge, %add3A_346, %ge3A_354 : vector<16xf32>
        %and3A_356 = arith.andi %not3A_353, %ge3A_355 : vector<16xi1>
        %select_n3A_357 = arith.select %and3A_356, %add3A_346, %select_n3A_333 : vector<16xi1>, vector<16xf32>
        %select_n3A_358 = arith.select %and3A_356, %add3A_351, %select_n3A_334 : vector<16xi1>, vector<16xf32>
        %broadcast_in_dim3A_359 = vector.broadcast %add3A_341 : i32 to vector<16xi32>
        %select_n3A_360 = arith.select %and3A_356, %broadcast_in_dim3A_359, %select_n3A_336 : vector<16xi1>, vector<16xi32>
        %or3A_361 = arith.ori %or3A_337, %and3A_356 : vector<16xi1>
        %add3A_362 = arith.constant 1 : i32
        %add3A_363 = arith.addi %while3A_166, %add3A_362 : i32
        scf.yield %add3A_363, %add3A_346, %add3A_351, %select_n3A_357, %select_n3A_358, %select_n3A_360, %or3A_361 : i32, vector<16xf32>, vector<16xf32>, vector<16xf32>, vector<16xf32>, vector<16xi32>, vector<16xi1>
      }
      %select_n3A_114 = arith.select %while3A_113#6, %while3A_113#3, %while3A_113#1 : vector<16xi1>, vector<16xf32>
      %select_n3A_115 = arith.select %while3A_113#6, %while3A_113#4, %while3A_113#2 : vector<16xi1>, vector<16xf32>
      %add3A_116 = arith.constant 1 : i32
      %add3A_117 = vector.broadcast %add3A_116 : i32 to vector<16xi32>
      %add3A_118 = arith.addi %while3A_113#5, %add3A_117 : vector<16xi32>
      %convert_element_type3A = arith.sitofp %add3A_118 : vector<16xi32> to vector<16xf32>
      %mul3A_119 = arith.constant 0.022135416 : f32
      %mul3A_120 = vector.broadcast %mul3A_119 : f32 to vector<16xf32>
      %mul3A_121 = arith.mulf %convert_element_type3A, %mul3A_120 : vector<16xf32>
      %sub3A_122 = vector.broadcast %mul3A_85 : f32 to vector<16xf32>
      %sub3A_123 = arith.subf %sub3A_122, %select_n3A_114 : vector<16xf32>
      %mul3A_124 = arith.mulf %mul3A_121, %sub3A_123 : vector<16xf32>
      %add3A_125 = arith.addf %select_n3A_115, %mul3A_124 : vector<16xf32>
      %div3A_126 = vector.broadcast %mul3A_85 : f32 to vector<16xf32>
      %div3A_127 = arith.divf %add3A_125, %div3A_126 : vector<16xf32>
      %bitcast3A = vector.bitcast %div3A_127 : vector<16xf32> to vector<16xi32>
      %shift_right_arithmetic3A = arith.constant 1 : i32
      %shift_right_arithmetic3A_128 = vector.broadcast %shift_right_arithmetic3A : i32 to vector<16xi32>
      %shift_right_arithmetic3A_129 = arith.shrsi %bitcast3A, %shift_right_arithmetic3A_128 : vector<16xi32>
      %sub3A_130 = arith.constant 1597463007 : i32
      %sub3A_131 = vector.broadcast %sub3A_130 : i32 to vector<16xi32>
      %sub3A_132 = arith.subi %sub3A_131, %shift_right_arithmetic3A_129 : vector<16xi32>
      %bitcast3A_133 = vector.bitcast %sub3A_132 : vector<16xi32> to vector<16xf32>
      %mul3A_134 = arith.constant 5.000000e-01 : f32
      %mul3A_135 = vector.broadcast %mul3A_134 : f32 to vector<16xf32>
      %mul3A_136 = arith.mulf %mul3A_135, %div3A_127 : vector<16xf32>
      %mul3A_137 = arith.mulf %mul3A_136, %bitcast3A_133 : vector<16xf32>
      %mul3A_138 = arith.mulf %mul3A_137, %bitcast3A_133 : vector<16xf32>
      %sub3A_139 = arith.constant 1.500000e+00 : f32
      %sub3A_140 = vector.broadcast %sub3A_139 : f32 to vector<16xf32>
      %sub3A_141 = arith.subf %sub3A_140, %mul3A_138 : vector<16xf32>
      %mul3A_142 = arith.mulf %bitcast3A_133, %sub3A_141 : vector<16xf32>
      %mul3A_143 = arith.constant 5.000000e-01 : f32
      %mul3A_144 = vector.broadcast %mul3A_143 : f32 to vector<16xf32>
      %mul3A_145 = arith.mulf %mul3A_144, %div3A_127 : vector<16xf32>
      %mul3A_146 = arith.mulf %mul3A_145, %mul3A_142 : vector<16xf32>
      %mul3A_147 = arith.mulf %mul3A_146, %mul3A_142 : vector<16xf32>
      %sub3A_148 = arith.constant 1.500000e+00 : f32
      %sub3A_149 = vector.broadcast %sub3A_148 : f32 to vector<16xf32>
      %sub3A_150 = arith.subf %sub3A_149, %mul3A_147 : vector<16xf32>
      %mul3A_151 = arith.mulf %mul3A_142, %sub3A_150 : vector<16xf32>
      %mul3A_152 = arith.constant 5.000000e-01 : f32
      %mul3A_153 = vector.broadcast %mul3A_152 : f32 to vector<16xf32>
      %mul3A_154 = arith.mulf %mul3A_153, %div3A_127 : vector<16xf32>
      %mul3A_155 = arith.mulf %mul3A_154, %mul3A_151 : vector<16xf32>
      %mul3A_156 = arith.mulf %mul3A_155, %mul3A_151 : vector<16xf32>
      %sub3A_157 = arith.constant 1.500000e+00 : f32
      %sub3A_158 = vector.broadcast %sub3A_157 : f32 to vector<16xf32>
      %sub3A_159 = arith.subf %sub3A_158, %mul3A_156 : vector<16xf32>
      %mul3A_160 = arith.mulf %mul3A_151, %sub3A_159 : vector<16xf32>
      %mul3A_161 = arith.mulf %div3A_127, %mul3A_160 : vector<16xf32>
      %mul3A_162 = arith.constant 16 : i32
      %mul3A_163 = arith.muli %scan3A_95, %mul3A_162 : i32
      %swap3A = arith.index_cast %mul3A_163 : i32 to index
      %swap3A_164 = tpu.vector_load %arg15[%swap3A] {strides = array<i32>} : memref<384xf32, #tpu.memory_space<vmem>>, vector<16xf32>,
      tpu.vector_store %arg15[%swap3A], %mul3A_161 {strides = array<i32>} : memref<384xf32, #tpu.memory_space<vmem>>, vector<16xf32>,
      %scan3A_165 = arith.constant 0 : i32
      scf.yield %scan3A_165 : i32
    }
    %scan3A_92 = arith.constant 24 : i32
    %mul3A_93 = arith.constant 384 : i32
    %mul3A_94 = arith.muli %add3A, %mul3A_93 : i32
    "tpu.region"() ({
      %run_scoped3A = tpu.sem_alloc : memref<!tpu.dma_semaphore, #tpu.memory_space<semaphore_mem>>
      %dma_start3A = tpu.memref_slice %arg7[%mul3A_94] : memref<12288xf32, #tpu.memory_space<hbm>> -> memref<384xf32, #tpu.memory_space<hbm>>
      %dma_start3A_95 = tpu.memref_slice %arg7[%mul3A_94] : memref<12288xf32, #tpu.memory_space<hbm>> -> memref<384xf32, #tpu.memory_space<hbm>>
      tpu.enqueue_dma source(%arg15 : memref<384xf32, #tpu.memory_space<vmem>>) target(%dma_start3A_95 : memref<384xf32, #tpu.memory_space<hbm>>) target_semaphore(%run_scoped3A : memref<!tpu.dma_semaphore, #tpu.memory_space<semaphore_mem>>)
      %dma_wait3A = tpu.memref_slice %arg7[%mul3A_94] : memref<12288xf32, #tpu.memory_space<hbm>> -> memref<384xf32, #tpu.memory_space<hbm>>
      %dma_wait3A_96 = tpu.memref_slice %arg7[%mul3A_94] : memref<12288xf32, #tpu.memory_space<hbm>> -> memref<384xf32, #tpu.memory_space<hbm>>
      tpu.wait_dma2 semaphore(%run_scoped3A : memref<!tpu.dma_semaphore, #tpu.memory_space<semaphore_mem>>) src(%arg15 : memref<384xf32, #tpu.memory_space<vmem>>) dst(%dma_wait3A_96 : memref<384xf32, #tpu.memory_space<hbm>>)
      tpu.yield
    }) : () -> ()
    return
  }
}

module attributes {stable_mosaic.version = 14 : i64} {
  func.func @_dtm_tc_kernel(%arg0: i32, %arg1: memref<8x2x2304xf32, #tpu.memory_space<vmem>>, %arg2: memref<8x1x2304xf32, #tpu.memory_space<vmem>>, %arg3: memref<128x2xf32, #tpu.memory_space<vmem>>, %arg4: memref<128x8xf32, #tpu.memory_space<vmem>>) attributes {dimension_semantics = [#tpu.dimension_semantics<arbitrary>], iteration_bounds = array<i64: 6>, scalar_prefetch = 0 : i64, scratch_operands = 0 : i64, tpu.core_type = #tpu.core_type<tc>, window_params = [{pipeline_mode = #tpu.pipeline_mode<synchronous>, transform_indices = @transform_0, window_bounds = array<i64: 8, 2, 2304>}, {pipeline_mode = #tpu.pipeline_mode<synchronous>, transform_indices = @transform_1, window_bounds = array<i64: 8, 1, 2304>}, {transform_indices = @transform_2, window_bounds = array<i64: 128, 2>}, {transform_indices = @transform_3, window_bounds = array<i64: 128, 8>}]} {
    %get3A = arith.constant 0 : index
    %get3A_0 = arith.constant 0 : index
    %get3A_1 = vector.load %arg3[%get3A, %get3A_0] : memref<128x2xf32, #tpu.memory_space<vmem>>, vector<128x1xf32>
    %get3A_2 = arith.constant 0 : index
    %get3A_3 = arith.constant 1 : index
    %get3A_4 = vector.load %arg3[%get3A_2, %get3A_3] : memref<128x2xf32, #tpu.memory_space<vmem>>, vector<128x1xf32>
    %get3A_5 = arith.constant 0 : index
    %get3A_6 = arith.constant 0 : index
    %get3A_7 = arith.constant 0 : index
    %get3A_8 = vector.load %arg1[%get3A_5, %get3A_6, %get3A_7] : memref<8x2x2304xf32, #tpu.memory_space<vmem>>, vector<1x1x2304xf32>
    %get3A_9 = vector.shape_cast %get3A_8 : vector<1x1x2304xf32> to vector<1x2304xf32>
    %get3A_10 = arith.constant 0 : index
    %get3A_11 = arith.constant 1 : index
    %get3A_12 = arith.constant 0 : index
    %get3A_13 = vector.load %arg1[%get3A_10, %get3A_11, %get3A_12] : memref<8x2x2304xf32, #tpu.memory_space<vmem>>, vector<1x1x2304xf32>
    %get3A_14 = vector.shape_cast %get3A_13 : vector<1x1x2304xf32> to vector<1x2304xf32>
    %get3A_15 = arith.constant 0 : index
    %get3A_16 = arith.constant 0 : index
    %get3A_17 = arith.constant 0 : index
    %get3A_18 = vector.load %arg2[%get3A_15, %get3A_16, %get3A_17] : memref<8x1x2304xf32, #tpu.memory_space<vmem>>, vector<1x1x2304xf32>
    %get3A_19 = vector.shape_cast %get3A_18 : vector<1x1x2304xf32> to vector<1x2304xf32>
    %reduce_sum3A = vector.shape_cast %get3A_19 : vector<1x2304xf32> to vector<1x1x2304xf32>
    %reduce_sum3A_20 = arith.constant dense<0.000000e+00> : vector<1xf32>
    %reduce_sum3A_21 = vector.multi_reduction <add>, %reduce_sum3A, %reduce_sum3A_20 [1, 2] : vector<1x1x2304xf32> to vector<1xf32>
    %reduce_sum3A_22 = vector.shape_cast %reduce_sum3A_21 : vector<1xf32> to vector<1x1x1xf32>
    %reduce_sum3A_23 = vector.extract %reduce_sum3A_22[0, 0, 0] : f32 from vector<1x1x1xf32>
    %mul3A = arith.constant 3.000000e-01 : f32
    %mul3A_24 = arith.mulf %mul3A, %reduce_sum3A_23 : f32
    %sub3A = vector.broadcast %get3A_1 : vector<128x1xf32> to vector<128x2304xf32>
    %sub3A_25 = vector.broadcast %get3A_9 : vector<1x2304xf32> to vector<128x2304xf32>
    %sub3A_26 = arith.subf %sub3A, %sub3A_25 : vector<128x2304xf32>
    %sub3A_27 = vector.broadcast %get3A_4 : vector<128x1xf32> to vector<128x2304xf32>
    %sub3A_28 = vector.broadcast %get3A_14 : vector<1x2304xf32> to vector<128x2304xf32>
    %sub3A_29 = arith.subf %sub3A_27, %sub3A_28 : vector<128x2304xf32>
    %mul3A_30 = arith.mulf %sub3A_26, %sub3A_26 : vector<128x2304xf32>
    %mul3A_31 = arith.mulf %sub3A_29, %sub3A_29 : vector<128x2304xf32>
    %add3A = arith.addf %mul3A_30, %mul3A_31 : vector<128x2304xf32>
    %max3A = arith.constant 9.99999996E-13 : f32
    %max3A_32 = vector.broadcast %max3A : f32 to vector<128x2304xf32>
    %max3A_33 = arith.maximumf %add3A, %max3A_32 : vector<128x2304xf32>
    %mul3A_34 = vector.broadcast %get3A_19 : vector<1x2304xf32> to vector<128x2304xf32>
    %mul3A_35 = arith.mulf %mul3A_34, %max3A_33 : vector<128x2304xf32>
    %broadcast_in_dim3A = arith.constant 0.000000e+00 : f32
    %broadcast_in_dim3A_36 = vector.broadcast %broadcast_in_dim3A : f32 to vector<128x1xf32>
    %broadcast_in_dim3A_37 = arith.constant 8.500000e+00 : f32
    %broadcast_in_dim3A_38 = vector.broadcast %broadcast_in_dim3A_37 : f32 to vector<128x1xf32>
    %scan3A = arith.constant 0 : i32
    %scan3A_39 = arith.constant 16 : i32
    %scan3A_40 = arith.addi %scan3A, %scan3A_39 : i32
    %scan3A_41 = arith.constant 1 : i32
    %scan3A_42:2 = scf.for %scan3A_592 = %scan3A to %scan3A_40 step %scan3A_41 iter_args(%scan3A_593 = %broadcast_in_dim3A_36, %scan3A_594 = %broadcast_in_dim3A_38) -> (vector<128x1xf32>, vector<128x1xf32>)  : i32 {
      %add3A_595 = arith.addf %scan3A_593, %scan3A_594 : vector<128x1xf32>
      %mul3A_596 = arith.constant 5.000000e-01 : f32
      %mul3A_597 = vector.broadcast %mul3A_596 : f32 to vector<128x1xf32>
      %mul3A_598 = arith.mulf %mul3A_597, %add3A_595 : vector<128x1xf32>
      %lt3A_599 = vector.broadcast %mul3A_598 : vector<128x1xf32> to vector<128x2304xf32>
      %lt3A_600 = arith.cmpf olt, %max3A_33, %lt3A_599 : vector<128x2304xf32>
      %jit3A_601 = arith.constant 0.000000e+00 : f32
      %broadcast_in_dim3A_602 = vector.shape_cast %get3A_19 : vector<1x2304xf32> to vector<1x2304xf32>
      %broadcast_in_dim3A_603 = vector.broadcast %broadcast_in_dim3A_602 : vector<1x2304xf32> to vector<128x2304xf32>
      %broadcast_in_dim3A_604 = vector.broadcast %jit3A_601 : f32 to vector<128x2304xf32>
      %select_n3A_605 = arith.select %lt3A_600, %broadcast_in_dim3A_603, %broadcast_in_dim3A_604 : vector<128x2304xi1>, vector<128x2304xf32>
      %reduce_sum3A_606 = arith.constant dense<0.000000e+00> : vector<128xf32>
      %reduce_sum3A_607 = vector.multi_reduction <add>, %select_n3A_605, %reduce_sum3A_606 [1] : vector<128x2304xf32> to vector<128xf32>
      %broadcast_in_dim3A_608 = vector.shape_cast %reduce_sum3A_607 : vector<128xf32> to vector<128x1xf32>
      %lt3A_609 = vector.broadcast %mul3A_24 : f32 to vector<128x1xf32>
      %lt3A_610 = arith.cmpf olt, %broadcast_in_dim3A_608, %lt3A_609 : vector<128x1xf32>
      %select_n3A_611 = arith.select %lt3A_610, %mul3A_598, %scan3A_593 : vector<128x1xi1>, vector<128x1xf32>
      %select_n3A_612 = arith.select %lt3A_610, %scan3A_594, %mul3A_598 : vector<128x1xi1>, vector<128x1xf32>
      scf.yield %select_n3A_611, %select_n3A_612 : vector<128x1xf32>, vector<128x1xf32>
    }
    %add3A_43 = arith.addf %scan3A_42#0, %scan3A_42#1 : vector<128x1xf32>
    %mul3A_44 = arith.constant 5.000000e-01 : f32
    %mul3A_45 = vector.broadcast %mul3A_44 : f32 to vector<128x1xf32>
    %mul3A_46 = arith.mulf %mul3A_45, %add3A_43 : vector<128x1xf32>
    %lt3A = vector.broadcast %mul3A_46 : vector<128x1xf32> to vector<128x2304xf32>
    %lt3A_47 = arith.cmpf olt, %max3A_33, %lt3A : vector<128x2304xf32>
    %jit3A = arith.constant 0.000000e+00 : f32
    %broadcast_in_dim3A_48 = vector.shape_cast %get3A_19 : vector<1x2304xf32> to vector<1x2304xf32>
    %broadcast_in_dim3A_49 = vector.broadcast %broadcast_in_dim3A_48 : vector<1x2304xf32> to vector<128x2304xf32>
    %broadcast_in_dim3A_50 = vector.broadcast %jit3A : f32 to vector<128x2304xf32>
    %select_n3A = arith.select %lt3A_47, %broadcast_in_dim3A_49, %broadcast_in_dim3A_50 : vector<128x2304xi1>, vector<128x2304xf32>
    %reduce_sum3A_51 = arith.constant dense<0.000000e+00> : vector<128xf32>
    %reduce_sum3A_52 = vector.multi_reduction <add>, %select_n3A, %reduce_sum3A_51 [1] : vector<128x2304xf32> to vector<128xf32>
    %broadcast_in_dim3A_53 = vector.shape_cast %reduce_sum3A_52 : vector<128xf32> to vector<128x1xf32>
    %jit3A_54 = arith.constant 0.000000e+00 : f32
    %broadcast_in_dim3A_55 = vector.broadcast %jit3A_54 : f32 to vector<128x2304xf32>
    %select_n3A_56 = arith.select %lt3A_47, %mul3A_35, %broadcast_in_dim3A_55 : vector<128x2304xi1>, vector<128x2304xf32>
    %reduce_sum3A_57 = arith.constant dense<0.000000e+00> : vector<128xf32>
    %reduce_sum3A_58 = vector.multi_reduction <add>, %select_n3A_56, %reduce_sum3A_57 [1] : vector<128x2304xf32> to vector<128xf32>
    %broadcast_in_dim3A_59 = vector.shape_cast %reduce_sum3A_58 : vector<128xf32> to vector<128x1xf32>
    %sub3A_60 = vector.broadcast %mul3A_24 : f32 to vector<128x1xf32>
    %sub3A_61 = arith.subf %sub3A_60, %broadcast_in_dim3A_53 : vector<128x1xf32>
    %mul3A_62 = arith.mulf %mul3A_46, %sub3A_61 : vector<128x1xf32>
    %add3A_63 = arith.addf %broadcast_in_dim3A_59, %mul3A_62 : vector<128x1xf32>
    %div3A = vector.broadcast %mul3A_24 : f32 to vector<128x1xf32>
    %div3A_64 = arith.divf %add3A_63, %div3A : vector<128x1xf32>
    %sqrt3A = math.sqrt %div3A_64 : vector<128x1xf32>
    %swap3A = arith.constant 0 : index
    %swap3A_65 = arith.constant 0 : index
    %swap3A_66 = vector.load %arg4[%swap3A, %swap3A_65] : memref<128x8xf32, #tpu.memory_space<vmem>>, vector<128x1xf32>
    tpu.vector_store %arg4[%swap3A, %swap3A_65], %sqrt3A {strides = array<i32>} : memref<128x8xf32, #tpu.memory_space<vmem>>, vector<128x1xf32>,
    %get3A_67 = arith.constant 1 : index
    %get3A_68 = arith.constant 0 : index
    %get3A_69 = arith.constant 0 : index
    %get3A_70 = vector.load %arg1[%get3A_67, %get3A_68, %get3A_69] : memref<8x2x2304xf32, #tpu.memory_space<vmem>>, vector<1x1x2304xf32>
    %get3A_71 = vector.shape_cast %get3A_70 : vector<1x1x2304xf32> to vector<1x2304xf32>
    %get3A_72 = arith.constant 1 : index
    %get3A_73 = arith.constant 1 : index
    %get3A_74 = arith.constant 0 : index
    %get3A_75 = vector.load %arg1[%get3A_72, %get3A_73, %get3A_74] : memref<8x2x2304xf32, #tpu.memory_space<vmem>>, vector<1x1x2304xf32>
    %get3A_76 = vector.shape_cast %get3A_75 : vector<1x1x2304xf32> to vector<1x2304xf32>
    %get3A_77 = arith.constant 1 : index
    %get3A_78 = arith.constant 0 : index
    %get3A_79 = arith.constant 0 : index
    %get3A_80 = vector.load %arg2[%get3A_77, %get3A_78, %get3A_79] : memref<8x1x2304xf32, #tpu.memory_space<vmem>>, vector<1x1x2304xf32>
    %get3A_81 = vector.shape_cast %get3A_80 : vector<1x1x2304xf32> to vector<1x2304xf32>
    %reduce_sum3A_82 = vector.shape_cast %get3A_81 : vector<1x2304xf32> to vector<1x1x2304xf32>
    %reduce_sum3A_83 = arith.constant dense<0.000000e+00> : vector<1xf32>
    %reduce_sum3A_84 = vector.multi_reduction <add>, %reduce_sum3A_82, %reduce_sum3A_83 [1, 2] : vector<1x1x2304xf32> to vector<1xf32>
    %reduce_sum3A_85 = vector.shape_cast %reduce_sum3A_84 : vector<1xf32> to vector<1x1x1xf32>
    %reduce_sum3A_86 = vector.extract %reduce_sum3A_85[0, 0, 0] : f32 from vector<1x1x1xf32>
    %mul3A_87 = arith.constant 3.000000e-01 : f32
    %mul3A_88 = arith.mulf %mul3A_87, %reduce_sum3A_86 : f32
    %sub3A_89 = vector.broadcast %get3A_1 : vector<128x1xf32> to vector<128x2304xf32>
    %sub3A_90 = vector.broadcast %get3A_71 : vector<1x2304xf32> to vector<128x2304xf32>
    %sub3A_91 = arith.subf %sub3A_89, %sub3A_90 : vector<128x2304xf32>
    %sub3A_92 = vector.broadcast %get3A_4 : vector<128x1xf32> to vector<128x2304xf32>
    %sub3A_93 = vector.broadcast %get3A_76 : vector<1x2304xf32> to vector<128x2304xf32>
    %sub3A_94 = arith.subf %sub3A_92, %sub3A_93 : vector<128x2304xf32>
    %mul3A_95 = arith.mulf %sub3A_91, %sub3A_91 : vector<128x2304xf32>
    %mul3A_96 = arith.mulf %sub3A_94, %sub3A_94 : vector<128x2304xf32>
    %add3A_97 = arith.addf %mul3A_95, %mul3A_96 : vector<128x2304xf32>
    %max3A_98 = arith.constant 9.99999996E-13 : f32
    %max3A_99 = vector.broadcast %max3A_98 : f32 to vector<128x2304xf32>
    %max3A_100 = arith.maximumf %add3A_97, %max3A_99 : vector<128x2304xf32>
    %mul3A_101 = vector.broadcast %get3A_81 : vector<1x2304xf32> to vector<128x2304xf32>
    %mul3A_102 = arith.mulf %mul3A_101, %max3A_100 : vector<128x2304xf32>
    %broadcast_in_dim3A_103 = arith.constant 0.000000e+00 : f32
    %broadcast_in_dim3A_104 = vector.broadcast %broadcast_in_dim3A_103 : f32 to vector<128x1xf32>
    %broadcast_in_dim3A_105 = arith.constant 8.500000e+00 : f32
    %broadcast_in_dim3A_106 = vector.broadcast %broadcast_in_dim3A_105 : f32 to vector<128x1xf32>
    %scan3A_107 = arith.constant 0 : i32
    %scan3A_108 = arith.constant 16 : i32
    %scan3A_109 = arith.addi %scan3A_107, %scan3A_108 : i32
    %scan3A_110 = arith.constant 1 : i32
    %scan3A_111:2 = scf.for %scan3A_592 = %scan3A_107 to %scan3A_109 step %scan3A_110 iter_args(%scan3A_593 = %broadcast_in_dim3A_104, %scan3A_594 = %broadcast_in_dim3A_106) -> (vector<128x1xf32>, vector<128x1xf32>)  : i32 {
      %add3A_595 = arith.addf %scan3A_593, %scan3A_594 : vector<128x1xf32>
      %mul3A_596 = arith.constant 5.000000e-01 : f32
      %mul3A_597 = vector.broadcast %mul3A_596 : f32 to vector<128x1xf32>
      %mul3A_598 = arith.mulf %mul3A_597, %add3A_595 : vector<128x1xf32>
      %lt3A_599 = vector.broadcast %mul3A_598 : vector<128x1xf32> to vector<128x2304xf32>
      %lt3A_600 = arith.cmpf olt, %max3A_100, %lt3A_599 : vector<128x2304xf32>
      %jit3A_601 = arith.constant 0.000000e+00 : f32
      %broadcast_in_dim3A_602 = vector.shape_cast %get3A_81 : vector<1x2304xf32> to vector<1x2304xf32>
      %broadcast_in_dim3A_603 = vector.broadcast %broadcast_in_dim3A_602 : vector<1x2304xf32> to vector<128x2304xf32>
      %broadcast_in_dim3A_604 = vector.broadcast %jit3A_601 : f32 to vector<128x2304xf32>
      %select_n3A_605 = arith.select %lt3A_600, %broadcast_in_dim3A_603, %broadcast_in_dim3A_604 : vector<128x2304xi1>, vector<128x2304xf32>
      %reduce_sum3A_606 = arith.constant dense<0.000000e+00> : vector<128xf32>
      %reduce_sum3A_607 = vector.multi_reduction <add>, %select_n3A_605, %reduce_sum3A_606 [1] : vector<128x2304xf32> to vector<128xf32>
      %broadcast_in_dim3A_608 = vector.shape_cast %reduce_sum3A_607 : vector<128xf32> to vector<128x1xf32>
      %lt3A_609 = vector.broadcast %mul3A_88 : f32 to vector<128x1xf32>
      %lt3A_610 = arith.cmpf olt, %broadcast_in_dim3A_608, %lt3A_609 : vector<128x1xf32>
      %select_n3A_611 = arith.select %lt3A_610, %mul3A_598, %scan3A_593 : vector<128x1xi1>, vector<128x1xf32>
      %select_n3A_612 = arith.select %lt3A_610, %scan3A_594, %mul3A_598 : vector<128x1xi1>, vector<128x1xf32>
      scf.yield %select_n3A_611, %select_n3A_612 : vector<128x1xf32>, vector<128x1xf32>
    }
    %add3A_112 = arith.addf %scan3A_111#0, %scan3A_111#1 : vector<128x1xf32>
    %mul3A_113 = arith.constant 5.000000e-01 : f32
    %mul3A_114 = vector.broadcast %mul3A_113 : f32 to vector<128x1xf32>
    %mul3A_115 = arith.mulf %mul3A_114, %add3A_112 : vector<128x1xf32>
    %lt3A_116 = vector.broadcast %mul3A_115 : vector<128x1xf32> to vector<128x2304xf32>
    %lt3A_117 = arith.cmpf olt, %max3A_100, %lt3A_116 : vector<128x2304xf32>
    %jit3A_118 = arith.constant 0.000000e+00 : f32
    %broadcast_in_dim3A_119 = vector.shape_cast %get3A_81 : vector<1x2304xf32> to vector<1x2304xf32>
    %broadcast_in_dim3A_120 = vector.broadcast %broadcast_in_dim3A_119 : vector<1x2304xf32> to vector<128x2304xf32>
    %broadcast_in_dim3A_121 = vector.broadcast %jit3A_118 : f32 to vector<128x2304xf32>
    %select_n3A_122 = arith.select %lt3A_117, %broadcast_in_dim3A_120, %broadcast_in_dim3A_121 : vector<128x2304xi1>, vector<128x2304xf32>
    %reduce_sum3A_123 = arith.constant dense<0.000000e+00> : vector<128xf32>
    %reduce_sum3A_124 = vector.multi_reduction <add>, %select_n3A_122, %reduce_sum3A_123 [1] : vector<128x2304xf32> to vector<128xf32>
    %broadcast_in_dim3A_125 = vector.shape_cast %reduce_sum3A_124 : vector<128xf32> to vector<128x1xf32>
    %jit3A_126 = arith.constant 0.000000e+00 : f32
    %broadcast_in_dim3A_127 = vector.broadcast %jit3A_126 : f32 to vector<128x2304xf32>
    %select_n3A_128 = arith.select %lt3A_117, %mul3A_102, %broadcast_in_dim3A_127 : vector<128x2304xi1>, vector<128x2304xf32>
    %reduce_sum3A_129 = arith.constant dense<0.000000e+00> : vector<128xf32>
    %reduce_sum3A_130 = vector.multi_reduction <add>, %select_n3A_128, %reduce_sum3A_129 [1] : vector<128x2304xf32> to vector<128xf32>
    %broadcast_in_dim3A_131 = vector.shape_cast %reduce_sum3A_130 : vector<128xf32> to vector<128x1xf32>
    %sub3A_132 = vector.broadcast %mul3A_88 : f32 to vector<128x1xf32>
    %sub3A_133 = arith.subf %sub3A_132, %broadcast_in_dim3A_125 : vector<128x1xf32>
    %mul3A_134 = arith.mulf %mul3A_115, %sub3A_133 : vector<128x1xf32>
    %add3A_135 = arith.addf %broadcast_in_dim3A_131, %mul3A_134 : vector<128x1xf32>
    %div3A_136 = vector.broadcast %mul3A_88 : f32 to vector<128x1xf32>
    %div3A_137 = arith.divf %add3A_135, %div3A_136 : vector<128x1xf32>
    %sqrt3A_138 = math.sqrt %div3A_137 : vector<128x1xf32>
    %swap3A_139 = arith.constant 0 : index
    %swap3A_140 = arith.constant 1 : index
    %swap3A_141 = vector.load %arg4[%swap3A_139, %swap3A_140] : memref<128x8xf32, #tpu.memory_space<vmem>>, vector<128x1xf32>
    tpu.vector_store %arg4[%swap3A_139, %swap3A_140], %sqrt3A_138 {strides = array<i32>} : memref<128x8xf32, #tpu.memory_space<vmem>>, vector<128x1xf32>,
    %get3A_142 = arith.constant 2 : index
    %get3A_143 = arith.constant 0 : index
    %get3A_144 = arith.constant 0 : index
    %get3A_145 = vector.load %arg1[%get3A_142, %get3A_143, %get3A_144] : memref<8x2x2304xf32, #tpu.memory_space<vmem>>, vector<1x1x2304xf32>
    %get3A_146 = vector.shape_cast %get3A_145 : vector<1x1x2304xf32> to vector<1x2304xf32>
    %get3A_147 = arith.constant 2 : index
    %get3A_148 = arith.constant 1 : index
    %get3A_149 = arith.constant 0 : index
    %get3A_150 = vector.load %arg1[%get3A_147, %get3A_148, %get3A_149] : memref<8x2x2304xf32, #tpu.memory_space<vmem>>, vector<1x1x2304xf32>
    %get3A_151 = vector.shape_cast %get3A_150 : vector<1x1x2304xf32> to vector<1x2304xf32>
    %get3A_152 = arith.constant 2 : index
    %get3A_153 = arith.constant 0 : index
    %get3A_154 = arith.constant 0 : index
    %get3A_155 = vector.load %arg2[%get3A_152, %get3A_153, %get3A_154] : memref<8x1x2304xf32, #tpu.memory_space<vmem>>, vector<1x1x2304xf32>
    %get3A_156 = vector.shape_cast %get3A_155 : vector<1x1x2304xf32> to vector<1x2304xf32>
    %reduce_sum3A_157 = vector.shape_cast %get3A_156 : vector<1x2304xf32> to vector<1x1x2304xf32>
    %reduce_sum3A_158 = arith.constant dense<0.000000e+00> : vector<1xf32>
    %reduce_sum3A_159 = vector.multi_reduction <add>, %reduce_sum3A_157, %reduce_sum3A_158 [1, 2] : vector<1x1x2304xf32> to vector<1xf32>
    %reduce_sum3A_160 = vector.shape_cast %reduce_sum3A_159 : vector<1xf32> to vector<1x1x1xf32>
    %reduce_sum3A_161 = vector.extract %reduce_sum3A_160[0, 0, 0] : f32 from vector<1x1x1xf32>
    %mul3A_162 = arith.constant 3.000000e-01 : f32
    %mul3A_163 = arith.mulf %mul3A_162, %reduce_sum3A_161 : f32
    %sub3A_164 = vector.broadcast %get3A_1 : vector<128x1xf32> to vector<128x2304xf32>
    %sub3A_165 = vector.broadcast %get3A_146 : vector<1x2304xf32> to vector<128x2304xf32>
    %sub3A_166 = arith.subf %sub3A_164, %sub3A_165 : vector<128x2304xf32>
    %sub3A_167 = vector.broadcast %get3A_4 : vector<128x1xf32> to vector<128x2304xf32>
    %sub3A_168 = vector.broadcast %get3A_151 : vector<1x2304xf32> to vector<128x2304xf32>
    %sub3A_169 = arith.subf %sub3A_167, %sub3A_168 : vector<128x2304xf32>
    %mul3A_170 = arith.mulf %sub3A_166, %sub3A_166 : vector<128x2304xf32>
    %mul3A_171 = arith.mulf %sub3A_169, %sub3A_169 : vector<128x2304xf32>
    %add3A_172 = arith.addf %mul3A_170, %mul3A_171 : vector<128x2304xf32>
    %max3A_173 = arith.constant 9.99999996E-13 : f32
    %max3A_174 = vector.broadcast %max3A_173 : f32 to vector<128x2304xf32>
    %max3A_175 = arith.maximumf %add3A_172, %max3A_174 : vector<128x2304xf32>
    %mul3A_176 = vector.broadcast %get3A_156 : vector<1x2304xf32> to vector<128x2304xf32>
    %mul3A_177 = arith.mulf %mul3A_176, %max3A_175 : vector<128x2304xf32>
    %broadcast_in_dim3A_178 = arith.constant 0.000000e+00 : f32
    %broadcast_in_dim3A_179 = vector.broadcast %broadcast_in_dim3A_178 : f32 to vector<128x1xf32>
    %broadcast_in_dim3A_180 = arith.constant 8.500000e+00 : f32
    %broadcast_in_dim3A_181 = vector.broadcast %broadcast_in_dim3A_180 : f32 to vector<128x1xf32>
    %scan3A_182 = arith.constant 0 : i32
    %scan3A_183 = arith.constant 16 : i32
    %scan3A_184 = arith.addi %scan3A_182, %scan3A_183 : i32
    %scan3A_185 = arith.constant 1 : i32
    %scan3A_186:2 = scf.for %scan3A_592 = %scan3A_182 to %scan3A_184 step %scan3A_185 iter_args(%scan3A_593 = %broadcast_in_dim3A_179, %scan3A_594 = %broadcast_in_dim3A_181) -> (vector<128x1xf32>, vector<128x1xf32>)  : i32 {
      %add3A_595 = arith.addf %scan3A_593, %scan3A_594 : vector<128x1xf32>
      %mul3A_596 = arith.constant 5.000000e-01 : f32
      %mul3A_597 = vector.broadcast %mul3A_596 : f32 to vector<128x1xf32>
      %mul3A_598 = arith.mulf %mul3A_597, %add3A_595 : vector<128x1xf32>
      %lt3A_599 = vector.broadcast %mul3A_598 : vector<128x1xf32> to vector<128x2304xf32>
      %lt3A_600 = arith.cmpf olt, %max3A_175, %lt3A_599 : vector<128x2304xf32>
      %jit3A_601 = arith.constant 0.000000e+00 : f32
      %broadcast_in_dim3A_602 = vector.shape_cast %get3A_156 : vector<1x2304xf32> to vector<1x2304xf32>
      %broadcast_in_dim3A_603 = vector.broadcast %broadcast_in_dim3A_602 : vector<1x2304xf32> to vector<128x2304xf32>
      %broadcast_in_dim3A_604 = vector.broadcast %jit3A_601 : f32 to vector<128x2304xf32>
      %select_n3A_605 = arith.select %lt3A_600, %broadcast_in_dim3A_603, %broadcast_in_dim3A_604 : vector<128x2304xi1>, vector<128x2304xf32>
      %reduce_sum3A_606 = arith.constant dense<0.000000e+00> : vector<128xf32>
      %reduce_sum3A_607 = vector.multi_reduction <add>, %select_n3A_605, %reduce_sum3A_606 [1] : vector<128x2304xf32> to vector<128xf32>
      %broadcast_in_dim3A_608 = vector.shape_cast %reduce_sum3A_607 : vector<128xf32> to vector<128x1xf32>
      %lt3A_609 = vector.broadcast %mul3A_163 : f32 to vector<128x1xf32>
      %lt3A_610 = arith.cmpf olt, %broadcast_in_dim3A_608, %lt3A_609 : vector<128x1xf32>
      %select_n3A_611 = arith.select %lt3A_610, %mul3A_598, %scan3A_593 : vector<128x1xi1>, vector<128x1xf32>
      %select_n3A_612 = arith.select %lt3A_610, %scan3A_594, %mul3A_598 : vector<128x1xi1>, vector<128x1xf32>
      scf.yield %select_n3A_611, %select_n3A_612 : vector<128x1xf32>, vector<128x1xf32>
    }
    %add3A_187 = arith.addf %scan3A_186#0, %scan3A_186#1 : vector<128x1xf32>
    %mul3A_188 = arith.constant 5.000000e-01 : f32
    %mul3A_189 = vector.broadcast %mul3A_188 : f32 to vector<128x1xf32>
    %mul3A_190 = arith.mulf %mul3A_189, %add3A_187 : vector<128x1xf32>
    %lt3A_191 = vector.broadcast %mul3A_190 : vector<128x1xf32> to vector<128x2304xf32>
    %lt3A_192 = arith.cmpf olt, %max3A_175, %lt3A_191 : vector<128x2304xf32>
    %jit3A_193 = arith.constant 0.000000e+00 : f32
    %broadcast_in_dim3A_194 = vector.shape_cast %get3A_156 : vector<1x2304xf32> to vector<1x2304xf32>
    %broadcast_in_dim3A_195 = vector.broadcast %broadcast_in_dim3A_194 : vector<1x2304xf32> to vector<128x2304xf32>
    %broadcast_in_dim3A_196 = vector.broadcast %jit3A_193 : f32 to vector<128x2304xf32>
    %select_n3A_197 = arith.select %lt3A_192, %broadcast_in_dim3A_195, %broadcast_in_dim3A_196 : vector<128x2304xi1>, vector<128x2304xf32>
    %reduce_sum3A_198 = arith.constant dense<0.000000e+00> : vector<128xf32>
    %reduce_sum3A_199 = vector.multi_reduction <add>, %select_n3A_197, %reduce_sum3A_198 [1] : vector<128x2304xf32> to vector<128xf32>
    %broadcast_in_dim3A_200 = vector.shape_cast %reduce_sum3A_199 : vector<128xf32> to vector<128x1xf32>
    %jit3A_201 = arith.constant 0.000000e+00 : f32
    %broadcast_in_dim3A_202 = vector.broadcast %jit3A_201 : f32 to vector<128x2304xf32>
    %select_n3A_203 = arith.select %lt3A_192, %mul3A_177, %broadcast_in_dim3A_202 : vector<128x2304xi1>, vector<128x2304xf32>
    %reduce_sum3A_204 = arith.constant dense<0.000000e+00> : vector<128xf32>
    %reduce_sum3A_205 = vector.multi_reduction <add>, %select_n3A_203, %reduce_sum3A_204 [1] : vector<128x2304xf32> to vector<128xf32>
    %broadcast_in_dim3A_206 = vector.shape_cast %reduce_sum3A_205 : vector<128xf32> to vector<128x1xf32>
    %sub3A_207 = vector.broadcast %mul3A_163 : f32 to vector<128x1xf32>
    %sub3A_208 = arith.subf %sub3A_207, %broadcast_in_dim3A_200 : vector<128x1xf32>
    %mul3A_209 = arith.mulf %mul3A_190, %sub3A_208 : vector<128x1xf32>
    %add3A_210 = arith.addf %broadcast_in_dim3A_206, %mul3A_209 : vector<128x1xf32>
    %div3A_211 = vector.broadcast %mul3A_163 : f32 to vector<128x1xf32>
    %div3A_212 = arith.divf %add3A_210, %div3A_211 : vector<128x1xf32>
    %sqrt3A_213 = math.sqrt %div3A_212 : vector<128x1xf32>
    %swap3A_214 = arith.constant 0 : index
    %swap3A_215 = arith.constant 2 : index
    %swap3A_216 = vector.load %arg4[%swap3A_214, %swap3A_215] : memref<128x8xf32, #tpu.memory_space<vmem>>, vector<128x1xf32>
    tpu.vector_store %arg4[%swap3A_214, %swap3A_215], %sqrt3A_213 {strides = array<i32>} : memref<128x8xf32, #tpu.memory_space<vmem>>, vector<128x1xf32>,
    %get3A_217 = arith.constant 3 : index
    %get3A_218 = arith.constant 0 : index
    %get3A_219 = arith.constant 0 : index
    %get3A_220 = vector.load %arg1[%get3A_217, %get3A_218, %get3A_219] : memref<8x2x2304xf32, #tpu.memory_space<vmem>>, vector<1x1x2304xf32>
    %get3A_221 = vector.shape_cast %get3A_220 : vector<1x1x2304xf32> to vector<1x2304xf32>
    %get3A_222 = arith.constant 3 : index
    %get3A_223 = arith.constant 1 : index
    %get3A_224 = arith.constant 0 : index
    %get3A_225 = vector.load %arg1[%get3A_222, %get3A_223, %get3A_224] : memref<8x2x2304xf32, #tpu.memory_space<vmem>>, vector<1x1x2304xf32>
    %get3A_226 = vector.shape_cast %get3A_225 : vector<1x1x2304xf32> to vector<1x2304xf32>
    %get3A_227 = arith.constant 3 : index
    %get3A_228 = arith.constant 0 : index
    %get3A_229 = arith.constant 0 : index
    %get3A_230 = vector.load %arg2[%get3A_227, %get3A_228, %get3A_229] : memref<8x1x2304xf32, #tpu.memory_space<vmem>>, vector<1x1x2304xf32>
    %get3A_231 = vector.shape_cast %get3A_230 : vector<1x1x2304xf32> to vector<1x2304xf32>
    %reduce_sum3A_232 = vector.shape_cast %get3A_231 : vector<1x2304xf32> to vector<1x1x2304xf32>
    %reduce_sum3A_233 = arith.constant dense<0.000000e+00> : vector<1xf32>
    %reduce_sum3A_234 = vector.multi_reduction <add>, %reduce_sum3A_232, %reduce_sum3A_233 [1, 2] : vector<1x1x2304xf32> to vector<1xf32>
    %reduce_sum3A_235 = vector.shape_cast %reduce_sum3A_234 : vector<1xf32> to vector<1x1x1xf32>
    %reduce_sum3A_236 = vector.extract %reduce_sum3A_235[0, 0, 0] : f32 from vector<1x1x1xf32>
    %mul3A_237 = arith.constant 3.000000e-01 : f32
    %mul3A_238 = arith.mulf %mul3A_237, %reduce_sum3A_236 : f32
    %sub3A_239 = vector.broadcast %get3A_1 : vector<128x1xf32> to vector<128x2304xf32>
    %sub3A_240 = vector.broadcast %get3A_221 : vector<1x2304xf32> to vector<128x2304xf32>
    %sub3A_241 = arith.subf %sub3A_239, %sub3A_240 : vector<128x2304xf32>
    %sub3A_242 = vector.broadcast %get3A_4 : vector<128x1xf32> to vector<128x2304xf32>
    %sub3A_243 = vector.broadcast %get3A_226 : vector<1x2304xf32> to vector<128x2304xf32>
    %sub3A_244 = arith.subf %sub3A_242, %sub3A_243 : vector<128x2304xf32>
    %mul3A_245 = arith.mulf %sub3A_241, %sub3A_241 : vector<128x2304xf32>
    %mul3A_246 = arith.mulf %sub3A_244, %sub3A_244 : vector<128x2304xf32>
    %add3A_247 = arith.addf %mul3A_245, %mul3A_246 : vector<128x2304xf32>
    %max3A_248 = arith.constant 9.99999996E-13 : f32
    %max3A_249 = vector.broadcast %max3A_248 : f32 to vector<128x2304xf32>
    %max3A_250 = arith.maximumf %add3A_247, %max3A_249 : vector<128x2304xf32>
    %mul3A_251 = vector.broadcast %get3A_231 : vector<1x2304xf32> to vector<128x2304xf32>
    %mul3A_252 = arith.mulf %mul3A_251, %max3A_250 : vector<128x2304xf32>
    %broadcast_in_dim3A_253 = arith.constant 0.000000e+00 : f32
    %broadcast_in_dim3A_254 = vector.broadcast %broadcast_in_dim3A_253 : f32 to vector<128x1xf32>
    %broadcast_in_dim3A_255 = arith.constant 8.500000e+00 : f32
    %broadcast_in_dim3A_256 = vector.broadcast %broadcast_in_dim3A_255 : f32 to vector<128x1xf32>
    %scan3A_257 = arith.constant 0 : i32
    %scan3A_258 = arith.constant 16 : i32
    %scan3A_259 = arith.addi %scan3A_257, %scan3A_258 : i32
    %scan3A_260 = arith.constant 1 : i32
    %scan3A_261:2 = scf.for %scan3A_592 = %scan3A_257 to %scan3A_259 step %scan3A_260 iter_args(%scan3A_593 = %broadcast_in_dim3A_254, %scan3A_594 = %broadcast_in_dim3A_256) -> (vector<128x1xf32>, vector<128x1xf32>)  : i32 {
      %add3A_595 = arith.addf %scan3A_593, %scan3A_594 : vector<128x1xf32>
      %mul3A_596 = arith.constant 5.000000e-01 : f32
      %mul3A_597 = vector.broadcast %mul3A_596 : f32 to vector<128x1xf32>
      %mul3A_598 = arith.mulf %mul3A_597, %add3A_595 : vector<128x1xf32>
      %lt3A_599 = vector.broadcast %mul3A_598 : vector<128x1xf32> to vector<128x2304xf32>
      %lt3A_600 = arith.cmpf olt, %max3A_250, %lt3A_599 : vector<128x2304xf32>
      %jit3A_601 = arith.constant 0.000000e+00 : f32
      %broadcast_in_dim3A_602 = vector.shape_cast %get3A_231 : vector<1x2304xf32> to vector<1x2304xf32>
      %broadcast_in_dim3A_603 = vector.broadcast %broadcast_in_dim3A_602 : vector<1x2304xf32> to vector<128x2304xf32>
      %broadcast_in_dim3A_604 = vector.broadcast %jit3A_601 : f32 to vector<128x2304xf32>
      %select_n3A_605 = arith.select %lt3A_600, %broadcast_in_dim3A_603, %broadcast_in_dim3A_604 : vector<128x2304xi1>, vector<128x2304xf32>
      %reduce_sum3A_606 = arith.constant dense<0.000000e+00> : vector<128xf32>
      %reduce_sum3A_607 = vector.multi_reduction <add>, %select_n3A_605, %reduce_sum3A_606 [1] : vector<128x2304xf32> to vector<128xf32>
      %broadcast_in_dim3A_608 = vector.shape_cast %reduce_sum3A_607 : vector<128xf32> to vector<128x1xf32>
      %lt3A_609 = vector.broadcast %mul3A_238 : f32 to vector<128x1xf32>
      %lt3A_610 = arith.cmpf olt, %broadcast_in_dim3A_608, %lt3A_609 : vector<128x1xf32>
      %select_n3A_611 = arith.select %lt3A_610, %mul3A_598, %scan3A_593 : vector<128x1xi1>, vector<128x1xf32>
      %select_n3A_612 = arith.select %lt3A_610, %scan3A_594, %mul3A_598 : vector<128x1xi1>, vector<128x1xf32>
      scf.yield %select_n3A_611, %select_n3A_612 : vector<128x1xf32>, vector<128x1xf32>
    }
    %add3A_262 = arith.addf %scan3A_261#0, %scan3A_261#1 : vector<128x1xf32>
    %mul3A_263 = arith.constant 5.000000e-01 : f32
    %mul3A_264 = vector.broadcast %mul3A_263 : f32 to vector<128x1xf32>
    %mul3A_265 = arith.mulf %mul3A_264, %add3A_262 : vector<128x1xf32>
    %lt3A_266 = vector.broadcast %mul3A_265 : vector<128x1xf32> to vector<128x2304xf32>
    %lt3A_267 = arith.cmpf olt, %max3A_250, %lt3A_266 : vector<128x2304xf32>
    %jit3A_268 = arith.constant 0.000000e+00 : f32
    %broadcast_in_dim3A_269 = vector.shape_cast %get3A_231 : vector<1x2304xf32> to vector<1x2304xf32>
    %broadcast_in_dim3A_270 = vector.broadcast %broadcast_in_dim3A_269 : vector<1x2304xf32> to vector<128x2304xf32>
    %broadcast_in_dim3A_271 = vector.broadcast %jit3A_268 : f32 to vector<128x2304xf32>
    %select_n3A_272 = arith.select %lt3A_267, %broadcast_in_dim3A_270, %broadcast_in_dim3A_271 : vector<128x2304xi1>, vector<128x2304xf32>
    %reduce_sum3A_273 = arith.constant dense<0.000000e+00> : vector<128xf32>
    %reduce_sum3A_274 = vector.multi_reduction <add>, %select_n3A_272, %reduce_sum3A_273 [1] : vector<128x2304xf32> to vector<128xf32>
    %broadcast_in_dim3A_275 = vector.shape_cast %reduce_sum3A_274 : vector<128xf32> to vector<128x1xf32>
    %jit3A_276 = arith.constant 0.000000e+00 : f32
    %broadcast_in_dim3A_277 = vector.broadcast %jit3A_276 : f32 to vector<128x2304xf32>
    %select_n3A_278 = arith.select %lt3A_267, %mul3A_252, %broadcast_in_dim3A_277 : vector<128x2304xi1>, vector<128x2304xf32>
    %reduce_sum3A_279 = arith.constant dense<0.000000e+00> : vector<128xf32>
    %reduce_sum3A_280 = vector.multi_reduction <add>, %select_n3A_278, %reduce_sum3A_279 [1] : vector<128x2304xf32> to vector<128xf32>
    %broadcast_in_dim3A_281 = vector.shape_cast %reduce_sum3A_280 : vector<128xf32> to vector<128x1xf32>
    %sub3A_282 = vector.broadcast %mul3A_238 : f32 to vector<128x1xf32>
    %sub3A_283 = arith.subf %sub3A_282, %broadcast_in_dim3A_275 : vector<128x1xf32>
    %mul3A_284 = arith.mulf %mul3A_265, %sub3A_283 : vector<128x1xf32>
    %add3A_285 = arith.addf %broadcast_in_dim3A_281, %mul3A_284 : vector<128x1xf32>
    %div3A_286 = vector.broadcast %mul3A_238 : f32 to vector<128x1xf32>
    %div3A_287 = arith.divf %add3A_285, %div3A_286 : vector<128x1xf32>
    %sqrt3A_288 = math.sqrt %div3A_287 : vector<128x1xf32>
    %swap3A_289 = arith.constant 0 : index
    %swap3A_290 = arith.constant 3 : index
    %swap3A_291 = vector.load %arg4[%swap3A_289, %swap3A_290] : memref<128x8xf32, #tpu.memory_space<vmem>>, vector<128x1xf32>
    tpu.vector_store %arg4[%swap3A_289, %swap3A_290], %sqrt3A_288 {strides = array<i32>} : memref<128x8xf32, #tpu.memory_space<vmem>>, vector<128x1xf32>,
    %get3A_292 = arith.constant 4 : index
    %get3A_293 = arith.constant 0 : index
    %get3A_294 = arith.constant 0 : index
    %get3A_295 = vector.load %arg1[%get3A_292, %get3A_293, %get3A_294] : memref<8x2x2304xf32, #tpu.memory_space<vmem>>, vector<1x1x2304xf32>
    %get3A_296 = vector.shape_cast %get3A_295 : vector<1x1x2304xf32> to vector<1x2304xf32>
    %get3A_297 = arith.constant 4 : index
    %get3A_298 = arith.constant 1 : index
    %get3A_299 = arith.constant 0 : index
    %get3A_300 = vector.load %arg1[%get3A_297, %get3A_298, %get3A_299] : memref<8x2x2304xf32, #tpu.memory_space<vmem>>, vector<1x1x2304xf32>
    %get3A_301 = vector.shape_cast %get3A_300 : vector<1x1x2304xf32> to vector<1x2304xf32>
    %get3A_302 = arith.constant 4 : index
    %get3A_303 = arith.constant 0 : index
    %get3A_304 = arith.constant 0 : index
    %get3A_305 = vector.load %arg2[%get3A_302, %get3A_303, %get3A_304] : memref<8x1x2304xf32, #tpu.memory_space<vmem>>, vector<1x1x2304xf32>
    %get3A_306 = vector.shape_cast %get3A_305 : vector<1x1x2304xf32> to vector<1x2304xf32>
    %reduce_sum3A_307 = vector.shape_cast %get3A_306 : vector<1x2304xf32> to vector<1x1x2304xf32>
    %reduce_sum3A_308 = arith.constant dense<0.000000e+00> : vector<1xf32>
    %reduce_sum3A_309 = vector.multi_reduction <add>, %reduce_sum3A_307, %reduce_sum3A_308 [1, 2] : vector<1x1x2304xf32> to vector<1xf32>
    %reduce_sum3A_310 = vector.shape_cast %reduce_sum3A_309 : vector<1xf32> to vector<1x1x1xf32>
    %reduce_sum3A_311 = vector.extract %reduce_sum3A_310[0, 0, 0] : f32 from vector<1x1x1xf32>
    %mul3A_312 = arith.constant 3.000000e-01 : f32
    %mul3A_313 = arith.mulf %mul3A_312, %reduce_sum3A_311 : f32
    %sub3A_314 = vector.broadcast %get3A_1 : vector<128x1xf32> to vector<128x2304xf32>
    %sub3A_315 = vector.broadcast %get3A_296 : vector<1x2304xf32> to vector<128x2304xf32>
    %sub3A_316 = arith.subf %sub3A_314, %sub3A_315 : vector<128x2304xf32>
    %sub3A_317 = vector.broadcast %get3A_4 : vector<128x1xf32> to vector<128x2304xf32>
    %sub3A_318 = vector.broadcast %get3A_301 : vector<1x2304xf32> to vector<128x2304xf32>
    %sub3A_319 = arith.subf %sub3A_317, %sub3A_318 : vector<128x2304xf32>
    %mul3A_320 = arith.mulf %sub3A_316, %sub3A_316 : vector<128x2304xf32>
    %mul3A_321 = arith.mulf %sub3A_319, %sub3A_319 : vector<128x2304xf32>
    %add3A_322 = arith.addf %mul3A_320, %mul3A_321 : vector<128x2304xf32>
    %max3A_323 = arith.constant 9.99999996E-13 : f32
    %max3A_324 = vector.broadcast %max3A_323 : f32 to vector<128x2304xf32>
    %max3A_325 = arith.maximumf %add3A_322, %max3A_324 : vector<128x2304xf32>
    %mul3A_326 = vector.broadcast %get3A_306 : vector<1x2304xf32> to vector<128x2304xf32>
    %mul3A_327 = arith.mulf %mul3A_326, %max3A_325 : vector<128x2304xf32>
    %broadcast_in_dim3A_328 = arith.constant 0.000000e+00 : f32
    %broadcast_in_dim3A_329 = vector.broadcast %broadcast_in_dim3A_328 : f32 to vector<128x1xf32>
    %broadcast_in_dim3A_330 = arith.constant 8.500000e+00 : f32
    %broadcast_in_dim3A_331 = vector.broadcast %broadcast_in_dim3A_330 : f32 to vector<128x1xf32>
    %scan3A_332 = arith.constant 0 : i32
    %scan3A_333 = arith.constant 16 : i32
    %scan3A_334 = arith.addi %scan3A_332, %scan3A_333 : i32
    %scan3A_335 = arith.constant 1 : i32
    %scan3A_336:2 = scf.for %scan3A_592 = %scan3A_332 to %scan3A_334 step %scan3A_335 iter_args(%scan3A_593 = %broadcast_in_dim3A_329, %scan3A_594 = %broadcast_in_dim3A_331) -> (vector<128x1xf32>, vector<128x1xf32>)  : i32 {
      %add3A_595 = arith.addf %scan3A_593, %scan3A_594 : vector<128x1xf32>
      %mul3A_596 = arith.constant 5.000000e-01 : f32
      %mul3A_597 = vector.broadcast %mul3A_596 : f32 to vector<128x1xf32>
      %mul3A_598 = arith.mulf %mul3A_597, %add3A_595 : vector<128x1xf32>
      %lt3A_599 = vector.broadcast %mul3A_598 : vector<128x1xf32> to vector<128x2304xf32>
      %lt3A_600 = arith.cmpf olt, %max3A_325, %lt3A_599 : vector<128x2304xf32>
      %jit3A_601 = arith.constant 0.000000e+00 : f32
      %broadcast_in_dim3A_602 = vector.shape_cast %get3A_306 : vector<1x2304xf32> to vector<1x2304xf32>
      %broadcast_in_dim3A_603 = vector.broadcast %broadcast_in_dim3A_602 : vector<1x2304xf32> to vector<128x2304xf32>
      %broadcast_in_dim3A_604 = vector.broadcast %jit3A_601 : f32 to vector<128x2304xf32>
      %select_n3A_605 = arith.select %lt3A_600, %broadcast_in_dim3A_603, %broadcast_in_dim3A_604 : vector<128x2304xi1>, vector<128x2304xf32>
      %reduce_sum3A_606 = arith.constant dense<0.000000e+00> : vector<128xf32>
      %reduce_sum3A_607 = vector.multi_reduction <add>, %select_n3A_605, %reduce_sum3A_606 [1] : vector<128x2304xf32> to vector<128xf32>
      %broadcast_in_dim3A_608 = vector.shape_cast %reduce_sum3A_607 : vector<128xf32> to vector<128x1xf32>
      %lt3A_609 = vector.broadcast %mul3A_313 : f32 to vector<128x1xf32>
      %lt3A_610 = arith.cmpf olt, %broadcast_in_dim3A_608, %lt3A_609 : vector<128x1xf32>
      %select_n3A_611 = arith.select %lt3A_610, %mul3A_598, %scan3A_593 : vector<128x1xi1>, vector<128x1xf32>
      %select_n3A_612 = arith.select %lt3A_610, %scan3A_594, %mul3A_598 : vector<128x1xi1>, vector<128x1xf32>
      scf.yield %select_n3A_611, %select_n3A_612 : vector<128x1xf32>, vector<128x1xf32>
    }
    %add3A_337 = arith.addf %scan3A_336#0, %scan3A_336#1 : vector<128x1xf32>
    %mul3A_338 = arith.constant 5.000000e-01 : f32
    %mul3A_339 = vector.broadcast %mul3A_338 : f32 to vector<128x1xf32>
    %mul3A_340 = arith.mulf %mul3A_339, %add3A_337 : vector<128x1xf32>
    %lt3A_341 = vector.broadcast %mul3A_340 : vector<128x1xf32> to vector<128x2304xf32>
    %lt3A_342 = arith.cmpf olt, %max3A_325, %lt3A_341 : vector<128x2304xf32>
    %jit3A_343 = arith.constant 0.000000e+00 : f32
    %broadcast_in_dim3A_344 = vector.shape_cast %get3A_306 : vector<1x2304xf32> to vector<1x2304xf32>
    %broadcast_in_dim3A_345 = vector.broadcast %broadcast_in_dim3A_344 : vector<1x2304xf32> to vector<128x2304xf32>
    %broadcast_in_dim3A_346 = vector.broadcast %jit3A_343 : f32 to vector<128x2304xf32>
    %select_n3A_347 = arith.select %lt3A_342, %broadcast_in_dim3A_345, %broadcast_in_dim3A_346 : vector<128x2304xi1>, vector<128x2304xf32>
    %reduce_sum3A_348 = arith.constant dense<0.000000e+00> : vector<128xf32>
    %reduce_sum3A_349 = vector.multi_reduction <add>, %select_n3A_347, %reduce_sum3A_348 [1] : vector<128x2304xf32> to vector<128xf32>
    %broadcast_in_dim3A_350 = vector.shape_cast %reduce_sum3A_349 : vector<128xf32> to vector<128x1xf32>
    %jit3A_351 = arith.constant 0.000000e+00 : f32
    %broadcast_in_dim3A_352 = vector.broadcast %jit3A_351 : f32 to vector<128x2304xf32>
    %select_n3A_353 = arith.select %lt3A_342, %mul3A_327, %broadcast_in_dim3A_352 : vector<128x2304xi1>, vector<128x2304xf32>
    %reduce_sum3A_354 = arith.constant dense<0.000000e+00> : vector<128xf32>
    %reduce_sum3A_355 = vector.multi_reduction <add>, %select_n3A_353, %reduce_sum3A_354 [1] : vector<128x2304xf32> to vector<128xf32>
    %broadcast_in_dim3A_356 = vector.shape_cast %reduce_sum3A_355 : vector<128xf32> to vector<128x1xf32>
    %sub3A_357 = vector.broadcast %mul3A_313 : f32 to vector<128x1xf32>
    %sub3A_358 = arith.subf %sub3A_357, %broadcast_in_dim3A_350 : vector<128x1xf32>
    %mul3A_359 = arith.mulf %mul3A_340, %sub3A_358 : vector<128x1xf32>
    %add3A_360 = arith.addf %broadcast_in_dim3A_356, %mul3A_359 : vector<128x1xf32>
    %div3A_361 = vector.broadcast %mul3A_313 : f32 to vector<128x1xf32>
    %div3A_362 = arith.divf %add3A_360, %div3A_361 : vector<128x1xf32>
    %sqrt3A_363 = math.sqrt %div3A_362 : vector<128x1xf32>
    %swap3A_364 = arith.constant 0 : index
    %swap3A_365 = arith.constant 4 : index
    %swap3A_366 = vector.load %arg4[%swap3A_364, %swap3A_365] : memref<128x8xf32, #tpu.memory_space<vmem>>, vector<128x1xf32>
    tpu.vector_store %arg4[%swap3A_364, %swap3A_365], %sqrt3A_363 {strides = array<i32>} : memref<128x8xf32, #tpu.memory_space<vmem>>, vector<128x1xf32>,
    %get3A_367 = arith.constant 5 : index
    %get3A_368 = arith.constant 0 : index
    %get3A_369 = arith.constant 0 : index
    %get3A_370 = vector.load %arg1[%get3A_367, %get3A_368, %get3A_369] : memref<8x2x2304xf32, #tpu.memory_space<vmem>>, vector<1x1x2304xf32>
    %get3A_371 = vector.shape_cast %get3A_370 : vector<1x1x2304xf32> to vector<1x2304xf32>
    %get3A_372 = arith.constant 5 : index
    %get3A_373 = arith.constant 1 : index
    %get3A_374 = arith.constant 0 : index
    %get3A_375 = vector.load %arg1[%get3A_372, %get3A_373, %get3A_374] : memref<8x2x2304xf32, #tpu.memory_space<vmem>>, vector<1x1x2304xf32>
    %get3A_376 = vector.shape_cast %get3A_375 : vector<1x1x2304xf32> to vector<1x2304xf32>
    %get3A_377 = arith.constant 5 : index
    %get3A_378 = arith.constant 0 : index
    %get3A_379 = arith.constant 0 : index
    %get3A_380 = vector.load %arg2[%get3A_377, %get3A_378, %get3A_379] : memref<8x1x2304xf32, #tpu.memory_space<vmem>>, vector<1x1x2304xf32>
    %get3A_381 = vector.shape_cast %get3A_380 : vector<1x1x2304xf32> to vector<1x2304xf32>
    %reduce_sum3A_382 = vector.shape_cast %get3A_381 : vector<1x2304xf32> to vector<1x1x2304xf32>
    %reduce_sum3A_383 = arith.constant dense<0.000000e+00> : vector<1xf32>
    %reduce_sum3A_384 = vector.multi_reduction <add>, %reduce_sum3A_382, %reduce_sum3A_383 [1, 2] : vector<1x1x2304xf32> to vector<1xf32>
    %reduce_sum3A_385 = vector.shape_cast %reduce_sum3A_384 : vector<1xf32> to vector<1x1x1xf32>
    %reduce_sum3A_386 = vector.extract %reduce_sum3A_385[0, 0, 0] : f32 from vector<1x1x1xf32>
    %mul3A_387 = arith.constant 3.000000e-01 : f32
    %mul3A_388 = arith.mulf %mul3A_387, %reduce_sum3A_386 : f32
    %sub3A_389 = vector.broadcast %get3A_1 : vector<128x1xf32> to vector<128x2304xf32>
    %sub3A_390 = vector.broadcast %get3A_371 : vector<1x2304xf32> to vector<128x2304xf32>
    %sub3A_391 = arith.subf %sub3A_389, %sub3A_390 : vector<128x2304xf32>
    %sub3A_392 = vector.broadcast %get3A_4 : vector<128x1xf32> to vector<128x2304xf32>
    %sub3A_393 = vector.broadcast %get3A_376 : vector<1x2304xf32> to vector<128x2304xf32>
    %sub3A_394 = arith.subf %sub3A_392, %sub3A_393 : vector<128x2304xf32>
    %mul3A_395 = arith.mulf %sub3A_391, %sub3A_391 : vector<128x2304xf32>
    %mul3A_396 = arith.mulf %sub3A_394, %sub3A_394 : vector<128x2304xf32>
    %add3A_397 = arith.addf %mul3A_395, %mul3A_396 : vector<128x2304xf32>
    %max3A_398 = arith.constant 9.99999996E-13 : f32
    %max3A_399 = vector.broadcast %max3A_398 : f32 to vector<128x2304xf32>
    %max3A_400 = arith.maximumf %add3A_397, %max3A_399 : vector<128x2304xf32>
    %mul3A_401 = vector.broadcast %get3A_381 : vector<1x2304xf32> to vector<128x2304xf32>
    %mul3A_402 = arith.mulf %mul3A_401, %max3A_400 : vector<128x2304xf32>
    %broadcast_in_dim3A_403 = arith.constant 0.000000e+00 : f32
    %broadcast_in_dim3A_404 = vector.broadcast %broadcast_in_dim3A_403 : f32 to vector<128x1xf32>
    %broadcast_in_dim3A_405 = arith.constant 8.500000e+00 : f32
    %broadcast_in_dim3A_406 = vector.broadcast %broadcast_in_dim3A_405 : f32 to vector<128x1xf32>
    %scan3A_407 = arith.constant 0 : i32
    %scan3A_408 = arith.constant 16 : i32
    %scan3A_409 = arith.addi %scan3A_407, %scan3A_408 : i32
    %scan3A_410 = arith.constant 1 : i32
    %scan3A_411:2 = scf.for %scan3A_592 = %scan3A_407 to %scan3A_409 step %scan3A_410 iter_args(%scan3A_593 = %broadcast_in_dim3A_404, %scan3A_594 = %broadcast_in_dim3A_406) -> (vector<128x1xf32>, vector<128x1xf32>)  : i32 {
      %add3A_595 = arith.addf %scan3A_593, %scan3A_594 : vector<128x1xf32>
      %mul3A_596 = arith.constant 5.000000e-01 : f32
      %mul3A_597 = vector.broadcast %mul3A_596 : f32 to vector<128x1xf32>
      %mul3A_598 = arith.mulf %mul3A_597, %add3A_595 : vector<128x1xf32>
      %lt3A_599 = vector.broadcast %mul3A_598 : vector<128x1xf32> to vector<128x2304xf32>
      %lt3A_600 = arith.cmpf olt, %max3A_400, %lt3A_599 : vector<128x2304xf32>
      %jit3A_601 = arith.constant 0.000000e+00 : f32
      %broadcast_in_dim3A_602 = vector.shape_cast %get3A_381 : vector<1x2304xf32> to vector<1x2304xf32>
      %broadcast_in_dim3A_603 = vector.broadcast %broadcast_in_dim3A_602 : vector<1x2304xf32> to vector<128x2304xf32>
      %broadcast_in_dim3A_604 = vector.broadcast %jit3A_601 : f32 to vector<128x2304xf32>
      %select_n3A_605 = arith.select %lt3A_600, %broadcast_in_dim3A_603, %broadcast_in_dim3A_604 : vector<128x2304xi1>, vector<128x2304xf32>
      %reduce_sum3A_606 = arith.constant dense<0.000000e+00> : vector<128xf32>
      %reduce_sum3A_607 = vector.multi_reduction <add>, %select_n3A_605, %reduce_sum3A_606 [1] : vector<128x2304xf32> to vector<128xf32>
      %broadcast_in_dim3A_608 = vector.shape_cast %reduce_sum3A_607 : vector<128xf32> to vector<128x1xf32>
      %lt3A_609 = vector.broadcast %mul3A_388 : f32 to vector<128x1xf32>
      %lt3A_610 = arith.cmpf olt, %broadcast_in_dim3A_608, %lt3A_609 : vector<128x1xf32>
      %select_n3A_611 = arith.select %lt3A_610, %mul3A_598, %scan3A_593 : vector<128x1xi1>, vector<128x1xf32>
      %select_n3A_612 = arith.select %lt3A_610, %scan3A_594, %mul3A_598 : vector<128x1xi1>, vector<128x1xf32>
      scf.yield %select_n3A_611, %select_n3A_612 : vector<128x1xf32>, vector<128x1xf32>
    }
    %add3A_412 = arith.addf %scan3A_411#0, %scan3A_411#1 : vector<128x1xf32>
    %mul3A_413 = arith.constant 5.000000e-01 : f32
    %mul3A_414 = vector.broadcast %mul3A_413 : f32 to vector<128x1xf32>
    %mul3A_415 = arith.mulf %mul3A_414, %add3A_412 : vector<128x1xf32>
    %lt3A_416 = vector.broadcast %mul3A_415 : vector<128x1xf32> to vector<128x2304xf32>
    %lt3A_417 = arith.cmpf olt, %max3A_400, %lt3A_416 : vector<128x2304xf32>
    %jit3A_418 = arith.constant 0.000000e+00 : f32
    %broadcast_in_dim3A_419 = vector.shape_cast %get3A_381 : vector<1x2304xf32> to vector<1x2304xf32>
    %broadcast_in_dim3A_420 = vector.broadcast %broadcast_in_dim3A_419 : vector<1x2304xf32> to vector<128x2304xf32>
    %broadcast_in_dim3A_421 = vector.broadcast %jit3A_418 : f32 to vector<128x2304xf32>
    %select_n3A_422 = arith.select %lt3A_417, %broadcast_in_dim3A_420, %broadcast_in_dim3A_421 : vector<128x2304xi1>, vector<128x2304xf32>
    %reduce_sum3A_423 = arith.constant dense<0.000000e+00> : vector<128xf32>
    %reduce_sum3A_424 = vector.multi_reduction <add>, %select_n3A_422, %reduce_sum3A_423 [1] : vector<128x2304xf32> to vector<128xf32>
    %broadcast_in_dim3A_425 = vector.shape_cast %reduce_sum3A_424 : vector<128xf32> to vector<128x1xf32>
    %jit3A_426 = arith.constant 0.000000e+00 : f32
    %broadcast_in_dim3A_427 = vector.broadcast %jit3A_426 : f32 to vector<128x2304xf32>
    %select_n3A_428 = arith.select %lt3A_417, %mul3A_402, %broadcast_in_dim3A_427 : vector<128x2304xi1>, vector<128x2304xf32>
    %reduce_sum3A_429 = arith.constant dense<0.000000e+00> : vector<128xf32>
    %reduce_sum3A_430 = vector.multi_reduction <add>, %select_n3A_428, %reduce_sum3A_429 [1] : vector<128x2304xf32> to vector<128xf32>
    %broadcast_in_dim3A_431 = vector.shape_cast %reduce_sum3A_430 : vector<128xf32> to vector<128x1xf32>
    %sub3A_432 = vector.broadcast %mul3A_388 : f32 to vector<128x1xf32>
    %sub3A_433 = arith.subf %sub3A_432, %broadcast_in_dim3A_425 : vector<128x1xf32>
    %mul3A_434 = arith.mulf %mul3A_415, %sub3A_433 : vector<128x1xf32>
    %add3A_435 = arith.addf %broadcast_in_dim3A_431, %mul3A_434 : vector<128x1xf32>
    %div3A_436 = vector.broadcast %mul3A_388 : f32 to vector<128x1xf32>
    %div3A_437 = arith.divf %add3A_435, %div3A_436 : vector<128x1xf32>
    %sqrt3A_438 = math.sqrt %div3A_437 : vector<128x1xf32>
    %swap3A_439 = arith.constant 0 : index
    %swap3A_440 = arith.constant 5 : index
    %swap3A_441 = vector.load %arg4[%swap3A_439, %swap3A_440] : memref<128x8xf32, #tpu.memory_space<vmem>>, vector<128x1xf32>
    tpu.vector_store %arg4[%swap3A_439, %swap3A_440], %sqrt3A_438 {strides = array<i32>} : memref<128x8xf32, #tpu.memory_space<vmem>>, vector<128x1xf32>,
    %get3A_442 = arith.constant 6 : index
    %get3A_443 = arith.constant 0 : index
    %get3A_444 = arith.constant 0 : index
    %get3A_445 = vector.load %arg1[%get3A_442, %get3A_443, %get3A_444] : memref<8x2x2304xf32, #tpu.memory_space<vmem>>, vector<1x1x2304xf32>
    %get3A_446 = vector.shape_cast %get3A_445 : vector<1x1x2304xf32> to vector<1x2304xf32>
    %get3A_447 = arith.constant 6 : index
    %get3A_448 = arith.constant 1 : index
    %get3A_449 = arith.constant 0 : index
    %get3A_450 = vector.load %arg1[%get3A_447, %get3A_448, %get3A_449] : memref<8x2x2304xf32, #tpu.memory_space<vmem>>, vector<1x1x2304xf32>
    %get3A_451 = vector.shape_cast %get3A_450 : vector<1x1x2304xf32> to vector<1x2304xf32>
    %get3A_452 = arith.constant 6 : index
    %get3A_453 = arith.constant 0 : index
    %get3A_454 = arith.constant 0 : index
    %get3A_455 = vector.load %arg2[%get3A_452, %get3A_453, %get3A_454] : memref<8x1x2304xf32, #tpu.memory_space<vmem>>, vector<1x1x2304xf32>
    %get3A_456 = vector.shape_cast %get3A_455 : vector<1x1x2304xf32> to vector<1x2304xf32>
    %reduce_sum3A_457 = vector.shape_cast %get3A_456 : vector<1x2304xf32> to vector<1x1x2304xf32>
    %reduce_sum3A_458 = arith.constant dense<0.000000e+00> : vector<1xf32>
    %reduce_sum3A_459 = vector.multi_reduction <add>, %reduce_sum3A_457, %reduce_sum3A_458 [1, 2] : vector<1x1x2304xf32> to vector<1xf32>
    %reduce_sum3A_460 = vector.shape_cast %reduce_sum3A_459 : vector<1xf32> to vector<1x1x1xf32>
    %reduce_sum3A_461 = vector.extract %reduce_sum3A_460[0, 0, 0] : f32 from vector<1x1x1xf32>
    %mul3A_462 = arith.constant 3.000000e-01 : f32
    %mul3A_463 = arith.mulf %mul3A_462, %reduce_sum3A_461 : f32
    %sub3A_464 = vector.broadcast %get3A_1 : vector<128x1xf32> to vector<128x2304xf32>
    %sub3A_465 = vector.broadcast %get3A_446 : vector<1x2304xf32> to vector<128x2304xf32>
    %sub3A_466 = arith.subf %sub3A_464, %sub3A_465 : vector<128x2304xf32>
    %sub3A_467 = vector.broadcast %get3A_4 : vector<128x1xf32> to vector<128x2304xf32>
    %sub3A_468 = vector.broadcast %get3A_451 : vector<1x2304xf32> to vector<128x2304xf32>
    %sub3A_469 = arith.subf %sub3A_467, %sub3A_468 : vector<128x2304xf32>
    %mul3A_470 = arith.mulf %sub3A_466, %sub3A_466 : vector<128x2304xf32>
    %mul3A_471 = arith.mulf %sub3A_469, %sub3A_469 : vector<128x2304xf32>
    %add3A_472 = arith.addf %mul3A_470, %mul3A_471 : vector<128x2304xf32>
    %max3A_473 = arith.constant 9.99999996E-13 : f32
    %max3A_474 = vector.broadcast %max3A_473 : f32 to vector<128x2304xf32>
    %max3A_475 = arith.maximumf %add3A_472, %max3A_474 : vector<128x2304xf32>
    %mul3A_476 = vector.broadcast %get3A_456 : vector<1x2304xf32> to vector<128x2304xf32>
    %mul3A_477 = arith.mulf %mul3A_476, %max3A_475 : vector<128x2304xf32>
    %broadcast_in_dim3A_478 = arith.constant 0.000000e+00 : f32
    %broadcast_in_dim3A_479 = vector.broadcast %broadcast_in_dim3A_478 : f32 to vector<128x1xf32>
    %broadcast_in_dim3A_480 = arith.constant 8.500000e+00 : f32
    %broadcast_in_dim3A_481 = vector.broadcast %broadcast_in_dim3A_480 : f32 to vector<128x1xf32>
    %scan3A_482 = arith.constant 0 : i32
    %scan3A_483 = arith.constant 16 : i32
    %scan3A_484 = arith.addi %scan3A_482, %scan3A_483 : i32
    %scan3A_485 = arith.constant 1 : i32
    %scan3A_486:2 = scf.for %scan3A_592 = %scan3A_482 to %scan3A_484 step %scan3A_485 iter_args(%scan3A_593 = %broadcast_in_dim3A_479, %scan3A_594 = %broadcast_in_dim3A_481) -> (vector<128x1xf32>, vector<128x1xf32>)  : i32 {
      %add3A_595 = arith.addf %scan3A_593, %scan3A_594 : vector<128x1xf32>
      %mul3A_596 = arith.constant 5.000000e-01 : f32
      %mul3A_597 = vector.broadcast %mul3A_596 : f32 to vector<128x1xf32>
      %mul3A_598 = arith.mulf %mul3A_597, %add3A_595 : vector<128x1xf32>
      %lt3A_599 = vector.broadcast %mul3A_598 : vector<128x1xf32> to vector<128x2304xf32>
      %lt3A_600 = arith.cmpf olt, %max3A_475, %lt3A_599 : vector<128x2304xf32>
      %jit3A_601 = arith.constant 0.000000e+00 : f32
      %broadcast_in_dim3A_602 = vector.shape_cast %get3A_456 : vector<1x2304xf32> to vector<1x2304xf32>
      %broadcast_in_dim3A_603 = vector.broadcast %broadcast_in_dim3A_602 : vector<1x2304xf32> to vector<128x2304xf32>
      %broadcast_in_dim3A_604 = vector.broadcast %jit3A_601 : f32 to vector<128x2304xf32>
      %select_n3A_605 = arith.select %lt3A_600, %broadcast_in_dim3A_603, %broadcast_in_dim3A_604 : vector<128x2304xi1>, vector<128x2304xf32>
      %reduce_sum3A_606 = arith.constant dense<0.000000e+00> : vector<128xf32>
      %reduce_sum3A_607 = vector.multi_reduction <add>, %select_n3A_605, %reduce_sum3A_606 [1] : vector<128x2304xf32> to vector<128xf32>
      %broadcast_in_dim3A_608 = vector.shape_cast %reduce_sum3A_607 : vector<128xf32> to vector<128x1xf32>
      %lt3A_609 = vector.broadcast %mul3A_463 : f32 to vector<128x1xf32>
      %lt3A_610 = arith.cmpf olt, %broadcast_in_dim3A_608, %lt3A_609 : vector<128x1xf32>
      %select_n3A_611 = arith.select %lt3A_610, %mul3A_598, %scan3A_593 : vector<128x1xi1>, vector<128x1xf32>
      %select_n3A_612 = arith.select %lt3A_610, %scan3A_594, %mul3A_598 : vector<128x1xi1>, vector<128x1xf32>
      scf.yield %select_n3A_611, %select_n3A_612 : vector<128x1xf32>, vector<128x1xf32>
    }
    %add3A_487 = arith.addf %scan3A_486#0, %scan3A_486#1 : vector<128x1xf32>
    %mul3A_488 = arith.constant 5.000000e-01 : f32
    %mul3A_489 = vector.broadcast %mul3A_488 : f32 to vector<128x1xf32>
    %mul3A_490 = arith.mulf %mul3A_489, %add3A_487 : vector<128x1xf32>
    %lt3A_491 = vector.broadcast %mul3A_490 : vector<128x1xf32> to vector<128x2304xf32>
    %lt3A_492 = arith.cmpf olt, %max3A_475, %lt3A_491 : vector<128x2304xf32>
    %jit3A_493 = arith.constant 0.000000e+00 : f32
    %broadcast_in_dim3A_494 = vector.shape_cast %get3A_456 : vector<1x2304xf32> to vector<1x2304xf32>
    %broadcast_in_dim3A_495 = vector.broadcast %broadcast_in_dim3A_494 : vector<1x2304xf32> to vector<128x2304xf32>
    %broadcast_in_dim3A_496 = vector.broadcast %jit3A_493 : f32 to vector<128x2304xf32>
    %select_n3A_497 = arith.select %lt3A_492, %broadcast_in_dim3A_495, %broadcast_in_dim3A_496 : vector<128x2304xi1>, vector<128x2304xf32>
    %reduce_sum3A_498 = arith.constant dense<0.000000e+00> : vector<128xf32>
    %reduce_sum3A_499 = vector.multi_reduction <add>, %select_n3A_497, %reduce_sum3A_498 [1] : vector<128x2304xf32> to vector<128xf32>
    %broadcast_in_dim3A_500 = vector.shape_cast %reduce_sum3A_499 : vector<128xf32> to vector<128x1xf32>
    %jit3A_501 = arith.constant 0.000000e+00 : f32
    %broadcast_in_dim3A_502 = vector.broadcast %jit3A_501 : f32 to vector<128x2304xf32>
    %select_n3A_503 = arith.select %lt3A_492, %mul3A_477, %broadcast_in_dim3A_502 : vector<128x2304xi1>, vector<128x2304xf32>
    %reduce_sum3A_504 = arith.constant dense<0.000000e+00> : vector<128xf32>
    %reduce_sum3A_505 = vector.multi_reduction <add>, %select_n3A_503, %reduce_sum3A_504 [1] : vector<128x2304xf32> to vector<128xf32>
    %broadcast_in_dim3A_506 = vector.shape_cast %reduce_sum3A_505 : vector<128xf32> to vector<128x1xf32>
    %sub3A_507 = vector.broadcast %mul3A_463 : f32 to vector<128x1xf32>
    %sub3A_508 = arith.subf %sub3A_507, %broadcast_in_dim3A_500 : vector<128x1xf32>
    %mul3A_509 = arith.mulf %mul3A_490, %sub3A_508 : vector<128x1xf32>
    %add3A_510 = arith.addf %broadcast_in_dim3A_506, %mul3A_509 : vector<128x1xf32>
    %div3A_511 = vector.broadcast %mul3A_463 : f32 to vector<128x1xf32>
    %div3A_512 = arith.divf %add3A_510, %div3A_511 : vector<128x1xf32>
    %sqrt3A_513 = math.sqrt %div3A_512 : vector<128x1xf32>
    %swap3A_514 = arith.constant 0 : index
    %swap3A_515 = arith.constant 6 : index
    %swap3A_516 = vector.load %arg4[%swap3A_514, %swap3A_515] : memref<128x8xf32, #tpu.memory_space<vmem>>, vector<128x1xf32>
    tpu.vector_store %arg4[%swap3A_514, %swap3A_515], %sqrt3A_513 {strides = array<i32>} : memref<128x8xf32, #tpu.memory_space<vmem>>, vector<128x1xf32>,
    %get3A_517 = arith.constant 7 : index
    %get3A_518 = arith.constant 0 : index
    %get3A_519 = arith.constant 0 : index
    %get3A_520 = vector.load %arg1[%get3A_517, %get3A_518, %get3A_519] : memref<8x2x2304xf32, #tpu.memory_space<vmem>>, vector<1x1x2304xf32>
    %get3A_521 = vector.shape_cast %get3A_520 : vector<1x1x2304xf32> to vector<1x2304xf32>
    %get3A_522 = arith.constant 7 : index
    %get3A_523 = arith.constant 1 : index
    %get3A_524 = arith.constant 0 : index
    %get3A_525 = vector.load %arg1[%get3A_522, %get3A_523, %get3A_524] : memref<8x2x2304xf32, #tpu.memory_space<vmem>>, vector<1x1x2304xf32>
    %get3A_526 = vector.shape_cast %get3A_525 : vector<1x1x2304xf32> to vector<1x2304xf32>
    %get3A_527 = arith.constant 7 : index
    %get3A_528 = arith.constant 0 : index
    %get3A_529 = arith.constant 0 : index
    %get3A_530 = vector.load %arg2[%get3A_527, %get3A_528, %get3A_529] : memref<8x1x2304xf32, #tpu.memory_space<vmem>>, vector<1x1x2304xf32>
    %get3A_531 = vector.shape_cast %get3A_530 : vector<1x1x2304xf32> to vector<1x2304xf32>
    %reduce_sum3A_532 = vector.shape_cast %get3A_531 : vector<1x2304xf32> to vector<1x1x2304xf32>
    %reduce_sum3A_533 = arith.constant dense<0.000000e+00> : vector<1xf32>
    %reduce_sum3A_534 = vector.multi_reduction <add>, %reduce_sum3A_532, %reduce_sum3A_533 [1, 2] : vector<1x1x2304xf32> to vector<1xf32>
    %reduce_sum3A_535 = vector.shape_cast %reduce_sum3A_534 : vector<1xf32> to vector<1x1x1xf32>
    %reduce_sum3A_536 = vector.extract %reduce_sum3A_535[0, 0, 0] : f32 from vector<1x1x1xf32>
    %mul3A_537 = arith.constant 3.000000e-01 : f32
    %mul3A_538 = arith.mulf %mul3A_537, %reduce_sum3A_536 : f32
    %sub3A_539 = vector.broadcast %get3A_1 : vector<128x1xf32> to vector<128x2304xf32>
    %sub3A_540 = vector.broadcast %get3A_521 : vector<1x2304xf32> to vector<128x2304xf32>
    %sub3A_541 = arith.subf %sub3A_539, %sub3A_540 : vector<128x2304xf32>
    %sub3A_542 = vector.broadcast %get3A_4 : vector<128x1xf32> to vector<128x2304xf32>
    %sub3A_543 = vector.broadcast %get3A_526 : vector<1x2304xf32> to vector<128x2304xf32>
    %sub3A_544 = arith.subf %sub3A_542, %sub3A_543 : vector<128x2304xf32>
    %mul3A_545 = arith.mulf %sub3A_541, %sub3A_541 : vector<128x2304xf32>
    %mul3A_546 = arith.mulf %sub3A_544, %sub3A_544 : vector<128x2304xf32>
    %add3A_547 = arith.addf %mul3A_545, %mul3A_546 : vector<128x2304xf32>
    %max3A_548 = arith.constant 9.99999996E-13 : f32
    %max3A_549 = vector.broadcast %max3A_548 : f32 to vector<128x2304xf32>
    %max3A_550 = arith.maximumf %add3A_547, %max3A_549 : vector<128x2304xf32>
    %mul3A_551 = vector.broadcast %get3A_531 : vector<1x2304xf32> to vector<128x2304xf32>
    %mul3A_552 = arith.mulf %mul3A_551, %max3A_550 : vector<128x2304xf32>
    %broadcast_in_dim3A_553 = arith.constant 0.000000e+00 : f32
    %broadcast_in_dim3A_554 = vector.broadcast %broadcast_in_dim3A_553 : f32 to vector<128x1xf32>
    %broadcast_in_dim3A_555 = arith.constant 8.500000e+00 : f32
    %broadcast_in_dim3A_556 = vector.broadcast %broadcast_in_dim3A_555 : f32 to vector<128x1xf32>
    %scan3A_557 = arith.constant 0 : i32
    %scan3A_558 = arith.constant 16 : i32
    %scan3A_559 = arith.addi %scan3A_557, %scan3A_558 : i32
    %scan3A_560 = arith.constant 1 : i32
    %scan3A_561:2 = scf.for %scan3A_592 = %scan3A_557 to %scan3A_559 step %scan3A_560 iter_args(%scan3A_593 = %broadcast_in_dim3A_554, %scan3A_594 = %broadcast_in_dim3A_556) -> (vector<128x1xf32>, vector<128x1xf32>)  : i32 {
      %add3A_595 = arith.addf %scan3A_593, %scan3A_594 : vector<128x1xf32>
      %mul3A_596 = arith.constant 5.000000e-01 : f32
      %mul3A_597 = vector.broadcast %mul3A_596 : f32 to vector<128x1xf32>
      %mul3A_598 = arith.mulf %mul3A_597, %add3A_595 : vector<128x1xf32>
      %lt3A_599 = vector.broadcast %mul3A_598 : vector<128x1xf32> to vector<128x2304xf32>
      %lt3A_600 = arith.cmpf olt, %max3A_550, %lt3A_599 : vector<128x2304xf32>
      %jit3A_601 = arith.constant 0.000000e+00 : f32
      %broadcast_in_dim3A_602 = vector.shape_cast %get3A_531 : vector<1x2304xf32> to vector<1x2304xf32>
      %broadcast_in_dim3A_603 = vector.broadcast %broadcast_in_dim3A_602 : vector<1x2304xf32> to vector<128x2304xf32>
      %broadcast_in_dim3A_604 = vector.broadcast %jit3A_601 : f32 to vector<128x2304xf32>
      %select_n3A_605 = arith.select %lt3A_600, %broadcast_in_dim3A_603, %broadcast_in_dim3A_604 : vector<128x2304xi1>, vector<128x2304xf32>
      %reduce_sum3A_606 = arith.constant dense<0.000000e+00> : vector<128xf32>
      %reduce_sum3A_607 = vector.multi_reduction <add>, %select_n3A_605, %reduce_sum3A_606 [1] : vector<128x2304xf32> to vector<128xf32>
      %broadcast_in_dim3A_608 = vector.shape_cast %reduce_sum3A_607 : vector<128xf32> to vector<128x1xf32>
      %lt3A_609 = vector.broadcast %mul3A_538 : f32 to vector<128x1xf32>
      %lt3A_610 = arith.cmpf olt, %broadcast_in_dim3A_608, %lt3A_609 : vector<128x1xf32>
      %select_n3A_611 = arith.select %lt3A_610, %mul3A_598, %scan3A_593 : vector<128x1xi1>, vector<128x1xf32>
      %select_n3A_612 = arith.select %lt3A_610, %scan3A_594, %mul3A_598 : vector<128x1xi1>, vector<128x1xf32>
      scf.yield %select_n3A_611, %select_n3A_612 : vector<128x1xf32>, vector<128x1xf32>
    }
    %add3A_562 = arith.addf %scan3A_561#0, %scan3A_561#1 : vector<128x1xf32>
    %mul3A_563 = arith.constant 5.000000e-01 : f32
    %mul3A_564 = vector.broadcast %mul3A_563 : f32 to vector<128x1xf32>
    %mul3A_565 = arith.mulf %mul3A_564, %add3A_562 : vector<128x1xf32>
    %lt3A_566 = vector.broadcast %mul3A_565 : vector<128x1xf32> to vector<128x2304xf32>
    %lt3A_567 = arith.cmpf olt, %max3A_550, %lt3A_566 : vector<128x2304xf32>
    %jit3A_568 = arith.constant 0.000000e+00 : f32
    %broadcast_in_dim3A_569 = vector.shape_cast %get3A_531 : vector<1x2304xf32> to vector<1x2304xf32>
    %broadcast_in_dim3A_570 = vector.broadcast %broadcast_in_dim3A_569 : vector<1x2304xf32> to vector<128x2304xf32>
    %broadcast_in_dim3A_571 = vector.broadcast %jit3A_568 : f32 to vector<128x2304xf32>
    %select_n3A_572 = arith.select %lt3A_567, %broadcast_in_dim3A_570, %broadcast_in_dim3A_571 : vector<128x2304xi1>, vector<128x2304xf32>
    %reduce_sum3A_573 = arith.constant dense<0.000000e+00> : vector<128xf32>
    %reduce_sum3A_574 = vector.multi_reduction <add>, %select_n3A_572, %reduce_sum3A_573 [1] : vector<128x2304xf32> to vector<128xf32>
    %broadcast_in_dim3A_575 = vector.shape_cast %reduce_sum3A_574 : vector<128xf32> to vector<128x1xf32>
    %jit3A_576 = arith.constant 0.000000e+00 : f32
    %broadcast_in_dim3A_577 = vector.broadcast %jit3A_576 : f32 to vector<128x2304xf32>
    %select_n3A_578 = arith.select %lt3A_567, %mul3A_552, %broadcast_in_dim3A_577 : vector<128x2304xi1>, vector<128x2304xf32>
    %reduce_sum3A_579 = arith.constant dense<0.000000e+00> : vector<128xf32>
    %reduce_sum3A_580 = vector.multi_reduction <add>, %select_n3A_578, %reduce_sum3A_579 [1] : vector<128x2304xf32> to vector<128xf32>
    %broadcast_in_dim3A_581 = vector.shape_cast %reduce_sum3A_580 : vector<128xf32> to vector<128x1xf32>
    %sub3A_582 = vector.broadcast %mul3A_538 : f32 to vector<128x1xf32>
    %sub3A_583 = arith.subf %sub3A_582, %broadcast_in_dim3A_575 : vector<128x1xf32>
    %mul3A_584 = arith.mulf %mul3A_565, %sub3A_583 : vector<128x1xf32>
    %add3A_585 = arith.addf %broadcast_in_dim3A_581, %mul3A_584 : vector<128x1xf32>
    %div3A_586 = vector.broadcast %mul3A_538 : f32 to vector<128x1xf32>
    %div3A_587 = arith.divf %add3A_585, %div3A_586 : vector<128x1xf32>
    %sqrt3A_588 = math.sqrt %div3A_587 : vector<128x1xf32>
    %swap3A_589 = arith.constant 0 : index
    %swap3A_590 = arith.constant 7 : index
    %swap3A_591 = vector.load %arg4[%swap3A_589, %swap3A_590] : memref<128x8xf32, #tpu.memory_space<vmem>>, vector<128x1xf32>
    tpu.vector_store %arg4[%swap3A_589, %swap3A_590], %sqrt3A_588 {strides = array<i32>} : memref<128x8xf32, #tpu.memory_space<vmem>>, vector<128x1xf32>,
    return
  }
  func.func @transform_0(%arg0: i32) -> (i32, i32, i32) {
    %c0_i32 = arith.constant 0 : i32
    %c0_i32_0 = arith.constant 0 : i32
    %c0_i32_1 = arith.constant 0 : i32
    %c0_i32_2 = arith.constant 0 : i32
    return %c0_i32, %c0_i32_0, %c0_i32_1 : i32, i32, i32
  }
  func.func @transform_1(%arg0: i32) -> (i32, i32, i32) {
    %c0_i32 = arith.constant 0 : i32
    %c0_i32_0 = arith.constant 0 : i32
    %c0_i32_1 = arith.constant 0 : i32
    %c0_i32_2 = arith.constant 0 : i32
    return %c0_i32, %c0_i32_0, %c0_i32_1 : i32, i32, i32
  }
  func.func @transform_2(%arg0: i32) -> (i32, i32) {
    %c0_i32 = arith.constant 0 : i32
    %c0_i32_0 = arith.constant 0 : i32
    return %arg0, %c0_i32 : i32, i32
  }
  func.func @transform_3(%arg0: i32) -> (i32, i32) {
    %c0_i32 = arith.constant 0 : i32
    %c0_i32_0 = arith.constant 0 : i32
    return %arg0, %c0_i32 : i32, i32
  }
}

</mosaic_0001>

<sc_bundles>
// kernel: kernel.4.cloned.1.call-start
scs
__scs_entry_jumppad:
0x0: {  	(pc) =	sbr.rel $0x88, $3  }
0x1: {  	(tag) =	ssettag $0x0;
	lr =	simm.s32 $0x1  }
0x2: {  	[smem:$0x3F9E] =	sst lr;
	_ =	strace $0xD0000000  }
0x3: {  	_ = 	snop  }
0x4: {  	_ = 	snop  }
0x5: {  	_ = 	snop  }
0x6: {  	_ = 	snop  }
0x7: {  	_ = 	snop  }
__scs_overlays_trampoline_lowered:
0x8: {  	[smem:$0x3FAD] =	sst s0  }
0x9: {  	[smem:$0x3FAE] =	sst s1  }
0xa: {  	[smem:$0x3FAF] =	sst s2  }
0xb: {  	[smem:$0x3FB0] =	sst s3  }
0xc: {  	[smem:$0x3FB1] =	sst s4  }
0xd: {  	[smem:$0x3FB2] =	sst s5  }
0xe: {  	[smem:$0x3FB3] =	sst s6  }
0xf: {  	[smem:$0x3FB4] =	sst s7  }
0x10: {  	[smem:$0x3FB5] =	sst s8  }
0x11: {  	[smem:$0x3FB6] =	sst s9;
	s0 =	simm.s32 @!p0 $0x0  }
0x12: {  	s1 =	sld [smem:$0x3F9C];
	s0 =	simm.s32 @p0 $0x1  }
0x13: {  	[smem:$0x3FB7] =	sst s0;
	s0 =	simm.s32 @!p1 $0x0  }
0x14: {  	s2 =	sld [smem:$0x3F9B];
	s0 =	simm.s32 @p1 $0x1  }
0x15: {  	[smem:$0x3FB8] =	sst s0;
	s0 =	simm.s32 @!p2 $0x0  }
0x16: {  	s3 =	sld [smem:$0x3FDB];
	s0 =	simm.s32 @p2 $0x1  }
0x17: {  	s4 =	simm.s32 $0x1BF5;
	[smem:$0x3FBA] =	sst s0  }
0x18: {  	s0 =	sld [smem:$0x3F9D];
	_ =	swait.ge [sflag:s4], $0x0  }
0x19: {  	s7 =	sld [smem:$0x3F9E]  }
0x1a: {  	s8 =	sadd.s32 $0xFFFFE003, lr  }
0x1b: {  	s9 =	sadd.s32 $0xFFFFFEF7, lr;
	s5 =	simm.s32 $0xFFFFFFFF;
	p2 =	slt.u32 s8, $0xFFFFF086  }
0x1c: {  	p1 =	slt.u32 s9, $0xF7A;
	s5 =	simm.s32 @!p2 $0x0  }
0x1d: {  	s5 =	simm.s32 @p1 $0x1;
	p0 =	seq.s32 s7, s2  }
0x1e: {  	s7 =	smul.u32 @!p0 $0xF7A, s2;
	p2 =	seq.s32 @!p0 s5, $0x0  }
0x1f: {  	s9 =	smul.u32 $0xF7A, s1;
	s8 =	simm.s32 @!p0 $0x1BF5;
	p2 =	por !p2, p0  }
0x20: {  	[sflag:s8] =	ssyncset.s32 @!p0 $0xFFFFF086;
	s6 =	sadd.s32 @!p0 s3, s7;
	s7 =	simm.s32 @!p0 $0x108  }
0x21: {  	s3 =	sadd.s32 s3, s9;
	s6 =	sadd.s32 @!p0 $0x88, s6;
	s7 =	simm.s32 @p2 $0x1082  }
0x22: {  	[simem:s7], [sflag:s8] =	dma.local @!p0 [hbm:s6], $0xF7A  }
0x23: {  	s9 =	sor.u32 $0xD0000000, s2;
	s6 =	simm.s32 $0x108;
	_ =	swait.ge @!p0 [sflag:s8], $0x0  }
0x24: {  	s3 =	sadd.s32 $0x88, s3;
	s6 =	simm.s32 @!p1 $0x1082;
	[sflag:s4] =	ssyncset.s32 $0xFFFFF086  }
0x25: {  	[simem:s6], [sflag:s4] =	dma.local [hbm:s3], $0xF7A  }
0x26: {  	[smem:$0x3F9E] =	sst s1;
	(tag) =	ssettag s2;
	_ =	strace s9  }
0x27: {  	s1 =	sld [smem:$0x3FAE]  }
0x28: {  	s2 =	sld [smem:$0x3FAF]  }
0x29: {  	s4 =	sld [smem:$0x3FB1]  }
0x2a: {  	p0 =	seq.s32 s5, $0x0;
	s5 =	sld [smem:$0x3FB2]  }
0x2b: {  	s6 =	sld [smem:$0x3FB3]  }
0x2c: {  	s7 =	sld [smem:$0x3FB4]  }
0x2d: {  	s3 =	simm.s32 $0x108;
	s8 =	sld [smem:$0x3FB5]  }
0x2e: {  	s3 =	simm.s32 @!p0 $0x1082;
	s9 =	sld [smem:$0x3FB6]  }
0x2f: {  	lr =	sadd.s32 s0, s3;
	s0 =	sld [smem:$0x3FAD]  }
0x30: {  	s3 =	sld [smem:$0x3FB0]  }
0x31: {  	[smem:$0x3FB9] =	sst s10  }
0x32: {  	s10 =	sld [smem:$0x3FB7];
	_ =	sdelay $0x3  }
0x33: {  	p0 =	seq.s32 s10, $0x1;
	s10 =	sld [smem:$0x3FB9];
	_ =	sdelay $0x3  }
0x34: {  	[smem:$0x3FB9] =	sst s10  }
0x35: {  	s10 =	sld [smem:$0x3FB8];
	_ =	sdelay $0x3  }
0x36: {  	p1 =	seq.s32 s10, $0x1;
	s10 =	sld [smem:$0x3FB9];
	_ =	sdelay $0x3  }
0x37: {  	[smem:$0x3FB9] =	sst s10  }
0x38: {  	s10 =	sld [smem:$0x3FBA]  }
0x39: {  	_ = 	snop;
	(pc) =	sbr.ind lr, $3  }
0x3a: {  	_ = 	snop  }
0x3b: {  	_ = 	snop  }
0x3c: {  	p2 =	seq.s32 s10, $0x1;
	s10 =	sld [smem:$0x3FB9]  }
0x3d: {  	_ =	shalt  }
0x3e: {  	_ =	shalt  }
0x3f: {  	_ =	shalt  }
0x40: {  	_ =	shalt  }
0x41: {  	_ =	shalt  }
0x42: {  	_ =	shalt  }
0x43: {  	_ =	shalt  }
0x44: {  	_ =	shalt  }
0x45: {  	_ =	shalt  }
0x46: {  	_ =	shalt  }
0x47: {  	_ =	shalt  }
0x48: {  	_ =	shalt  }
0x49: {  	_ =	shalt  }
0x4a: {  	_ =	shalt  }
0x4b: {  	_ =	shalt  }
0x4c: {  	_ =	shalt  }
0x4d: {  	_ =	shalt  }
0x4e: {  	_ =	shalt  }
0x4f: {  	_ =	shalt  }
0x50: {  	_ =	shalt  }
0x51: {  	_ =	shalt  }
0x52: {  	_ =	shalt  }
0x53: {  	_ =	shalt  }
0x54: {  	_ =	shalt  }
0x55: {  	_ =	shalt  }
0x56: {  	_ =	shalt  }
0x57: {  	_ =	shalt  }
0x58: {  	_ =	shalt  }
0x59: {  	_ =	shalt  }
0x5a: {  	_ =	shalt  }
0x5b: {  	_ =	shalt  }
0x5c: {  	_ =	shalt  }
0x5d: {  	_ =	shalt  }
0x5e: {  	_ =	shalt  }
0x5f: {  	_ =	shalt  }
0x60: {  	_ =	shalt  }
0x61: {  	_ =	shalt  }
0x62: {  	_ =	shalt  }
0x63: {  	_ =	shalt  }
0x64: {  	_ =	shalt  }
0x65: {  	_ =	shalt  }
0x66: {  	_ =	shalt  }
0x67: {  	_ =	shalt  }
0x68: {  	_ =	shalt  }
0x69: {  	_ =	shalt  }
0x6a: {  	_ =	shalt  }
0x6b: {  	_ =	shalt  }
0x6c: {  	_ =	shalt  }
0x6d: {  	_ =	shalt  }
0x6e: {  	_ =	shalt  }
0x6f: {  	_ =	shalt  }
0x70: {  	_ =	shalt  }
0x71: {  	_ =	shalt  }
0x72: {  	_ =	shalt  }
0x73: {  	_ =	shalt  }
0x74: {  	_ =	shalt  }
0x75: {  	_ =	shalt  }
0x76: {  	_ =	shalt  }
0x77: {  	_ =	shalt  }
0x78: {  	_ =	shalt  }
0x79: {  	_ =	shalt  }
0x7a: {  	_ =	shalt  }
0x7b: {  	_ =	shalt  }
0x7c: {  	_ =	shalt  }
0x7d: {  	_ =	shalt  }
0x7e: {  	_ =	shalt  }
0x7f: {  	_ =	shalt  }
0x80: {  	_ =	shalt  }
0x81: {  	_ =	shalt  }
0x82: {  	_ =	shalt  }
0x83: {  	_ =	shalt  }
0x84: {  	_ =	shalt  }
0x85: {  	_ =	shalt  }
0x86: {  	_ =	shalt  }
0x87: {  	_ =	shalt  }
.Lfunc_end0:
.L_simem_size_0:
called_computation_lowered:
.L_overlay_start_0:
0x88: {  	s2 =	sld [smem:$0x3FD9]  }
0x89: {  	s3 =	sld [smem:$0x3FFE];
	_ =	sdelay $0x1  }
0x8a: {  	s1 =	srdreg.scid  }
0x8b: {  	s0 =	sand.u32 $0x1, s1  }
0x8c: {  	s17 =	sshll.u32 s0, $0xA;
	s2 =	sadd.s32 s3, s2  }
0x8d: {  	s2 =	sadd.s32 s2, s17  }
0x8e: {  	[smem:$0x3FC5] =	sst s2  }
0x8f: {  	_ = 	snop  }
0x90: {  	s2 =	sld [smem:$0x3FD0];
	(tm) =	ssettm $0x1  }
0x91: {  	s18 =	sld [smem:$0x3FFB];
	_ =	sdelay $0x3  }
0x92: {  	_ =	strace s18  }
0x93: {  	s3 =	sld [smem:$0x3FFC];
	_ =	sdelay $0x3  }
0x94: {  	_ =	strace s3  }
0x95: {  	s3 =	sld [smem:$0x3FFD];
	_ =	sdelay $0x3  }
0x96: {  	_ =	strace s3  }
0x97: {  	_ =	strace $0x8FFFFFFF  }
0x98: {  	s19 =	sld [smem:$0x3FDB];
	_ =	sdelay $0x1  }
0x99: {  	s4 =	simm.s32 $_scs_section_size  }
0x9a: {  	s5 =	simm.s32 $_size__tile_overlayer_lowered;
	s6 =	simm.s32 $_tile_overlayer_lowered  }
0x9b: {  	s22 =	simm.s32 $0x1BFF;
	s21 =	sshll.u32 s6, $0x1;
	s3 =	sadd.s32 s4, s19  }
0x9c: {  	s7 =	simm.s32 $0x0;
	s20 =	sshll.u32 s5, $0x1;
	s5 =	sadd.s32 s21, s3  }
0x9d: {  	[timem:s7], [sflag:s22] =	dma.local [hbm:s5], s20  }
0x9e: {  	_ =	swait.ge [sflag:s22], s20  }
0x9f: {  	s4 =	ssub.s32 $0x0, s20;
	[sflag:s22] =	ssyncset.done $0x0  }
0xa0: {  	[sflag:s22] =	ssyncadd.s32 s4;
	_ =	sdelay $0x1  }
0xa1: {  	s23 =	simm.s32 $0x1B8B  }
0xa2: {  	_ =	swait.ge [sflag:s23], $0x1  }
0xa3: {  	[sflag:s23] =	ssyncset.done $0x0  }
0xa4: {  	s25 =	simm.s32 $0x1B8E;
	s24 =	sld [smem:$0x3FFE];
	[sflag:s23] =	ssyncadd.s32 $0xFFFFFFFF  }
0xa5: {  	s26 =	simm.s32 $execute0_lowered;
	[smem:$0x3FD2] =	sst s25  }
0xa6: {  	s5 =	sshll.u32 s26, $0x1;
	_ =	strace $0x80000046;
	[dreg:$0x1] =	wrdreg $0xFFFFFFFF  }
0xa7: {  	s28 =	simm.s32 $_size_execute0_lowered;
	s3 =	sadd.s32 s3, s5;
	[dreg:$0x0] =	wrdreg $0x0  }
0xa8: {  	s5 =	sshll.u32 s28, $0x1;
	[dreg:$0x2] =	wrdreg s3  }
0xa9: {  	[dreg:$0x3] =	wrdreg s5  }
0xaa: {  	[dreg:$0x4] =	wrdreg $0xC0  }
0xab: {  	_ =	task [dreg:s7], $0x5FFFF  }
0xac: {  	[dreg:$0x1] =	wrdreg $0xFFFFFFFF  }
0xad: {  	[dreg:$0x0] =	wrdreg $0x60  }
0xae: {  	[dreg:$0x2] =	wrdreg s2  }
0xaf: {  	[dreg:$0x3] =	wrdreg s24  }
0xb0: {  	[dreg:$0x4] =	wrdreg $0x9  }
0xb1: {  	_ =	task.clear_ibuf [dreg:s7], $0x5FFFF;
	_ =	strace $0x90000046  }
0xb2: {  	s29 =	simm.s32 $0x9;
	_ =	strace $0x80000048  }
0xb3: {  	_ =	swait.ge [sflag:s29], $0x1  }
0xb4: {  	[sflag:s29] =	ssyncadd.s32 $0xFFFFFFFF  }
0xb5: {  	_ =	strace $0x90000048  }
0xb6: {  	_ =	sfence  }
0xb7: {  	s30 =	sld [smem:$0x0];
	_ =	sdelay $0x2  }
0xb8: {  	s31 =	sshll.u32 s1, $0xD;
	s1 =	sshrl.u32 s1, $0x2  }
0xb9: {  	s3 =	sand.u32 $0x4000, s31;
	s1 =	sadd.s32 s1, s30  }
0xba: {  	s0 =	sor.u32 s3, s0;
	s1 =	sshll.u32 s1, $0x11  }
0xbb: {  	s0 =	sor.u32 s1, s0  }
0xbc: {  	s0 =	sadd.s32 $0x8F2B, s0  }
0xbd: {  	[sflag:s0] =	ssyncadd.remote.s32 $0x1  }
0xbe: {  	_ =	sfence.sel $0xFFFF  }
0xbf: {  	[dreg:$0x0] =	wrdreg $0xFFFFFFFF;
	(pc) =	sbr.abs _section_cstart, $3  }
0xc0: {  	[dreg:$0x1] =	wrdreg $0xFFFFFFFF  }
0xc1: {  	_ =	task.clear_ibuf [dreg:s7], $0x2FFFF;
	_ =	strace $0x9FFFFFFF  }
0xc2: {  	(tm) =	ssettm $0x7FFFFFFF  }
0xc3: {  	_ =	shalt  }
tec
execute0_lowered:
.L_overlay_start_1:
0x0: {  	(tag) =	ssettag $0x1  }
0x1: {  	s3 =	rddreg [dreg:$0x0]  }
0x2: {  	s0 =	stileid.u32;
	s1 =	srdreg.scid  }
0x3: {  	s4 =	rddreg [dreg:$0x1];
	s12 =	simm.s32 $0x1200;
	s13 =	simm.s32 $0x1B00  }
0x4: {  	s14 =	simm.s32 $0x1C80;
	s15 =	simm.s32 $0x1E00;
	s16 =	simm.s32 $0x3600  }
0x5: {  	s17 =	simm.s32 $0x4E00;
	s18 =	simm.s32 $0x0;
	s5 =	sand.u32 $0x1, s1  }
0x6: {  	s2 =	sshll.u32 s0, $0x1;
	s1 =	rddreg [dreg:$0x2];
	s6 =	sshrl.u32 s0, $0x1  }
0x7: {  	s7 =	sor.u32 s5, s2;
	s2 =	simm.s32 $0x0;
	s6 =	smul.u32 $0x120, s6  }
0x8: {  	s5 =	ssub.s32 $0x2, s5;
	s8 =	sand.u32 $0x3, s7;
	s7 =	smul.u32 $0x30, s7  }
0x9: {  	[smem:$0x7FF] =	sst s2;
	s10 =	sshrl.u32 s5, $0x1;
	s8 =	smul.u32 $0x30, s8  }
.Ltmp0:
0xa: {  	_ =	strace $0x80000047;
	s9 =	sadd.s32 s6, s4;
	(pc) =	sbr.rel .LBB2_1-.Ltmp0, $4  }
0xb: {  	vm0 =	vmxor vm0, vm0;
	s10 =	ssub.s32 s5, s10;
	s3 =	sadd.s32 s3, s6;
	s11 =	sadd.s32 s7, s4  }
0xc: {  	v0 =	vmpcnt.ones.xlane vm0;
	s5 =	sadd.s32 $0x1400, s9;
	s8 =	sadd.s32 s8, s4;
	s4 =	sadd.s32 $0xA00, s9  }
0xd: {  	s9 =	smax.u32 s10, $0x1;
	s10 =	simm.s32 $0x1;
	s6 =	sadd.s32 $0x2000, s8  }
0xe: {  	v1 =	vimm.f32 $0.0e+00;
	v15 =	vlaneseq.u32;
	[tilespmem:$0x1FFF0] =	vst v0;
	s7 =	sadd.s32 $0x1E00, s8;
	s8 =	sadd.s32 $0x2200, s11;
	s11 =	simm.s32 $0x900  }
.LBB2_14:
0xf: {  	s18 =	sadd.s32 $0x1, s18  }
0x10: {  	p0 =	sne.s32 s18, s9  }
.Ltmp1:
0x11: {  	_ = 	snop;
	(pc) =	sbr.rel @!p0 .LBB2_15-.Ltmp1, $4  }
0x12: {  	[hbm4b:s8+s2] =	stream.linear.scatter [tilespmem:s17], [sflag:$0x1], $0x180, $0x38;
	[tilespmem:$0x4F80] =	vst v63  }
0x13: {  	_ =	swait.ge [sflag:s10], $0x180  }
0x14: {  	[sflag:s10] =	ssyncset.done $0x0  }
0x15: {  	[sflag:s10] =	ssyncadd.s32 $0xFFFFFE80  }
.LBB2_1:
0x16: {  	[tilespmem:s2], [sflag:$0x1] =	stream.linear.gather [hbm4b:s3+s2], $0x900, $0x38;
	[tilespmem:$0x4F80] =	vst v63  }
0x17: {  	_ =	swait.ge [sflag:s10], $0x900  }
0x18: {  	[sflag:s10] =	ssyncset.done $0x0  }
0x19: {  	[sflag:s10] =	ssyncadd.s32 $0xFFFFF700  }
0x1a: {  	[tilespmem:s11], [sflag:$0x1] =	stream.linear.gather [hbm4b:s4+s2], $0x900, $0x38;
	[tilespmem:$0x4F80] =	vst v63  }
0x1b: {  	_ =	swait.ge [sflag:s10], $0x900  }
0x1c: {  	[sflag:s10] =	ssyncset.done $0x0  }
0x1d: {  	[sflag:s10] =	ssyncadd.s32 $0xFFFFF700  }
0x1e: {  	[tilespmem:s12], [sflag:$0x1] =	stream.linear.gather [hbm4b:s5+s2], $0x900, $0x38;
	[tilespmem:$0x4F80] =	vst v63  }
0x1f: {  	_ =	swait.ge [sflag:s10], $0x900  }
0x20: {  	[sflag:s10] =	ssyncset.done $0x0  }
0x21: {  	[sflag:s10] =	ssyncadd.s32 $0xFFFFF700  }
0x22: {  	[tilespmem:s13], [sflag:$0x1] =	stream.linear.gather [hbm4b:s6+s2], $0x180, $0x38;
	[tilespmem:$0x4F80] =	vst v63  }
0x23: {  	_ =	swait.ge [sflag:s10], $0x180  }
0x24: {  	[sflag:s10] =	ssyncset.done $0x0  }
0x25: {  	[sflag:s10] =	ssyncadd.s32 $0xFFFFFE80  }
0x26: {  	[tilespmem:s14], [sflag:$0x1] =	stream.linear.gather [hbm4b:s7+s2], $0x180, $0x38;
	[tilespmem:$0x4F80] =	vst v63  }
0x27: {  	_ =	swait.ge [sflag:s10], $0x180  }
0x28: {  	[sflag:s10] =	ssyncset.done $0x0  }
0x29: {  	s20 =	simm.s32 $0x0;
	[sflag:s10] =	ssyncadd.s32 $0xFFFFFE80  }
0x2a: {  	s19 =	simm.s32 $0x40;
	v0 =	vimm.f32 $0.0e+00;
	v3 =	vld [tilespmem:s20+$0x1200]  }
.LBB2_2:
0x2b: {  	p0 =	sne.s32 s19, $0x23C0  }
.Ltmp2:
0x2c: {  	_ = 	snop;
	(pc) =	sbr.rel @p0 .LBB2_2-.Ltmp2, $3  }
0x2d: {  	_ =	sdelay $0x1  }
0x2e: {  	s20 =	sshra.s32 s19, $0x2;
	s19 =	sadd.s32 $0x40, s19;
	v0 =	vadd.f32 v3, v0  }
0x2f: {  	v3 =	vld [tilespmem:s20+$0x1200]  }
0x30: {  	_ =	sdelay $0x3  }
0x31: {  	v0 =	vadd.f32 v3, v0;
	_ =	sdelay $0x1  }
0x32: {  	(v2sf) =	vpush v0, $0x0  }
0x33: {  	(v2sf) =	vpush v0, $0x1;
	_ =	sdelay $0x1  }
0x34: {  	(v2sf) =	vpush v0, $0x2;
	_ =	sdelay $0x1  }
0x35: {  	(v2sf) =	vpush v0, $0x3;
	_ =	sdelay $0x1  }
0x36: {  	(v2sf) =	vpush v0, $0x4;
	_ =	sdelay $0x1  }
0x37: {  	(v2sf) =	vpush v0, $0x5;
	_ =	sdelay $0x1  }
0x38: {  	(v2sf) =	vpush v0, $0x6;
	_ =	sdelay $0x1  }
0x39: {  	(v2sf) =	vpush v0, $0x7;
	_ =	sdelay $0x1  }
0x3a: {  	s19 =	spop (v2sf);
	(v2sf) =	vpush v0, $0x8  }
0x3b: {  	s20 =	spop (v2sf)  }
0x3c: {  	(v2sf) =	vpush v0, $0x9;
	s19 =	sadd.f32 s20, s19  }
0x3d: {  	s26 =	spop (v2sf)  }
0x3e: {  	(v2sf) =	vpush v0, $0xA;
	s19 =	sadd.f32 s19, s26  }
0x3f: {  	s28 =	spop (v2sf)  }
0x40: {  	(v2sf) =	vpush v0, $0xB;
	s19 =	sadd.f32 s19, s28  }
0x41: {  	s29 =	spop (v2sf)  }
0x42: {  	(v2sf) =	vpush v0, $0xC;
	s19 =	sadd.f32 s19, s29  }
0x43: {  	s30 =	spop (v2sf)  }
0x44: {  	(v2sf) =	vpush v0, $0xD;
	s19 =	sadd.f32 s19, s30  }
0x45: {  	s31 =	spop (v2sf)  }
0x46: {  	(v2sf) =	vpush v0, $0xE;
	s19 =	sadd.f32 s19, s31  }
0x47: {  	s21 =	spop (v2sf)  }
0x48: {  	(v2sf) =	vpush v0, $0xF;
	s19 =	sadd.f32 s19, s21  }
0x49: {  	s22 =	spop (v2sf)  }
0x4a: {  	s19 =	sadd.f32 s19, s22  }
0x4b: {  	s23 =	spop (v2sf)  }
0x4c: {  	s19 =	sadd.f32 s19, s23  }
0x4d: {  	s24 =	spop (v2sf)  }
0x4e: {  	s19 =	sadd.f32 s19, s24  }
0x4f: {  	s25 =	spop (v2sf)  }
0x50: {  	s19 =	sadd.f32 s19, s25  }
0x51: {  	s26 =	spop (v2sf)  }
0x52: {  	v0 =	vld [tilespmem:$0x1FFF0];
	s19 =	sadd.f32 s19, s26  }
0x53: {  	s28 =	spop (v2sf)  }
0x54: {  	s19 =	sadd.f32 s19, s28  }
0x55: {  	s29 =	spop (v2sf)  }
0x56: {  	s19 =	sadd.f32 s19, s29  }
0x57: {  	(v2sf) =	vpush v0, $0x0;
	s30 =	spop (v2sf)  }
0x58: {  	s19 =	sadd.f32 s19, s30;
	_ =	sdelay $0x1  }
0x59: {  	s19 =	smul.f32 $3.000000120e-01, s19;
	_ =	sdelay $0x1  }
0x5a: {  	v16 =	vmov s19  }
0x5b: {  	(erf) = vrcp.f32 v16;
	_ =	sdelay $0x5  }
.Ltmp3:
0x5c: {  	_ = 	snop;
	(pc) =	sbr.rel .LBB2_4-.Ltmp3, $3  }
0x5d: {  	_ =	sdelay $0x1  }
0x5e: {  	s31 =	spop (v2sf);
	[tilespmem:$0x1FFE0] =	vst v16;
	v0 =	vpop (erf)  }
0x5f: {  	p0 =	slt.s32 s31, $0x10;
	s19 =	simm.s32 $0x0;
	[tilespmem:$0x1FFD0] =	vst v0  }
.LBB2_9:
0x60: {  	v0 =	vimm.f32 $0.0e+00  }
0x61: {  	v5 =	vimm.f32 $0.0e+00;
	v7 =	vimm.f32 $0.0e+00;
	vm5 =	vmxor vm5, vm5  }
.LBB2_13:
0x62: {  	v0 =	vsel vm5, v7, v0  }
0x63: {  	v0 =	vsub.f32 v16, v0;
	_ =	sdelay $0x1  }
0x64: {  	v0 =	vmul.f32 v0, v6  }
0x65: {  	v1 =	vsel vm5, v4, v5  }
0x66: {  	v0 =	vadd.f32 v0, v1;
	v1 =	vld [tilespmem:$0x1FFD0];
	_ =	sdelay $0x4  }
0x67: {  	v0 =	vmul.f32 v0, v1;
	_ =	sdelay $0x1  }
0x68: {  	v1 =	vshra.s32 v0, $0x1;
	v2 =	vmul.f32 $5.000000000e-01, v0  }
0x69: {  	v1 =	vsub.s32 $0x5F3759DF, v1  }
0x6a: {  	v3 =	vmul.f32 v1, v2;
	_ =	sdelay $0x1  }
0x6b: {  	v3 =	vmul.f32 v1, v3;
	_ =	sdelay $0x1  }
0x6c: {  	v3 =	vsub.f32 $1.500000000e+00, v3;
	_ =	sdelay $0x1  }
0x6d: {  	v1 =	vmul.f32 v1, v3;
	_ =	sdelay $0x1  }
0x6e: {  	v3 =	vmul.f32 v1, v2;
	_ =	sdelay $0x1  }
0x6f: {  	v3 =	vmul.f32 v3, v1;
	_ =	sdelay $0x1  }
0x70: {  	v3 =	vsub.f32 $1.500000000e+00, v3;
	_ =	sdelay $0x1  }
0x71: {  	v1 =	vmul.f32 v3, v1;
	_ =	sdelay $0x1  }
0x72: {  	v2 =	vmul.f32 v1, v2;
	_ =	sdelay $0x1  }
0x73: {  	v2 =	vmul.f32 v2, v1;
	_ =	sdelay $0x1  }
0x74: {  	s19 =	sadd.s32 $0x1, s19;
	v2 =	vsub.f32 $1.500000000e+00, v2  }
0x75: {  	p1 =	sne.s32 s19, $0x18  }
.Ltmp4:
0x76: {  	v1 =	vmul.f32 v2, v1;
	(pc) =	sbr.rel @!p1 .LBB2_14-.Ltmp4, $3  }
0x77: {  	_ = 	snop  }
0x78: {  	v0 =	vmul.f32 v1, v0;
	_ =	sdelay $0x1  }
0x79: {  	v1 =	vimm.f32 $0.0e+00;
	[tilespmem:s20+$0x4E00] =	vst v0  }
.LBB2_4:
0x7a: {  	s20 =	sshll.u32 s19, $0x4  }
0x7b: {  	s24 =	simm.s32 $0x1E40;
	v60 =	vld [tilespmem:s20+$0x1B00]  }
0x7c: {  	v6 =	vld [tilespmem:s20+$0x1C80];
	[tilespmem:s24+$0x30] =	vst v1  }
0x7d: {  	[tilespmem:s24+$0xFFFFFFF0] =	vst v1  }
0x7e: {  	[tilespmem:s24+$0xFFFFFFC0] =	vst v1  }
0x7f: {  	[tilespmem:s24+$0xFFFFFFE0] =	vst v1  }
0x80: {  	[tilespmem:s24+$0x10] =	vst v1  }
0x81: {  	[tilespmem:s24+$0x20] =	vst v1  }
0x82: {  	[tilespmem:s24+$0x0] =	vst v1  }
0x83: {  	s25 =	simm.s32 $0x3640;
	[tilespmem:s24+$0xFFFFFFD0] =	vst v1  }
0x84: {  	[tilespmem:s25+$0xFFFFFFC0] =	vst v1  }
0x85: {  	[tilespmem:s25+$0x30] =	vst v1  }
0x86: {  	[tilespmem:s25+$0x20] =	vst v1  }
0x87: {  	[tilespmem:s25+$0x10] =	vst v1  }
0x88: {  	[tilespmem:s25+$0xFFFFFFE0] =	vst v1  }
0x89: {  	s26 =	simm.s32 $0x0;
	[tilespmem:s25+$0x0] =	vst v1  }
0x8a: {  	s23 =	simm.s32 $0x1210;
	s21 =	simm.s32 $0x10;
	s22 =	simm.s32 $0x910;
	[tilespmem:s25+$0xFFFFFFF0] =	vst v1  }
.LBB2_5:
0x8b: {  	s26 =	sadd.s32 $0x8, s26;
	[tilespmem:s25+$0xFFFFFFD0] =	vst v1;
	s24 =	sadd.s32 $0x80, s24;
	s25 =	sadd.s32 $0x80, s25  }
0x8c: {  	[tilespmem:s24+$0x30] =	vst v1;
	p1 =	slt.u32 s26, $0x178  }
0x8d: {  	[tilespmem:s24+$0xFFFFFFF0] =	vst v1  }
0x8e: {  	[tilespmem:s24+$0xFFFFFFC0] =	vst v1  }
0x8f: {  	[tilespmem:s25+$0xFFFFFFC0] =	vst v1  }
0x90: {  	[tilespmem:s25+$0x30] =	vst v1  }
0x91: {  	[tilespmem:s24+$0xFFFFFFE0] =	vst v1  }
0x92: {  	[tilespmem:s24+$0x10] =	vst v1  }
0x93: {  	[tilespmem:s24+$0x20] =	vst v1  }
0x94: {  	[tilespmem:s25+$0x20] =	vst v1  }
0x95: {  	[tilespmem:s25+$0x10] =	vst v1  }
.Ltmp5:
0x96: {  	[tilespmem:s25+$0xFFFFFFE0] =	vst v1;
	(pc) =	sbr.rel @p1 .LBB2_5-.Ltmp5, $4  }
0x97: {  	[tilespmem:s24+$0x0] =	vst v1  }
0x98: {  	[tilespmem:s25+$0x0] =	vst v1  }
0x99: {  	[tilespmem:s25+$0xFFFFFFF0] =	vst v1  }
0x9a: {  	[tilespmem:s24+$0xFFFFFFD0] =	vst v1  }
0x9b: {  	[tilespmem:s25+$0xFFFFFFD0] =	vst v1  }
0x9c: {  	v20 =	vld [tilespmem:s23+$0x0];
	_ =	sdelay $0x4  }
0x9d: {  	v19 =	vbroadcast v20, $0x0  }
0x9e: {  	v0 =	vld [tilespmem:s21+$0x0];
	v16 =	vbroadcast v20, $0x1;
	v14 =	vbroadcast v20, $0x2  }
0x9f: {  	v13 =	vbroadcast v20, $0x3;
	v12 =	vbroadcast v20, $0x4  }
0xa0: {  	v11 =	vbroadcast v20, $0x5;
	v10 =	vbroadcast v20, $0x6  }
0xa1: {  	v9 =	vbroadcast v20, $0x7;
	v5 =	vbroadcast v20, $0x8  }
0xa2: {  	v2 =	vbroadcast v20, $0x9;
	v1 =	vbroadcast v20, $0xA  }
0xa3: {  	v7 =	vbroadcast v0, $0x0;
	v21 =	vbroadcast v0, $0x1  }
0xa4: {  	v23 =	vbroadcast v0, $0x2;
	v25 =	vbroadcast v0, $0x3  }
0xa5: {  	v27 =	vbroadcast v0, $0x4;
	v30 =	vbroadcast v0, $0x5  }
0xa6: {  	v32 =	vbroadcast v0, $0x6;
	v34 =	vbroadcast v0, $0x7  }
0xa7: {  	v36 =	vbroadcast v0, $0x8;
	v38 =	vbroadcast v0, $0x9  }
0xa8: {  	v40 =	vbroadcast v0, $0xA;
	v42 =	vbroadcast v0, $0xB;
	v7 =	vsub.f32 v60, v7  }
0xa9: {  	v44 =	vbroadcast v0, $0xC;
	v21 =	vsub.f32 v60, v21;
	v23 =	vsub.f32 v60, v23  }
0xaa: {  	v46 =	vbroadcast v0, $0xD;
	v25 =	vsub.f32 v60, v25;
	v27 =	vsub.f32 v60, v27  }
0xab: {  	v48 =	vbroadcast v0, $0xE;
	v30 =	vsub.f32 v60, v30;
	v32 =	vsub.f32 v60, v32  }
0xac: {  	v0 =	vbroadcast v0, $0xF;
	v34 =	vsub.f32 v60, v34;
	v36 =	vsub.f32 v60, v36  }
0xad: {  	v38 =	vsub.f32 v60, v38;
	v7 =	vmul.f32 v7, v7;
	v21 =	vmul.f32 v21, v21  }
0xae: {  	[tilespmem:$0x1FEA0] =	vst v13;
	v40 =	vsub.f32 v60, v40;
	v23 =	vmul.f32 v23, v23;
	v25 =	vmul.f32 v25, v25  }
0xaf: {  	v42 =	vsub.f32 v60, v42;
	v4 =	vld [tilespmem:s22+$0x0];
	v27 =	vmul.f32 v27, v27;
	v30 =	vmul.f32 v30, v30  }
0xb0: {  	v44 =	vsub.f32 v60, v44;
	v32 =	vmul.f32 v32, v32;
	v34 =	vmul.f32 v34, v34  }
0xb1: {  	v0 =	vsub.f32 v60, v0;
	v36 =	vmul.f32 v36, v36;
	v38 =	vmul.f32 v38, v38  }
0xb2: {  	v40 =	vmul.f32 v40, v40;
	v42 =	vmul.f32 v42, v42  }
0xb3: {  	v44 =	vmul.f32 v44, v44;
	v0 =	vmul.f32 v0, v0  }
0xb4: {  	v8 =	vbroadcast v4, $0x0;
	v22 =	vbroadcast v4, $0x1  }
0xb5: {  	v24 =	vbroadcast v4, $0x2;
	v26 =	vbroadcast v4, $0x3  }
0xb6: {  	v28 =	vbroadcast v4, $0x4;
	v31 =	vbroadcast v4, $0x5  }
0xb7: {  	v33 =	vbroadcast v4, $0x6;
	v35 =	vbroadcast v4, $0x7  }
0xb8: {  	v46 =	vsub.f32 v60, v46;
	v37 =	vbroadcast v4, $0x8;
	v39 =	vbroadcast v4, $0x9  }
0xb9: {  	v48 =	vsub.f32 v60, v48;
	v41 =	vbroadcast v4, $0xA;
	v43 =	vbroadcast v4, $0xB  }
0xba: {  	v45 =	vbroadcast v4, $0xC;
	v8 =	vsub.f32 v6, v8;
	v22 =	vsub.f32 v6, v22  }
0xbb: {  	v47 =	vbroadcast v4, $0xD;
	v24 =	vsub.f32 v6, v24;
	v26 =	vsub.f32 v6, v26  }
0xbc: {  	v49 =	vbroadcast v4, $0xE;
	v28 =	vsub.f32 v6, v28;
	v31 =	vsub.f32 v6, v31  }
0xbd: {  	v4 =	vbroadcast v4, $0xF;
	v33 =	vsub.f32 v6, v33;
	v35 =	vsub.f32 v6, v35  }
0xbe: {  	v37 =	vsub.f32 v6, v37;
	v39 =	vsub.f32 v6, v39;
	v8 =	vmul.f32 v8, v8  }
0xbf: {  	v41 =	vsub.f32 v6, v41;
	v22 =	vmul.f32 v22, v22;
	v24 =	vmul.f32 v24, v24  }
0xc0: {  	v43 =	vsub.f32 v6, v43;
	v26 =	vmul.f32 v26, v26;
	v28 =	vmul.f32 v28, v28  }
0xc1: {  	v45 =	vsub.f32 v6, v45;
	v31 =	vmul.f32 v31, v31;
	v33 =	vmul.f32 v33, v33  }
0xc2: {  	v47 =	vsub.f32 v6, v47;
	v35 =	vmul.f32 v35, v35;
	v37 =	vmul.f32 v37, v37  }
0xc3: {  	v49 =	vsub.f32 v6, v49;
	v39 =	vmul.f32 v39, v39;
	v41 =	vmul.f32 v41, v41  }
0xc4: {  	v4 =	vsub.f32 v6, v4;
	v43 =	vmul.f32 v43, v43;
	v45 =	vmul.f32 v45, v45  }
0xc5: {  	v54 =	vmul.f32 v49, v49;
	v7 =	vadd.f32 v8, v7;
	v8 =	vadd.f32 v22, v21  }
0xc6: {  	v4 =	vmul.f32 v4, v4;
	v22 =	vadd.f32 v24, v23;
	v23 =	vadd.f32 v26, v25  }
0xc7: {  	v21 =	vmul.f32 v46, v46;
	v25 =	vadd.f32 v28, v27;
	v26 =	vadd.f32 v31, v30  }
0xc8: {  	v24 =	vmul.f32 v47, v47;
	v28 =	vadd.f32 v33, v32;
	v30 =	vadd.f32 v35, v34  }
0xc9: {  	v27 =	vmul.f32 v48, v48;
	v31 =	vadd.f32 v37, v36;
	v55 =	vadd.f32 v39, v38  }
0xca: {  	v40 =	vadd.f32 v41, v40;
	v56 =	vadd.f32 v43, v42;
	v7 =	vmax.f32 v7, $9.999999960e-13  }
0xcb: {  	v8 =	vmax.f32 v8, $9.999999960e-13;
	v22 =	vmax.f32 v22, $9.999999960e-13;
	v23 =	vmax.f32 v23, $9.999999960e-13  }
0xcc: {  	v25 =	vmax.f32 v25, $9.999999960e-13;
	v26 =	vmax.f32 v26, $9.999999960e-13;
	v39 =	vmul.f32 v7, v19  }
0xcd: {  	v28 =	vmax.f32 v28, $9.999999960e-13;
	v35 =	vmul.f32 v8, v16;
	v37 =	vmul.f32 v22, v14  }
0xce: {  	v33 =	vmovc v14;
	v59 =	vmax.f32 v30, $9.999999960e-13;
	v14 =	vmul.f32 v23, v13;
	v13 =	vmul.f32 v25, v12  }
0xcf: {  	[tilespmem:$0x1FEC0] =	vst v12;
	v61 =	vmax.f32 v31, $9.999999960e-13;
	v12 =	vmul.f32 v26, v11;
	v62 =	vmul.f32 v28, v10  }
0xd0: {  	v47 =	vmax.f32 v55, $9.999999960e-13;
	v63 =	vmul.f32 v59, v9;
	v34 =	vmul.f32 v61, v5  }
0xd1: {  	[tilespmem:$0x1FF30] =	vst v5;
	v40 =	vmax.f32 v40, $9.999999960e-13;
	v5 =	vmul.f32 v47, v2;
	v7 =	vmul.f32 $4.517647170e+01, v7  }
0xd2: {  	[tilespmem:$0x1FF50] =	vst v2;
	v0 =	vadd.f32 v4, v0;
	v2 =	vmul.f32 v40, v1;
	v8 =	vmul.f32 $4.517647170e+01, v8  }
0xd3: {  	v44 =	vadd.f32 v45, v44;
	v36 =	vmul.f32 $4.517647170e+01, v22;
	v38 =	vmul.f32 $4.517647170e+01, v23  }
0xd4: {  	v18 =	vmax.f32 v0, $9.999999960e-13;
	v51 =	vmul.f32 $4.517647170e+01, v25;
	v57 =	vmul.f32 $4.517647170e+01, v26  }
0xd5: {  	v22 =	vadd.f32 v24, v21;
	v28 =	vmul.f32 $4.517647170e+01, v28;
	v4 =	vmul.f32 $4.517647170e+01, v59  }
0xd6: {  	v23 =	vadd.f32 v54, v27;
	v58 =	vmul.f32 $4.517647170e+01, v61;
	v59 =	vmul.f32 $4.517647170e+01, v47  }
0xd7: {  	v25 =	vmax.f32 v56, $9.999999960e-13;
	v40 =	vmul.f32 $4.517647170e+01, v40;
	v26 =	vmul.f32 $4.517647170e+01, v18  }
0xd8: {  	v52 =	vmul.f32 $4.517647170e+01, v25;
	[tilespmem:$0x1FF60] =	vst v5;
	v5 =	vmax.f32 v44, $9.999999960e-13;
	v7 =	vtrunc.f32 v7  }
0xd9: {  	v22 =	vmax.f32 v22, $9.999999960e-13;
	v8 =	vtrunc.f32 v8;
	v7 =	vcvt.f32.s32 v7  }
0xda: {  	[tilespmem:$0x1FEE0] =	vst v11;
	v23 =	vmax.f32 v23, $9.999999960e-13;
	v4 =	vtrunc.f32 v4;
	v53 =	vmul.f32 $4.517647170e+01, v5  }
0xdb: {  	[tilespmem:$0x1FF10] =	vst v9;
	v54 =	vmul.f32 $4.517647170e+01, v22;
	v0 =	vcvt.f32.s32 v8;
	vm0 =	vlt.s32 v7, $0x17F  }
0xdc: {  	[tilespmem:$0x1FF70] =	vst v1;
	v27 =	vmul.f32 $4.517647170e+01, v23;
	v8 =	vtrunc.f32 v36;
	v7 =	vnsel vm0, $0x17F, v7  }
0xdd: {  	[tilespmem:$0x1FEB0] =	vst v14;
	v8 =	vcvt.f32.s32 v8;
	vm4 =	vlt.s32 v0, $0x17F;
	v7 =	vshll.u32 v7, $0x4  }
0xde: {  	[tilespmem:$0x1FED0] =	vst v13;
	v0 =	vnsel vm4, $0x17F, v0;
	v50 =	vor.u32 v15, v7;
	v7 =	vtrunc.f32 v38  }
0xdf: {  	[tilespmem:$0x1FEF0] =	vst v12;
	vm5 =	vlt.s32 v8, $0x17F;
	v0 =	vshll.u32 v0, $0x4;
	v7 =	vcvt.f32.s32 v7  }
0xe0: {  	[tilespmem:$0x1FF00] =	vst v62;
	v49 =	vor.u32 v15, v0;
	v0 =	vnsel vm5, $0x17F, v8;
	v8 =	vtrunc.f32 v51  }
0xe1: {  	[tilespmem:$0x1FF20] =	vst v63;
	v0 =	vshll.u32 v0, $0x4;
	v8 =	vcvt.f32.s32 v8;
	vm6 =	vlt.s32 v7, $0x17F  }
0xe2: {  	[tilespmem:$0x1FF40] =	vst v34;
	v48 =	vor.u32 v15, v0;
	v0 =	vnsel vm6, $0x17F, v7;
	v7 =	vtrunc.f32 v57  }
0xe3: {  	[tilespmem:$0x1FF80] =	vst v2;
	vm7 =	vlt.s32 v8, $0x17F;
	v0 =	vshll.u32 v0, $0x4;
	v7 =	vcvt.f32.s32 v7  }
0xe4: {  	v47 =	vor.u32 v15, v0;
	v0 =	vnsel vm7, $0x17F, v8;
	v8 =	vtrunc.f32 v28;
	v28 =	vld [tilespmem:s22+$0xFFFFFFF0]  }
0xe5: {  	v4 =	vcvt.f32.s32 v4;
	v0 =	vshll.u32 v0, $0x4;
	vm8 =	vlt.s32 v7, $0x17F  }
0xe6: {  	v8 =	vcvt.f32.s32 v8;
	v46 =	vor.u32 v15, v0;
	v0 =	vnsel vm8, $0x17F, v7  }
0xe7: {  	vm10 =	vlt.s32 v4, $0x17F;
	v7 =	vtrunc.f32 v58;
	v0 =	vshll.u32 v0, $0x4  }
0xe8: {  	vm9 =	vlt.s32 v8, $0x17F;
	v7 =	vcvt.f32.s32 v7;
	v45 =	vor.u32 v15, v0  }
0xe9: {  	v0 =	vnsel vm9, $0x17F, v8;
	v62 =	vbroadcast v28, $0x0;
	v34 =	vbroadcast v28, $0x1  }
0xea: {  	v0 =	vshll.u32 v0, $0x4;
	v56 =	vbroadcast v28, $0x2;
	v58 =	vbroadcast v28, $0x3  }
0xeb: {  	vm11 =	vlt.s32 v7, $0x17F;
	v1 =	vbroadcast v28, $0x4;
	v44 =	vbroadcast v28, $0x8  }
0xec: {  	v30 =	vor.u32 v15, v0;
	v0 =	vnsel vm10, $0x17F, v4;
	v4 =	vtrunc.f32 v59  }
0xed: {  	v0 =	vshll.u32 v0, $0x4;
	v4 =	vcvt.f32.s32 v4;
	v56 =	vsub.f32 v6, v56  }
0xee: {  	v36 =	vsub.f32 v6, v58;
	v43 =	vor.u32 v15, v0;
	v0 =	vnsel vm11, $0x17F, v7  }
0xef: {  	v7 =	vtrunc.f32 v40;
	v8 =	vshll.u32 v0, $0x4;
	vm12 =	vlt.s32 v4, $0x17F  }
0xf0: {  	v7 =	vcvt.f32.s32 v7;
	v56 =	vmul.f32 v56, v56;
	v42 =	vor.u32 v15, v8  }
0xf1: {  	v0 =	vld [tilespmem:s21+$0xFFFFFFF0];
	v4 =	vnsel vm12, $0x17F, v4;
	v8 =	vtrunc.f32 v52;
	v52 =	vsub.f32 v6, v62  }
0xf2: {  	v62 =	vbroadcast v28, $0x5;
	v4 =	vshll.u32 v4, $0x4;
	vm13 =	vlt.s32 v7, $0x17F  }
0xf3: {  	v8 =	vcvt.f32.s32 v8;
	v41 =	vor.u32 v15, v4;
	v4 =	vnsel vm13, $0x17F, v7  }
0xf4: {  	v7 =	vtrunc.f32 v53;
	v52 =	vmul.f32 v52, v52;
	v4 =	vshll.u32 v4, $0x4  }
0xf5: {  	vm14 =	vlt.s32 v8, $0x17F;
	v9 =	vcvt.f32.s32 v7;
	v40 =	vor.u32 v15, v4  }
0xf6: {  	v4 =	vnsel vm14, $0x17F, v8;
	v8 =	vtrunc.f32 v54;
	v61 =	vbroadcast v0, $0x0  }
0xf7: {  	v38 =	vsub.f32 v6, v1;
	v63 =	vbroadcast v0, $0x1;
	v55 =	vbroadcast v0, $0x2  }
0xf8: {  	v57 =	vbroadcast v0, $0x3;
	v59 =	vbroadcast v0, $0x4;
	v54 =	vsub.f32 v6, v34  }
0xf9: {  	v7 =	vbroadcast v0, $0x7;
	v34 =	vsub.f32 v6, v62;
	v11 =	vshll.u32 v4, $0x4  }
0xfa: {  	v31 =	vmovc v10;
	v10 =	vcvt.f32.s32 v8;
	vm1 =	vlt.s32 v9, $0x17F;
	v4 =	vbroadcast v28, $0x6  }
0xfb: {  	v8 =	vbroadcast v28, $0x7;
	v51 =	vsub.f32 v60, v61;
	v53 =	vsub.f32 v60, v63  }
0xfc: {  	v61 =	vbroadcast v0, $0x5;
	v55 =	vsub.f32 v60, v55;
	v63 =	vbroadcast v0, $0x6  }
0xfd: {  	v57 =	vsub.f32 v60, v57;
	v54 =	vmul.f32 v54, v54;
	v58 =	vsub.f32 v60, v59  }
0xfe: {  	v59 =	vmul.f32 v38, v38;
	v38 =	vbroadcast v28, $0x9;
	v7 =	vsub.f32 v60, v7  }
0xff: {  	v4 =	vsub.f32 v6, v4;
	v51 =	vmul.f32 v51, v51;
	v53 =	vmul.f32 v53, v53  }
0x100: {  	v8 =	vsub.f32 v6, v8;
	v55 =	vmul.f32 v55, v55;
	v57 =	vmul.f32 v57, v57  }
0x101: {  	v1 =	vsub.f32 v60, v61;
	v58 =	vmul.f32 v58, v58;
	v61 =	vmul.f32 v34, v34  }
0x102: {  	v9 =	vnsel vm1, $0x17F, v9;
	v7 =	vmul.f32 v7, v7;
	v34 =	vbroadcast v0, $0xB  }
0x103: {  	v4 =	vmul.f32 v4, v4;
	v8 =	vmul.f32 v8, v8;
	v17 =	vadd.f32 v52, v51  }
0x104: {  	v51 =	vbroadcast v0, $0x8;
	v54 =	vadd.f32 v54, v53;
	v55 =	vadd.f32 v56, v55  }
0x105: {  	v56 =	vbroadcast v0, $0x9;
	v52 =	vmul.f32 v36, v36;
	v36 =	vsub.f32 v60, v63  }
0x106: {  	v1 =	vmul.f32 v1, v1;
	v63 =	vadd.f32 v59, v58;
	v58 =	vbroadcast v0, $0xA  }
0x107: {  	v59 =	vbroadcast v28, $0xA;
	v53 =	vsub.f32 v6, v44;
	v15 =	vadd.f32 v8, v7  }
0x108: {  	v8 =	vbroadcast v28, $0xB;
	v57 =	vadd.f32 v52, v57;
	v2 =	vadd.f32 v61, v1  }
0x109: {  	v51 =	vsub.f32 v60, v51;
	v44 =	vmul.f32 v36, v36;
	v56 =	vsub.f32 v60, v56  }
0x10a: {  	v53 =	vmul.f32 v53, v53;
	v52 =	vsub.f32 v6, v38;
	v13 =	vsub.f32 v60, v58  }
0x10b: {  	v38 =	vsub.f32 v6, v59;
	v59 =	vtrunc.f32 v26;
	v26 =	vbroadcast v0, $0xE  }
0x10c: {  	v8 =	vsub.f32 v6, v8;
	v51 =	vmul.f32 v51, v51;
	v56 =	vmul.f32 v56, v56  }
0x10d: {  	v14 =	vadd.f32 v4, v44;
	v52 =	vmul.f32 v52, v52;
	v61 =	vmul.f32 v13, v13  }
0x10e: {  	v44 =	vsub.f32 v60, v34;
	v13 =	vmul.f32 v38, v38;
	v34 =	vbroadcast v28, $0xC  }
0x10f: {  	v9 =	vshll.u32 v9, $0x4;
	v38 =	vbroadcast v0, $0xD;
	v8 =	vmul.f32 v8, v8  }
0x110: {  	v32 =	vmovc v16;
	v16 =	vadd.f32 v53, v51;
	v53 =	vbroadcast v0, $0xC;
	v62 =	vmul.f32 v44, v44  }
0x111: {  	v56 =	vadd.f32 v52, v56;
	v12 =	vadd.f32 v13, v61;
	v13 =	vtrunc.f32 v27  }
0x112: {  	v52 =	vsub.f32 v6, v34;
	v0 =	vbroadcast v0, $0xF;
	v27 =	vsub.f32 v60, v53  }
0x113: {  	v36 =	vlaneseq.u32;
	v58 =	vadd.f32 v8, v62;
	v62 =	vsub.f32 v60, v26  }
0x114: {  	v44 =	vmul.f32 v52, v52;
	v0 =	vsub.f32 v60, v0;
	v27 =	vmul.f32 v27, v27  }
0x115: {  	v52 =	vor.u32 v36, v9;
	v9 =	vmul.f32 v62, v62;
	v62 =	vbroadcast v20, $0xE  }
0x116: {  	v26 =	vmul.f32 v0, v0  }
0x117: {  	v21 =	vadd.f32 v44, v27;
	v44 =	vbroadcast v20, $0xF;
	v0 =	vmul.f32 v23, v62;
	_ =	sdelay $0x1  }
0x118: {  	v4 =	vmax.f32 v63, $9.999999960e-13;
	[tilespmem:$0x1FF90] =	vst v0;
	v0 =	vmul.f32 v18, v44  }
0x119: {  	[tilespmem:$0x1FFC0] =	vst v4  }
0x11a: {  	[tilespmem:$0x1FFA0] =	vst v0;
	v0 =	vmax.f32 v57, $9.999999960e-13  }
0x11b: {  	v8 =	vbroadcast v28, $0xD;
	[tilespmem:$0x1FFB0] =	vst v0  }
0x11c: {  	v51 =	vor.u32 v36, v11;
	[tilespmem:v50+s15+$0x0] =	vst.idx.add.f32.msk $0xffff, v19  }
0x11d: {  	v11 =	vsub.f32 v60, v38;
	v8 =	vsub.f32 v6, v8;
	[tilespmem:v50+s16+$0x0] =	vst.idx.add.f32.msk $0xffff, v39  }
0x11e: {  	v13 =	vcvt.f32.s32 v13;
	[tilespmem:v49+s15+$0x0] =	vst.idx.add.f32.msk $0xffff, v32  }
0x11f: {  	vm15 =	vlt.s32 v10, $0x17F;
	v11 =	vmul.f32 v11, v11;
	v8 =	vmul.f32 v8, v8;
	[tilespmem:v49+s16+$0x0] =	vst.idx.add.f32.msk $0xffff, v35  }
0x120: {  	v61 =	vnsel vm15, $0x17F, v10;
	[tilespmem:v48+s15+$0x0] =	vst.idx.add.f32.msk $0xffff, v33  }
0x121: {  	vm4 =	vlt.s32 v13, $0x17F;
	v1 =	vadd.f32 v8, v11;
	v11 =	vshll.u32 v61, $0x4;
	[tilespmem:v48+s16+$0x0] =	vst.idx.add.f32.msk $0xffff, v37  }
0x122: {  	v61 =	vor.u32 v36, v11;
	v11 =	vnsel vm4, $0x17F, v13;
	v13 =	vld [tilespmem:$0x1FEA0]  }
0x123: {  	v7 =	vcvt.f32.s32 v59;
	_ =	sdelay $0x1  }
0x124: {  	vm5 =	vlt.s32 v7, $0x17F  }
0x125: {  	v7 =	vnsel vm5, $0x17F, v7  }
0x126: {  	v7 =	vshll.u32 v7, $0x4;
	[tilespmem:v47+s15+$0x0] =	vst.idx.add.f32.msk $0xffff, v13  }
0x127: {  	v13 =	vor.u32 v36, v7;
	v7 =	vld [tilespmem:$0x1FEB0];
	_ =	sdelay $0x4  }
0x128: {  	[tilespmem:v47+s16+$0x0] =	vst.idx.add.f32.msk $0xffff, v7  }
0x129: {  	v7 =	vld [tilespmem:$0x1FEC0];
	_ =	sdelay $0x4  }
0x12a: {  	[tilespmem:v46+s15+$0x0] =	vst.idx.add.f32.msk $0xffff, v7  }
0x12b: {  	v7 =	vld [tilespmem:$0x1FED0];
	_ =	sdelay $0x4  }
0x12c: {  	[tilespmem:v46+s16+$0x0] =	vst.idx.add.f32.msk $0xffff, v7  }
0x12d: {  	v7 =	vld [tilespmem:$0x1FEE0];
	_ =	sdelay $0x4  }
0x12e: {  	[tilespmem:v45+s15+$0x0] =	vst.idx.add.f32.msk $0xffff, v7  }
0x12f: {  	v53 =	vmax.f32 v17, $9.999999960e-13;
	v7 =	vld [tilespmem:$0x1FEF0]  }
0x130: {  	v17 =	vmul.f32 $4.517647170e+01, v53;
	_ =	sdelay $0x1  }
0x131: {  	v17 =	vtrunc.f32 v17  }
0x132: {  	v17 =	vcvt.f32.s32 v17  }
0x133: {  	[tilespmem:v45+s16+$0x0] =	vst.idx.add.f32.msk $0xffff, v7  }
0x134: {  	vm6 =	vlt.s32 v17, $0x17F;
	[tilespmem:v30+s15+$0x0] =	vst.idx.add.f32.msk $0xffff, v31  }
0x135: {  	v7 =	vnsel vm6, $0x17F, v17;
	v17 =	vld [tilespmem:$0x1FF00];
	_ =	sdelay $0x4  }
0x136: {  	[tilespmem:v30+s16+$0x0] =	vst.idx.add.f32.msk $0xffff, v17  }
0x137: {  	v17 =	vld [tilespmem:$0x1FF10];
	_ =	sdelay $0x4  }
0x138: {  	[tilespmem:v43+s15+$0x0] =	vst.idx.add.f32.msk $0xffff, v17  }
0x139: {  	v17 =	vld [tilespmem:$0x1FF20];
	_ =	sdelay $0x3  }
0x13a: {  	v29 =	vbroadcast v20, $0xB  }
0x13b: {  	v3 =	vbroadcast v20, $0xC;
	v34 =	vbroadcast v20, $0xD;
	[tilespmem:v43+s16+$0x0] =	vst.idx.add.f32.msk $0xffff, v17  }
0x13c: {  	v24 =	vmovc v29;
	v29 =	vmul.f32 v25, v29;
	v59 =	vmax.f32 v54, $9.999999960e-13;
	v54 =	vmax.f32 v55, $9.999999960e-13;
	v17 =	vld [tilespmem:$0x1FF30]  }
0x13d: {  	v55 =	vmax.f32 v2, $9.999999960e-13;
	v38 =	vmul.f32 v22, v34;
	v8 =	vbroadcast v28, $0xE  }
0x13e: {  	v63 =	vmax.f32 v14, $9.999999960e-13;
	v22 =	vmul.f32 $4.517647170e+01, v54;
	v27 =	vbroadcast v28, $0xF  }
0x13f: {  	v2 =	vmax.f32 v16, $9.999999960e-13;
	v16 =	vmul.f32 $4.517647170e+01, v63;
	v8 =	vsub.f32 v6, v8  }
0x140: {  	v14 =	vtrunc.f32 v22;
	v20 =	vmul.f32 $4.517647170e+01, v59;
	v25 =	vsub.f32 v6, v27  }
0x141: {  	v28 =	vmax.f32 v15, $9.999999960e-13;
	v23 =	vmul.f32 $4.517647170e+01, v0;
	v8 =	vmul.f32 v8, v8;
	[tilespmem:v42+s15+$0x0] =	vst.idx.add.f32.msk $0xffff, v17  }
0x142: {  	v22 =	vmul.f32 $4.517647170e+01, v28;
	v25 =	vmul.f32 v25, v25;
	v17 =	vld [tilespmem:$0x1FF40]  }
0x143: {  	v57 =	vtrunc.f32 v20;
	v8 =	vadd.f32 v8, v9;
	v9 =	vtrunc.f32 v23  }
0x144: {  	v23 =	vmax.f32 v12, $9.999999960e-13;
	v12 =	vtrunc.f32 v16;
	v16 =	vtrunc.f32 v22  }
0x145: {  	v20 =	vmul.f32 $4.517647170e+01, v55;
	v11 =	vshll.u32 v11, $0x4;
	v16 =	vcvt.f32.s32 v16  }
0x146: {  	v10 =	vadd.f32 v25, v26;
	v25 =	vmul.f32 v5, v3;
	v5 =	vmax.f32 v56, $9.999999960e-13  }
0x147: {  	v56 =	vtrunc.f32 v20;
	v20 =	vmul.f32 $4.517647170e+01, v2;
	vm11 =	vlt.s32 v16, $0x17F;
	[tilespmem:v42+s16+$0x0] =	vst.idx.add.f32.msk $0xffff, v17  }
0x148: {  	v49 =	vor.u32 v36, v11;
	v36 =	vcvt.f32.s32 v56;
	v56 =	vnsel vm11, $0x17F, v16;
	v16 =	vld [tilespmem:$0x1FF50];
	_ =	sdelay $0x1  }
0x149: {  	v18 =	vmax.f32 v21, $9.999999960e-13;
	v21 =	vmax.f32 v1, $9.999999960e-13;
	v1 =	vtrunc.f32 v20  }
0x14a: {  	v57 =	vcvt.f32.s32 v57;
	v1 =	vcvt.f32.s32 v1;
	_ =	sdelay $0x1  }
0x14b: {  	vm7 =	vlt.s32 v57, $0x17F;
	vm4 =	vlt.s32 v1, $0x17F;
	[tilespmem:v41+s15+$0x0] =	vst.idx.add.f32.msk $0xffff, v16  }
0x14c: {  	v46 =	vnsel vm7, $0x17F, v57;
	v57 =	vnsel vm4, $0x17F, v1;
	v1 =	vld [tilespmem:$0x1FF60];
	_ =	sdelay $0x4  }
0x14d: {  	[tilespmem:v41+s16+$0x0] =	vst.idx.add.f32.msk $0xffff, v1  }
0x14e: {  	v0 =	vmul.f32 $4.517647170e+01, v23;
	v1 =	vld [tilespmem:$0x1FF70];
	_ =	sdelay $0x1  }
0x14f: {  	v0 =	vtrunc.f32 v0  }
0x150: {  	v0 =	vcvt.f32.s32 v0;
	_ =	sdelay $0x1  }
0x151: {  	vm5 =	vlt.s32 v0, $0x17F;
	[tilespmem:v40+s15+$0x0] =	vst.idx.add.f32.msk $0xffff, v1  }
0x152: {  	v45 =	vnsel vm5, $0x17F, v0;
	v0 =	vld [tilespmem:$0x1FF80];
	_ =	sdelay $0x4  }
0x153: {  	v15 =	vmul.f32 $4.517647170e+01, v4;
	[tilespmem:v40+s16+$0x0] =	vst.idx.add.f32.msk $0xffff, v0  }
0x154: {  	[tilespmem:v51+s15+$0x0] =	vst.idx.add.f32.msk $0xffff, v24  }
0x155: {  	v14 =	vcvt.f32.s32 v14;
	v15 =	vtrunc.f32 v15;
	[tilespmem:v51+s16+$0x0] =	vst.idx.add.f32.msk $0xffff, v29  }
0x156: {  	v15 =	vcvt.f32.s32 v15;
	v22 =	vmax.f32 v58, $9.999999960e-13;
	v58 =	vmul.f32 $4.517647170e+01, v5;
	[tilespmem:v52+s15+$0x0] =	vst.idx.add.f32.msk $0xffff, v3  }
0x157: {  	v19 =	vmax.f32 v10, $9.999999960e-13;
	v10 =	vmul.f32 $4.517647170e+01, v21;
	v4 =	vmul.f32 $4.517647170e+01, v22;
	[tilespmem:v52+s16+$0x0] =	vst.idx.add.f32.msk $0xffff, v25  }
0x158: {  	vm2 =	vlt.s32 v14, $0x17F;
	v32 =	vmul.f32 $4.517647170e+01, v19;
	v9 =	vcvt.f32.s32 v9;
	[tilespmem:v61+s15+$0x0] =	vst.idx.add.f32.msk $0xffff, v34  }
0x159: {  	vm8 =	vlt.s32 v15, $0x17F;
	v12 =	vcvt.f32.s32 v12;
	v58 =	vtrunc.f32 v58;
	[tilespmem:v61+s16+$0x0] =	vst.idx.add.f32.msk $0xffff, v38  }
0x15a: {  	v20 =	vmax.f32 v8, $9.999999960e-13;
	v8 =	vmul.f32 $4.517647170e+01, v18;
	v10 =	vtrunc.f32 v10;
	[tilespmem:v49+s15+$0x0] =	vst.idx.add.f32.msk $0xffff, v62  }
0x15b: {  	v15 =	vnsel vm8, $0x17F, v15;
	v4 =	vtrunc.f32 v4;
	v39 =	vmul.f32 $4.517647170e+01, v20;
	v1 =	vld [tilespmem:$0x1FF90]  }
0x15c: {  	v32 =	vtrunc.f32 v32;
	vm3 =	vlt.s32 v9, $0x17F;
	v10 =	vcvt.f32.s32 v10;
	v48 =	vld [tilespmem:s23+$0xFFFFFFF0]  }
0x15d: {  	vm10 =	vlt.s32 v12, $0x17F;
	v8 =	vtrunc.f32 v8;
	v4 =	vcvt.f32.s32 v4  }
0x15e: {  	v9 =	vnsel vm3, $0x17F, v9;
	v11 =	vtrunc.f32 v39;
	v39 =	vcvt.f32.s32 v58  }
0x15f: {  	v12 =	vnsel vm10, $0x17F, v12;
	v8 =	vcvt.f32.s32 v8;
	vm14 =	vlt.s32 v10, $0x17F  }
0x160: {  	v11 =	vcvt.f32.s32 v11;
	vm13 =	vlt.s32 v4, $0x17F;
	vm12 =	vlt.s32 v39, $0x17F;
	[tilespmem:v49+s16+$0x0] =	vst.idx.add.f32.msk $0xffff, v1  }
0x161: {  	v10 =	vnsel vm14, $0x17F, v10;
	v58 =	vnsel vm12, $0x17F, v39;
	v39 =	vbroadcast v48, $0x4;
	[tilespmem:v13+s15+$0x0] =	vst.idx.add.f32.msk $0xffff, v44  }
0x162: {  	v4 =	vnsel vm13, $0x17F, v4;
	v37 =	vbroadcast v48, $0x5;
	v35 =	vbroadcast v48, $0x6;
	v1 =	vld [tilespmem:$0x1FFA0]  }
0x163: {  	v33 =	vbroadcast v48, $0x7;
	v27 =	vbroadcast v48, $0xC;
	vm9 =	vlt.s32 v36, $0x17F  }
0x164: {  	v50 =	vnsel vm9, $0x17F, v36;
	v47 =	vnsel vm2, $0x17F, v14;
	v14 =	vcvt.f32.s32 v32  }
0x165: {  	v26 =	vbroadcast v48, $0xD;
	v36 =	vshll.u32 v50, $0x4;
	v32 =	vbroadcast v48, $0x8  }
0x166: {  	v47 =	vshll.u32 v47, $0x4;
	vm15 =	vlt.s32 v14, $0x17F;
	vm6 =	vlt.s32 v8, $0x17F  }
0x167: {  	vm7 =	vlt.s32 v11, $0x17F;
	v8 =	vnsel vm6, $0x17F, v8;
	v31 =	vbroadcast v48, $0x9;
	[tilespmem:v13+s16+$0x0] =	vst.idx.add.f32.msk $0xffff, v1  }
0x168: {  	v50 =	vshll.u32 v45, $0x4;
	v30 =	vbroadcast v48, $0xA;
	v43 =	vbroadcast v48, $0x1;
	v1 =	vld [tilespmem:$0x1FFB0]  }
0x169: {  	v45 =	vshll.u32 v8, $0x4;
	v17 =	vbroadcast v48, $0x0;
	v42 =	vbroadcast v48, $0x2  }
0x16a: {  	v41 =	vbroadcast v48, $0x3;
	v0 =	vnsel vm15, $0x17F, v14;
	v40 =	vshll.u32 v9, $0x4  }
0x16b: {  	v24 =	vbroadcast v48, $0xF;
	v0 =	vshll.u32 v0, $0x4;
	v29 =	vbroadcast v48, $0xB  }
0x16c: {  	v51 =	vnsel vm7, $0x17F, v11;
	v11 =	vshll.u32 v7, $0x4;
	v7 =	vshll.u32 v46, $0x4  }
0x16d: {  	v46 =	vshll.u32 v4, $0x4;
	v4 =	vshll.u32 v51, $0x4;
	v51 =	vmul.f32 v1, v41;
	v1 =	vld [tilespmem:$0x1FFC0]  }
0x16e: {  	v25 =	vbroadcast v48, $0xE;
	v52 =	vshll.u32 v58, $0x4;
	v58 =	vmul.f32 v53, v17  }
0x16f: {  	v53 =	vmul.f32 v54, v42;
	v48 =	vmul.f32 v55, v37;
	v34 =	vshll.u32 v12, $0x4  }
0x170: {  	v38 =	vshll.u32 v15, $0x4;
	v15 =	vlaneseq.u32;
	v61 =	vshll.u32 v57, $0x4  }
0x171: {  	v57 =	vmul.f32 v59, v43;
	v62 =	vshll.u32 v56, $0x4;
	v59 =	vor.u32 v15, v11  }
0x172: {  	s24 =	simm.s32 $0x1230;
	s23 =	simm.s32 $0x0;
	v54 =	vor.u32 v15, v7;
	v44 =	vshll.u32 v10, $0x4;
	v49 =	vmul.f32 v1, v39  }
.LBB2_7:
0x173: {  	v10 =	vld [tilespmem:s24+$0x0];
	v3 =	vmul.f32 v2, v32;
	v2 =	vmul.f32 v18, v27;
	_ =	sdelay $0x1  }
0x174: {  	[tilespmem:$0x1FE00] =	vst v2;
	v2 =	vmul.f32 v21, v26  }
0x175: {  	v56 =	vmul.f32 v63, v35;
	v8 =	vmov v24;
	[tilespmem:$0x1FE70] =	vst v24;
	v24 =	vmul.f32 v28, v33  }
0x176: {  	v55 =	vor.u32 v15, v47;
	v7 =	vld [tilespmem:s24+$0xFFFFFFF0];
	v1 =	vmul.f32 v5, v31;
	[tilespmem:$0x1FE30] =	vst v2;
	v2 =	vmul.f32 v20, v25  }
0x177: {  	v63 =	vor.u32 v15, v40;
	v47 =	vmul.f32 v23, v30;
	[tilespmem:v59+s15+$0x0] =	vst.idx.add.f32.msk $0xffff, v17;
	v9 =	vbroadcast v10, $0x6  }
0x178: {  	v12 =	vor.u32 v15, v38;
	v38 =	vmul.f32 v22, v29;
	v18 =	vbroadcast v10, $0xA;
	[tilespmem:$0x1FE50] =	vst v2  }
0x179: {  	v13 =	vor.u32 v15, v36;
	v5 =	vlaneseq.u32;
	s22 =	sadd.s32 $0x20, s22;
	v2 =	vmul.f32 v19, v8;
	[tilespmem:$0x1FE40] =	vst v9  }
0x17a: {  	s21 =	sadd.s32 $0x20, s21;
	v15 =	vor.u32 v5, v34;
	v14 =	vld [tilespmem:s22+$0x0];
	v34 =	vbroadcast v10, $0x0;
	v8 =	vbroadcast v10, $0x4;
	[tilespmem:$0x1FE60] =	vst v18  }
0x17b: {  	v36 =	vbroadcast v10, $0x1;
	v18 =	vbroadcast v10, $0xB;
	[tilespmem:$0x1FE80] =	vst v2;
	v2 =	vld [tilespmem:s21+$0x0]  }
0x17c: {  	v17 =	vbroadcast v10, $0x2;
	[tilespmem:$0x1FE10] =	vst v8;
	v8 =	vbroadcast v10, $0x5  }
0x17d: {  	v11 =	vor.u32 v5, v61;
	v40 =	vbroadcast v10, $0x3;
	v61 =	vbroadcast v10, $0x7;
	v9 =	vld [tilespmem:s21+$0xFFFFFFF0];
	[tilespmem:$0x1FE90] =	vst v18  }
0x17e: {  	v16 =	vor.u32 v5, v52;
	v52 =	vbroadcast v10, $0x8;
	v28 =	vbroadcast v10, $0x9;
	[tilespmem:$0x1FE20] =	vst v8;
	v8 =	vld [tilespmem:s22+$0xFFFFFFF0]  }
0x17f: {  	v18 =	vbroadcast v14, $0x0;
	[tilespmem:v59+s16+$0x0] =	vst.idx.add.f32.msk $0xffff, v58;
	v58 =	vbroadcast v10, $0xC  }
0x180: {  	[tilespmem:v54+s15+$0x0] =	vst.idx.add.f32.msk $0xffff, v43;
	v43 =	vor.u32 v5, v4;
	v4 =	vbroadcast v14, $0x1;
	v59 =	vbroadcast v2, $0x0  }
0x181: {  	v62 =	vor.u32 v5, v62;
	[tilespmem:v54+s16+$0x0] =	vst.idx.add.f32.msk $0xffff, v57;
	v19 =	vbroadcast v2, $0x1;
	v54 =	vbroadcast v2, $0x2  }
0x182: {  	[tilespmem:v55+s15+$0x0] =	vst.idx.add.f32.msk $0xffff, v42;
	v42 =	vor.u32 v5, v0;
	v0 =	vbroadcast v14, $0x2;
	v57 =	vbroadcast v2, $0x3  }
0x183: {  	v50 =	vor.u32 v5, v50;
	v20 =	vbroadcast v2, $0x5;
	v21 =	vbroadcast v2, $0x7  }
0x184: {  	v22 =	vbroadcast v2, $0x9;
	v23 =	vbroadcast v2, $0xB;
	v4 =	vsub.f32 v6, v4  }
0x185: {  	v46 =	vor.u32 v5, v46;
	[tilespmem:v55+s16+$0x0] =	vst.idx.add.f32.msk $0xffff, v53;
	v53 =	vbroadcast v14, $0x3;
	v55 =	vbroadcast v2, $0x4  }
0x186: {  	[tilespmem:v63+s15+$0x0] =	vst.idx.add.f32.msk $0xffff, v41;
	v41 =	vbroadcast v14, $0x4;
	v0 =	vsub.f32 v6, v0;
	v4 =	vmul.f32 v4, v4  }
0x187: {  	v22 =	vsub.f32 v60, v22;
	[tilespmem:v63+s16+$0x0] =	vst.idx.add.f32.msk $0xffff, v51;
	v51 =	vbroadcast v14, $0x5;
	v63 =	vbroadcast v2, $0x6  }
0x188: {  	v23 =	vsub.f32 v60, v23;
	[tilespmem:v12+s15+$0x0] =	vst.idx.add.f32.msk $0xffff, v39;
	v39 =	vbroadcast v14, $0x6;
	v0 =	vmul.f32 v0, v0  }
0x189: {  	v45 =	vor.u32 v5, v45;
	v22 =	vmul.f32 v22, v22;
	[tilespmem:v12+s16+$0x0] =	vst.idx.add.f32.msk $0xffff, v49;
	v12 =	vbroadcast v14, $0x7  }
0x18a: {  	v44 =	vor.u32 v5, v44;
	v23 =	vmul.f32 v23, v23;
	[tilespmem:v13+s15+$0x0] =	vst.idx.add.f32.msk $0xffff, v37;
	v37 =	vbroadcast v14, $0x8  }
0x18b: {  	v49 =	vbroadcast v2, $0x8;
	[tilespmem:v13+s16+$0x0] =	vst.idx.add.f32.msk $0xffff, v48;
	v13 =	vbroadcast v14, $0x9;
	v12 =	vsub.f32 v6, v12  }
0x18c: {  	v48 =	vbroadcast v2, $0xA;
	[tilespmem:v15+s15+$0x0] =	vst.idx.add.f32.msk $0xffff, v35;
	v35 =	vsub.f32 v60, v59;
	v37 =	vsub.f32 v6, v37  }
0x18d: {  	v59 =	vbroadcast v14, $0xA;
	[tilespmem:v15+s16+$0x0] =	vst.idx.add.f32.msk $0xffff, v56;
	v15 =	vsub.f32 v6, v18;
	v18 =	vsub.f32 v60, v19  }
0x18e: {  	v19 =	vbroadcast v14, $0xB;
	v13 =	vsub.f32 v6, v13;
	v12 =	vmul.f32 v12, v12;
	[tilespmem:v62+s15+$0x0] =	vst.idx.add.f32.msk $0xffff, v33  }
0x18f: {  	v33 =	vsub.f32 v60, v54;
	v54 =	vbroadcast v2, $0xC;
	v37 =	vmul.f32 v37, v37;
	[tilespmem:v62+s16+$0x0] =	vst.idx.add.f32.msk $0xffff, v24  }
0x190: {  	v62 =	vsub.f32 v60, v57;
	v15 =	vmul.f32 v15, v15;
	v18 =	vmul.f32 v18, v18  }
0x191: {  	v57 =	vbroadcast v14, $0xC;
	v19 =	vsub.f32 v6, v19;
	v13 =	vmul.f32 v13, v13;
	[tilespmem:v11+s15+$0x0] =	vst.idx.add.f32.msk $0xffff, v32  }
0x192: {  	v32 =	vsub.f32 v6, v53;
	v53 =	vsub.f32 v60, v55;
	v33 =	vmul.f32 v33, v33  }
0x193: {  	v55 =	vbroadcast v2, $0xD;
	v56 =	vsub.f32 v60, v54;
	[tilespmem:v11+s16+$0x0] =	vst.idx.add.f32.msk $0xffff, v3;
	v3 =	vsub.f32 v6, v41  }
0x194: {  	v11 =	vsub.f32 v60, v20;
	v20 =	vbroadcast v14, $0xD;
	v41 =	vsub.f32 v60, v63  }
0x195: {  	v62 =	vmul.f32 v62, v62;
	v57 =	vsub.f32 v6, v57;
	v19 =	vmul.f32 v19, v19  }
0x196: {  	v4 =	vadd.f32 v4, v18;
	[tilespmem:v16+s15+$0x0] =	vst.idx.add.f32.msk $0xffff, v31;
	v31 =	vsub.f32 v6, v51;
	v51 =	vbroadcast v2, $0xE  }
0x197: {  	v13 =	vadd.f32 v13, v22;
	v32 =	vmul.f32 v32, v32;
	v63 =	vmul.f32 v53, v53  }
0x198: {  	v2 =	vbroadcast v2, $0xF;
	v0 =	vadd.f32 v0, v33;
	[tilespmem:v16+s16+$0x0] =	vst.idx.add.f32.msk $0xffff, v1;
	v1 =	vsub.f32 v6, v39  }
0x199: {  	v16 =	vsub.f32 v60, v21;
	v21 =	vbroadcast v14, $0xE;
	v14 =	vbroadcast v14, $0xF  }
0x19a: {  	v39 =	vsub.f32 v6, v59;
	v3 =	vmul.f32 v3, v3;
	v11 =	vmul.f32 v11, v11  }
0x19b: {  	v41 =	vmul.f32 v41, v41;
	v59 =	vsub.f32 v60, v55;
	v20 =	vsub.f32 v6, v20  }
0x19c: {  	v19 =	vadd.f32 v19, v23;
	v23 =	vmax.f32 v4, $9.999999960e-13;
	[tilespmem:v50+s15+$0x0] =	vst.idx.add.f32.msk $0xffff, v30;
	v30 =	vsub.f32 v60, v49  }
0x19d: {  	v31 =	vmul.f32 v31, v31;
	v51 =	vsub.f32 v60, v51;
	v2 =	vsub.f32 v60, v2  }
0x19e: {  	v49 =	vmul.f32 v56, v56;
	v18 =	vadd.f32 v32, v62;
	v1 =	vmul.f32 v1, v1  }
0x19f: {  	v13 =	vmax.f32 v13, $9.999999960e-13;
	[tilespmem:v50+s16+$0x0] =	vst.idx.add.f32.msk $0xffff, v47;
	v16 =	vmul.f32 v16, v16;
	v39 =	vmul.f32 v39, v39  }
0x1a0: {  	v21 =	vsub.f32 v6, v21;
	v50 =	vmul.f32 v57, v57;
	v14 =	vsub.f32 v6, v14  }
0x1a1: {  	v62 =	vmax.f32 v0, $9.999999960e-13;
	v20 =	vmul.f32 v20, v20;
	v3 =	vadd.f32 v3, v63;
	[tilespmem:v46+s15+$0x0] =	vst.idx.add.f32.msk $0xffff, v29  }
0x1a2: {  	v29 =	vmul.f32 v35, v35;
	v35 =	vsub.f32 v60, v48;
	v30 =	vmul.f32 v30, v30  }
0x1a3: {  	v11 =	vadd.f32 v31, v11;
	v31 =	vmul.f32 v51, v51;
	v2 =	vmul.f32 v2, v2  }
0x1a4: {  	v63 =	vmax.f32 v18, $9.999999960e-13;
	v18 =	vmul.f32 v13, v28;
	v13 =	vmul.f32 $4.517647170e+01, v13  }
0x1a5: {  	v53 =	vld [tilespmem:$0x1FE20];
	v1 =	vadd.f32 v1, v41;
	v12 =	vadd.f32 v12, v16;
	v21 =	vmul.f32 v21, v21  }
0x1a6: {  	v14 =	vmul.f32 v14, v14;
	[tilespmem:v46+s16+$0x0] =	vst.idx.add.f32.msk $0xffff, v38;
	v3 =	vmax.f32 v3, $9.999999960e-13;
	v38 =	vmul.f32 v62, v17  }
0x1a7: {  	v47 =	vmovc v40;
	v40 =	vmul.f32 v63, v40;
	v35 =	vmul.f32 v35, v35;
	v15 =	vadd.f32 v15, v29  }
0x1a8: {  	v0 =	vld [tilespmem:$0x1FE00];
	v29 =	vmul.f32 v59, v59;
	v16 =	vadd.f32 v37, v30;
	v11 =	vmax.f32 v11, $9.999999960e-13  }
0x1a9: {  	v37 =	vmul.f32 $4.517647170e+01, v63;
	v13 =	vtrunc.f32 v13;
	v12 =	vmax.f32 v12, $9.999999960e-13  }
0x1aa: {  	v48 =	vld [tilespmem:$0x1FE10];
	v4 =	vmul.f32 v11, v53;
	v21 =	vadd.f32 v21, v31;
	v57 =	vmul.f32 $4.517647170e+01, v11  }
0x1ab: {  	[tilespmem:v45+s15+$0x0] =	vst.idx.add.f32.msk $0xffff, v27;
	v2 =	vadd.f32 v14, v2;
	v31 =	vmax.f32 v19, $9.999999960e-13;
	v13 =	vcvt.f32.s32 v13  }
0x1ac: {  	v22 =	vadd.f32 v39, v35;
	v39 =	vmul.f32 v23, v36;
	v56 =	vmul.f32 v12, v61  }
0x1ad: {  	[tilespmem:v45+s16+$0x0] =	vst.idx.add.f32.msk $0xffff, v0;
	v15 =	vmax.f32 v15, $9.999999960e-13;
	v23 =	vmul.f32 $4.517647170e+01, v23;
	v35 =	vmul.f32 $4.517647170e+01, v62  }
0x1ae: {  	[tilespmem:v44+s15+$0x0] =	vst.idx.add.f32.msk $0xffff, v26;
	v54 =	vmax.f32 v16, $9.999999960e-13;
	v12 =	vmul.f32 $4.517647170e+01, v12;
	v37 =	vtrunc.f32 v37  }
0x1af: {  	v26 =	vmovc v28;
	v28 =	vadd.f32 v50, v49;
	v24 =	vmul.f32 v15, v34;
	v51 =	vmul.f32 v3, v48  }
0x1b0: {  	v20 =	vadd.f32 v20, v29;
	v30 =	vmul.f32 v54, v52;
	v15 =	vmul.f32 $4.517647170e+01, v15  }
0x1b1: {  	v3 =	vmul.f32 $4.517647170e+01, v3;
	v41 =	vmul.f32 $4.517647170e+01, v54;
	v14 =	vmax.f32 v21, $9.999999960e-13  }
0x1b2: {  	v62 =	vmax.f32 v2, $9.999999960e-13;
	v37 =	vcvt.f32.s32 v37;
	v21 =	vtrunc.f32 v23  }
0x1b3: {  	v0 =	vld [tilespmem:$0x1FE30];
	v22 =	vmax.f32 v22, $9.999999960e-13;
	v35 =	vtrunc.f32 v35;
	v63 =	vmul.f32 $4.517647170e+01, v62  }
0x1b4: {  	v55 =	vld [tilespmem:$0x1FE40];
	v29 =	vmax.f32 v28, $9.999999960e-13;
	v12 =	vtrunc.f32 v12;
	v19 =	vmul.f32 $4.517647170e+01, v22  }
0x1b5: {  	v28 =	vmax.f32 v20, $9.999999960e-13;
	v59 =	vtrunc.f32 v15;
	v15 =	vmul.f32 $4.517647170e+01, v31  }
0x1b6: {  	v16 =	vld [tilespmem:$0x1FE50];
	v23 =	vmul.f32 $4.517647170e+01, v28;
	v2 =	vcvt.f32.s32 v21  }
0x1b7: {  	v27 =	vld [tilespmem:$0x1FE70];
	v1 =	vmax.f32 v1, $9.999999960e-13;
	v21 =	vmul.f32 $4.517647170e+01, v14;
	v35 =	vcvt.f32.s32 v35  }
0x1b8: {  	vm9 =	vlt.s32 v13, $0x17F;
	v3 =	vtrunc.f32 v3;
	v12 =	vcvt.f32.s32 v12;
	[tilespmem:v44+s16+$0x0] =	vst.idx.add.f32.msk $0xffff, v0  }
0x1b9: {  	vm15 =	vlt.s32 v37, $0x17F;
	v0 =	vmul.f32 v1, v55;
	v20 =	vcvt.f32.s32 v59;
	[tilespmem:v43+s15+$0x0] =	vst.idx.add.f32.msk $0xffff, v25  }
0x1ba: {  	v1 =	vmul.f32 $4.517647170e+01, v1;
	v3 =	vcvt.f32.s32 v3;
	v37 =	vnsel vm15, $0x17F, v37;
	v25 =	vld [tilespmem:$0x1FE60]  }
0x1bb: {  	vm13 =	vlt.s32 v2, $0x17F;
	vm14 =	vlt.s32 v35, $0x17F;
	[tilespmem:v43+s16+$0x0] =	vst.idx.add.f32.msk $0xffff, v16;
	vm0 =	vlt.s32 v20, $0x17F  }
0x1bc: {  	vm7 =	vlt.s32 v12, $0x17F;
	v2 =	vnsel vm13, $0x17F, v2;
	[tilespmem:v42+s15+$0x0] =	vst.idx.add.f32.msk $0xffff, v27;
	v20 =	vnsel vm0, $0x17F, v20  }
0x1bd: {  	v35 =	vnsel vm14, $0x17F, v35;
	vm4 =	vlt.s32 v3, $0x17F;
	v27 =	vld [tilespmem:$0x1FE80];
	v20 =	vshll.u32 v20, $0x4  }
0x1be: {  	v1 =	vtrunc.f32 v1;
	v12 =	vnsel vm7, $0x17F, v12;
	v20 =	vor.u32 v5, v20  }
0x1bf: {  	v2 =	vshll.u32 v2, $0x4;
	v35 =	vshll.u32 v35, $0x4;
	v3 =	vnsel vm4, $0x17F, v3  }
0x1c0: {  	v1 =	vcvt.f32.s32 v1;
	v12 =	vshll.u32 v12, $0x4;
	v2 =	vor.u32 v5, v2  }
0x1c1: {  	v35 =	vor.u32 v5, v35;
	v3 =	vshll.u32 v3, $0x4;
	v16 =	vmul.f32 v22, v25  }
0x1c2: {  	vm6 =	vlt.s32 v1, $0x17F;
	v22 =	vmul.f32 $4.517647170e+01, v29;
	[tilespmem:v42+s16+$0x0] =	vst.idx.add.f32.msk $0xffff, v27;
	v42 =	vtrunc.f32 v57  }
0x1c3: {  	v1 =	vnsel vm6, $0x17F, v1;
	v27 =	vshll.u32 v37, $0x4;
	[tilespmem:v20+s15+$0x0] =	vst.idx.add.f32.msk $0xffff, v34;
	v34 =	vcvt.f32.s32 v42  }
0x1c4: {  	v1 =	vshll.u32 v1, $0x4;
	[tilespmem:v20+s16+$0x0] =	vst.idx.add.f32.msk $0xffff, v24;
	v20 =	vor.u32 v5, v27;
	v24 =	vtrunc.f32 v41  }
0x1c5: {  	v27 =	vbroadcast v9, $0xB;
	v41 =	vbroadcast v8, $0xE;
	[tilespmem:v2+s15+$0x0] =	vst.idx.add.f32.msk $0xffff, v36;
	vm5 =	vlt.s32 v34, $0x17F  }
0x1c6: {  	v1 =	vor.u32 v5, v1;
	[tilespmem:v2+s16+$0x0] =	vst.idx.add.f32.msk $0xffff, v39;
	v2 =	vor.u32 v5, v3;
	v3 =	vnsel vm5, $0x17F, v34  }
0x1c7: {  	v39 =	vbroadcast v8, $0xD;
	v27 =	vsub.f32 v60, v27;
	v34 =	vsub.f32 v6, v41  }
0x1c8: {  	[tilespmem:v35+s15+$0x0] =	vst.idx.add.f32.msk $0xffff, v17;
	v3 =	vshll.u32 v3, $0x4;
	v17 =	vcvt.f32.s32 v24;
	v24 =	vbroadcast v8, $0x9  }
0x1c9: {  	v41 =	vbroadcast v7, $0x3;
	[tilespmem:v35+s16+$0x0] =	vst.idx.add.f32.msk $0xffff, v38;
	v3 =	vor.u32 v5, v3;
	v38 =	vbroadcast v8, $0x3  }
0x1ca: {  	v32 =	vsub.f32 v6, v39;
	v39 =	vbroadcast v7, $0x4;
	[tilespmem:v20+s15+$0x0] =	vst.idx.add.f32.msk $0xffff, v47;
	v24 =	vsub.f32 v6, v24  }
0x1cb: {  	v35 =	vbroadcast v7, $0x6;
	vm8 =	vlt.s32 v17, $0x17F;
	[tilespmem:v20+s16+$0x0] =	vst.idx.add.f32.msk $0xffff, v40;
	v20 =	vbroadcast v8, $0x7  }
0x1cc: {  	v11 =	vsub.f32 v6, v38;
	v40 =	vbroadcast v9, $0xE;
	[tilespmem:v2+s15+$0x0] =	vst.idx.add.f32.msk $0xffff, v48;
	v44 =	vmul.f32 v24, v24  }
0x1cd: {  	[tilespmem:v2+s16+$0x0] =	vst.idx.add.f32.msk $0xffff, v51;
	v2 =	vor.u32 v5, v12;
	v12 =	vnsel vm8, $0x17F, v17;
	v17 =	vtrunc.f32 v19  }
0x1ce: {  	v19 =	vbroadcast v9, $0x7;
	v20 =	vsub.f32 v6, v20;
	v33 =	vsub.f32 v60, v40  }
0x1cf: {  	v11 =	vmul.f32 v11, v11;
	[tilespmem:v3+s15+$0x0] =	vst.idx.add.f32.msk $0xffff, v53;
	v12 =	vshll.u32 v12, $0x4;
	v17 =	vcvt.f32.s32 v17  }
0x1d0: {  	[tilespmem:v3+s16+$0x0] =	vst.idx.add.f32.msk $0xffff, v4;
	v3 =	vor.u32 v5, v12;
	v4 =	vnsel vm9, $0x17F, v13;
	v12 =	vtrunc.f32 v15  }
0x1d1: {  	v15 =	vbroadcast v8, $0x0;
	v19 =	vsub.f32 v60, v19;
	[tilespmem:v1+s15+$0x0] =	vst.idx.add.f32.msk $0xffff, v55;
	v4 =	vshll.u32 v4, $0x4  }
0x1d2: {  	vm10 =	vlt.s32 v17, $0x17F;
	v12 =	vcvt.f32.s32 v12;
	[tilespmem:v1+s16+$0x0] =	vst.idx.add.f32.msk $0xffff, v0;
	v0 =	vor.u32 v5, v4  }
0x1d3: {  	v1 =	vnsel vm10, $0x17F, v17;
	v4 =	vtrunc.f32 v22;
	v17 =	vbroadcast v8, $0x1  }
0x1d4: {  	v22 =	vbroadcast v8, $0x8;
	[tilespmem:v2+s15+$0x0] =	vst.idx.add.f32.msk $0xffff, v61;
	v1 =	vshll.u32 v1, $0x4;
	vm11 =	vlt.s32 v12, $0x17F  }
0x1d5: {  	v4 =	vcvt.f32.s32 v4;
	[tilespmem:v2+s16+$0x0] =	vst.idx.add.f32.msk $0xffff, v56;
	v1 =	vor.u32 v5, v1;
	v2 =	vnsel vm11, $0x17F, v12  }
0x1d6: {  	v12 =	vtrunc.f32 v23;
	v23 =	vbroadcast v9, $0x9;
	v22 =	vsub.f32 v6, v22  }
0x1d7: {  	[tilespmem:v3+s15+$0x0] =	vst.idx.add.f32.msk $0xffff, v52;
	v2 =	vshll.u32 v2, $0x4;
	vm12 =	vlt.s32 v4, $0x17F;
	v12 =	vcvt.f32.s32 v12  }
0x1d8: {  	[tilespmem:v3+s16+$0x0] =	vst.idx.add.f32.msk $0xffff, v30;
	v2 =	vor.u32 v5, v2;
	v3 =	vnsel vm12, $0x17F, v4;
	v4 =	vtrunc.f32 v21  }
0x1d9: {  	v13 =	vld [tilespmem:$0x1FE90];
	v21 =	vbroadcast v9, $0x8;
	v30 =	vbroadcast v8, $0xC;
	v23 =	vsub.f32 v60, v23  }
0x1da: {  	[tilespmem:v0+s15+$0x0] =	vst.idx.add.f32.msk $0xffff, v26;
	v3 =	vshll.u32 v3, $0x4;
	vm13 =	vlt.s32 v12, $0x17F;
	v4 =	vcvt.f32.s32 v4  }
0x1db: {  	v26 =	vbroadcast v8, $0xA;
	[tilespmem:v0+s16+$0x0] =	vst.idx.add.f32.msk $0xffff, v18;
	v0 =	vor.u32 v5, v3;
	v3 =	vnsel vm13, $0x17F, v12  }
0x1dc: {  	v12 =	vtrunc.f32 v63;
	v18 =	vbroadcast v8, $0x6;
	v21 =	vsub.f32 v60, v21  }
0x1dd: {  	v30 =	vsub.f32 v6, v30;
	[tilespmem:v1+s15+$0x0] =	vst.idx.add.f32.msk $0xffff, v25;
	v3 =	vshll.u32 v3, $0x4;
	v12 =	vcvt.f32.s32 v12  }
0x1de: {  	vm14 =	vlt.s32 v4, $0x17F;
	v25 =	vbroadcast v9, $0xA;
	[tilespmem:v1+s16+$0x0] =	vst.idx.add.f32.msk $0xffff, v16;
	v1 =	vmul.f32 v31, v13  }
0x1df: {  	v3 =	vor.u32 v5, v3;
	v4 =	vnsel vm14, $0x17F, v4;
	v16 =	vbroadcast v9, $0x1  }
0x1e0: {  	v18 =	vsub.f32 v6, v18;
	v31 =	vbroadcast v9, $0xD;
	[tilespmem:v2+s15+$0x0] =	vst.idx.add.f32.msk $0xffff, v13;
	v13 =	vbroadcast v10, $0xD  }
0x1e1: {  	v4 =	vshll.u32 v4, $0x4;
	vm15 =	vlt.s32 v12, $0x17F;
	v25 =	vsub.f32 v60, v25  }
0x1e2: {  	[tilespmem:v2+s16+$0x0] =	vst.idx.add.f32.msk $0xffff, v1;
	v1 =	vmul.f32 v29, v58;
	v2 =	vor.u32 v5, v4;
	v4 =	vnsel vm15, $0x17F, v12  }
0x1e3: {  	v12 =	vbroadcast v9, $0x0;
	v37 =	vsub.f32 v60, v16;
	v16 =	vbroadcast v9, $0x3  }
0x1e4: {  	v26 =	vsub.f32 v6, v26;
	v29 =	vbroadcast v9, $0xC;
	v43 =	vmul.f32 v18, v18  }
0x1e5: {  	v31 =	vsub.f32 v60, v31;
	[tilespmem:v0+s15+$0x0] =	vst.idx.add.f32.msk $0xffff, v58;
	v18 =	vmul.f32 v25, v25;
	v25 =	vbroadcast v7, $0xE  }
0x1e6: {  	v4 =	vshll.u32 v4, $0x4;
	[tilespmem:v0+s16+$0x0] =	vst.idx.add.f32.msk $0xffff, v1;
	v0 =	vmul.f32 v28, v13;
	v1 =	vbroadcast v10, $0xE  }
0x1e7: {  	v4 =	vor.u32 v5, v4;
	v12 =	vsub.f32 v60, v12;
	v28 =	vbroadcast v8, $0xB;
	[tilespmem:v3+s15+$0x0] =	vst.idx.add.f32.msk $0xffff, v13  }
0x1e8: {  	v13 =	vsub.f32 v6, v15;
	v15 =	vbroadcast v8, $0x2;
	[tilespmem:v3+s16+$0x0] =	vst.idx.add.f32.msk $0xffff, v0;
	v0 =	vmul.f32 v14, v1  }
0x1e9: {  	v29 =	vsub.f32 v60, v29;
	v3 =	vbroadcast v10, $0xF;
	v14 =	vbroadcast v9, $0x2  }
0x1ea: {  	v12 =	vmul.f32 v12, v12;
	v10 =	vmul.f32 v37, v37;
	v28 =	vsub.f32 v6, v28  }
0x1eb: {  	v37 =	vbroadcast v7, $0x5;
	[tilespmem:v2+s15+$0x0] =	vst.idx.add.f32.msk $0xffff, v1;
	v1 =	vsub.f32 v6, v17;
	v13 =	vmul.f32 v13, v13  }
0x1ec: {  	v17 =	vbroadcast v9, $0x5;
	[tilespmem:v2+s16+$0x0] =	vst.idx.add.f32.msk $0xffff, v0;
	v0 =	vmul.f32 v62, v3;
	v2 =	vsub.f32 v60, v14  }
0x1ed: {  	v14 =	vbroadcast v9, $0x4;
	[tilespmem:v4+s15+$0x0] =	vst.idx.add.f32.msk $0xffff, v3;
	v3 =	vsub.f32 v6, v15;
	v15 =	vbroadcast v8, $0x4  }
0x1ee: {  	v17 =	vsub.f32 v60, v17;
	v1 =	vmul.f32 v1, v1;
	v12 =	vadd.f32 v13, v12  }
0x1ef: {  	[tilespmem:v4+s16+$0x0] =	vst.idx.add.f32.msk $0xffff, v0;
	v0 =	vsub.f32 v60, v16;
	v4 =	vbroadcast v8, $0x5;
	v16 =	vbroadcast v9, $0x6  }
0x1f0: {  	v14 =	vsub.f32 v60, v14;
	v9 =	vbroadcast v9, $0xF;
	v8 =	vbroadcast v8, $0xF  }
0x1f1: {  	v2 =	vmul.f32 v2, v2;
	v15 =	vsub.f32 v6, v15;
	v3 =	vmul.f32 v3, v3  }
0x1f2: {  	v1 =	vadd.f32 v1, v10;
	v4 =	vsub.f32 v6, v4;
	v0 =	vmul.f32 v0, v0  }
0x1f3: {  	v16 =	vsub.f32 v60, v16;
	v13 =	vmul.f32 v14, v14;
	v14 =	vmul.f32 v17, v17  }
0x1f4: {  	v9 =	vsub.f32 v60, v9;
	v17 =	vmul.f32 v23, v23;
	v23 =	vmul.f32 v34, v34  }
0x1f5: {  	v42 =	vmul.f32 v15, v15;
	v2 =	vadd.f32 v3, v2;
	v15 =	vmul.f32 v19, v19  }
0x1f6: {  	v3 =	vmul.f32 v4, v4;
	v4 =	vmul.f32 v16, v16;
	v0 =	vadd.f32 v11, v0  }
0x1f7: {  	v16 =	vmul.f32 v21, v21;
	v11 =	vadd.f32 v44, v17;
	v17 =	vmul.f32 v30, v30  }
0x1f8: {  	v8 =	vsub.f32 v6, v8;
	v21 =	vmul.f32 v31, v31;
	v24 =	vmul.f32 v9, v9  }
0x1f9: {  	v10 =	vadd.f32 v42, v13;
	v13 =	vmul.f32 v20, v20;
	v20 =	vmul.f32 v29, v29  }
0x1fa: {  	v42 =	vbroadcast v7, $0x2;
	v3 =	vadd.f32 v3, v14;
	v14 =	vmul.f32 v22, v22  }
0x1fb: {  	v4 =	vadd.f32 v43, v4;
	v22 =	vmul.f32 v33, v33;
	v9 =	vmax.f32 v0, $9.999999960e-13  }
0x1fc: {  	v5 =	vmax.f32 v11, $9.999999960e-13;
	v43 =	vbroadcast v7, $0x1;
	v19 =	vadd.f32 v13, v15  }
0x1fd: {  	v13 =	vmul.f32 v26, v26;
	v15 =	vmul.f32 v27, v27;
	v17 =	vadd.f32 v17, v20  }
0x1fe: {  	v10 =	vmax.f32 v10, $9.999999960e-13;
	v27 =	vbroadcast v7, $0xC;
	v26 =	vbroadcast v7, $0xD  }
0x1ff: {  	v14 =	vadd.f32 v14, v16;
	v16 =	vmul.f32 v28, v28;
	v63 =	vmax.f32 v4, $9.999999960e-13  }
0x200: {  	v4 =	vmul.f32 $4.517647170e+01, v9;
	v45 =	vmul.f32 $4.517647170e+01, v10;
	v18 =	vadd.f32 v13, v18  }
0x201: {  	v13 =	vmul.f32 v32, v32;
	v28 =	vmax.f32 v19, $9.999999960e-13;
	v16 =	vadd.f32 v16, v15  }
0x202: {  	v15 =	vmax.f32 v1, $9.999999960e-13;
	v1 =	vadd.f32 v23, v22;
	v4 =	vtrunc.f32 v4  }
0x203: {  	v11 =	vtrunc.f32 v45;
	v20 =	vadd.f32 v13, v21;
	v21 =	vmul.f32 v8, v8  }
0x204: {  	v13 =	vmax.f32 v12, $9.999999960e-13;
	v8 =	vmax.f32 v2, $9.999999960e-13;
	v12 =	vmax.f32 v3, $9.999999960e-13  }
0x205: {  	v23 =	vmax.f32 v18, $9.999999960e-13;
	v18 =	vmax.f32 v17, $9.999999960e-13;
	v17 =	vmul.f32 $4.517647170e+01, v28  }
0x206: {  	v2 =	vmax.f32 v14, $9.999999960e-13;
	v4 =	vcvt.f32.s32 v4;
	v11 =	vcvt.f32.s32 v11  }
0x207: {  	v50 =	vmax.f32 v1, $9.999999960e-13;
	v1 =	vmul.f32 $4.517647170e+01, v15;
	v3 =	vmul.f32 $4.517647170e+01, v8  }
0x208: {  	v22 =	vmax.f32 v16, $9.999999960e-13;
	v14 =	vmul.f32 $4.517647170e+01, v12;
	v16 =	vmul.f32 $4.517647170e+01, v63  }
0x209: {  	v29 =	vmul.f32 $4.517647170e+01, v23;
	v31 =	vmul.f32 $4.517647170e+01, v18  }
0x20a: {  	v0 =	vadd.f32 v21, v24;
	v21 =	vmax.f32 v20, $9.999999960e-13;
	v20 =	vmul.f32 $4.517647170e+01, v2  }
0x20b: {  	v24 =	vmul.f32 $4.517647170e+01, v5;
	v30 =	vmul.f32 $4.517647170e+01, v22  }
0x20c: {  	v47 =	vmul.f32 $4.517647170e+01, v50;
	v17 =	vtrunc.f32 v17  }
0x20d: {  	v46 =	vmul.f32 $4.517647170e+01, v21;
	v1 =	vtrunc.f32 v1  }
0x20e: {  	v3 =	vtrunc.f32 v3;
	v14 =	vtrunc.f32 v14  }
0x20f: {  	v16 =	vtrunc.f32 v16;
	v29 =	vtrunc.f32 v29  }
0x210: {  	v31 =	vtrunc.f32 v31;
	v49 =	vcvt.f32.s32 v17  }
0x211: {  	v17 =	vbroadcast v7, $0x0;
	v19 =	vmax.f32 v0, $9.999999960e-13;
	v0 =	vmul.f32 $4.517647170e+01, v13  }
0x212: {  	v20 =	vtrunc.f32 v20;
	v24 =	vtrunc.f32 v24  }
0x213: {  	v30 =	vtrunc.f32 v30;
	v33 =	vtrunc.f32 v47  }
0x214: {  	v1 =	vcvt.f32.s32 v1;
	v3 =	vcvt.f32.s32 v3  }
0x215: {  	vm12 =	vlt.s32 v4, $0x17F;
	v14 =	vcvt.f32.s32 v14;
	v16 =	vcvt.f32.s32 v16  }
0x216: {  	vm13 =	vlt.s32 v11, $0x17F;
	v52 =	vcvt.f32.s32 v29;
	v54 =	vcvt.f32.s32 v31  }
0x217: {  	v4 =	vnsel vm12, $0x17F, v4;
	v31 =	vbroadcast v7, $0x9;
	v29 =	vbroadcast v7, $0xB  }
0x218: {  	v11 =	vnsel vm13, $0x17F, v11;
	v48 =	vmul.f32 $4.517647170e+01, v19;
	v32 =	vtrunc.f32 v46  }
0x219: {  	v40 =	vshll.u32 v4, $0x4;
	v20 =	vcvt.f32.s32 v20;
	v51 =	vcvt.f32.s32 v24  }
0x21a: {  	v38 =	vshll.u32 v11, $0x4;
	v53 =	vcvt.f32.s32 v30;
	v56 =	vcvt.f32.s32 v33  }
0x21b: {  	vm1 =	vlt.s32 v49, $0x17F;
	v33 =	vbroadcast v7, $0x7;
	v30 =	vbroadcast v7, $0xA  }
0x21c: {  	v24 =	vbroadcast v7, $0xF;
	v0 =	vtrunc.f32 v0;
	vm10 =	vlt.s32 v1, $0x17F  }
0x21d: {  	vm11 =	vlt.s32 v3, $0x17F;
	v55 =	vcvt.f32.s32 v32;
	vm14 =	vlt.s32 v14, $0x17F  }
0x21e: {  	vm15 =	vlt.s32 v16, $0x17F;
	vm3 =	vlt.s32 v52, $0x17F;
	vm8 =	vlt.s32 v54, $0x17F  }
0x21f: {  	v32 =	vbroadcast v7, $0x8;
	v7 =	vnsel vm1, $0x17F, v49;
	v49 =	vmul.f32 v10, v39  }
0x220: {  	v34 =	vtrunc.f32 v48;
	v0 =	vcvt.f32.s32 v0;
	vm2 =	vlt.s32 v20, $0x17F  }
0x221: {  	vm7 =	vlt.s32 v51, $0x17F;
	vm4 =	vlt.s32 v53, $0x17F;
	vm6 =	vlt.s32 v56, $0x17F  }
0x222: {  	v1 =	vnsel vm10, $0x17F, v1;
	v3 =	vnsel vm11, $0x17F, v3;
	v14 =	vnsel vm14, $0x17F, v14  }
0x223: {  	v16 =	vnsel vm15, $0x17F, v16;
	v57 =	vnsel vm3, $0x17F, v52;
	v45 =	vnsel vm8, $0x17F, v54  }
0x224: {  	v62 =	vshll.u32 v7, $0x4;
	v34 =	vcvt.f32.s32 v34;
	vm5 =	vlt.s32 v55, $0x17F  }
0x225: {  	v20 =	vnsel vm2, $0x17F, v20;
	v48 =	vnsel vm7, $0x17F, v51;
	v44 =	vnsel vm4, $0x17F, v53  }
0x226: {  	v59 =	vnsel vm6, $0x17F, v56;
	v1 =	vshll.u32 v1, $0x4;
	v47 =	vshll.u32 v3, $0x4  }
0x227: {  	v36 =	vshll.u32 v14, $0x4;
	v45 =	vshll.u32 v45, $0x4;
	v53 =	vmul.f32 v8, v42  }
0x228: {  	s23 =	sadd.s32 $0x2, s23;
	v51 =	vmul.f32 v9, v41;
	vm9 =	vlt.s32 v0, $0x17F;
	v58 =	vnsel vm5, $0x17F, v55  }
0x229: {  	p1 =	slt.u32 s23, $0x8E;
	v61 =	vshll.u32 v20, $0x4;
	v52 =	vshll.u32 v48, $0x4;
	v46 =	vshll.u32 v44, $0x4  }
.Ltmp6:
0x22a: {  	v4 =	vshll.u32 v59, $0x4;
	v48 =	vmul.f32 v12, v37;
	vm0 =	vlt.s32 v34, $0x17F;
	(pc) =	sbr.rel @p1 .LBB2_7-.Ltmp6, $4  }
0x22b: {  	v0 =	vnsel vm9, $0x17F, v0;
	v44 =	vshll.u32 v58, $0x4;
	v58 =	vmul.f32 v13, v17  }
0x22c: {  	v54 =	vnsel vm0, $0x17F, v34;
	v55 =	vshll.u32 v0, $0x4;
	v34 =	vshll.u32 v16, $0x4  }
0x22d: {  	v20 =	vmovc v50;
	v50 =	vshll.u32 v57, $0x4;
	v57 =	vmul.f32 v15, v43;
	v15 =	vlaneseq.u32  }
0x22e: {  	s24 =	sadd.s32 $0x20, s24;
	v0 =	vshll.u32 v54, $0x4;
	v59 =	vor.u32 v15, v55;
	v54 =	vor.u32 v15, v1  }
0x22f: {  	_ =	sdelay $0x2  }
0x230: {  	v1 =	vor.u32 v15, v47  }
0x231: {  	[tilespmem:v59+s15+$0x0] =	vst.idx.add.f32.msk $0xffff, v17  }
0x232: {  	v3 =	vor.u32 v15, v40;
	[tilespmem:v59+s16+$0x0] =	vst.idx.add.f32.msk $0xffff, v58  }
0x233: {  	[tilespmem:v54+s15+$0x0] =	vst.idx.add.f32.msk $0xffff, v43  }
0x234: {  	v7 =	vor.u32 v15, v38;
	[tilespmem:v54+s16+$0x0] =	vst.idx.add.f32.msk $0xffff, v57  }
0x235: {  	[tilespmem:v1+s15+$0x0] =	vst.idx.add.f32.msk $0xffff, v42  }
0x236: {  	v6 =	vor.u32 v15, v36;
	[tilespmem:v1+s16+$0x0] =	vst.idx.add.f32.msk $0xffff, v53  }
0x237: {  	[tilespmem:v3+s15+$0x0] =	vst.idx.add.f32.msk $0xffff, v41  }
0x238: {  	v57 =	vor.u32 v15, v34;
	[tilespmem:v3+s16+$0x0] =	vst.idx.add.f32.msk $0xffff, v51  }
0x239: {  	[tilespmem:v7+s15+$0x0] =	vst.idx.add.f32.msk $0xffff, v39  }
0x23a: {  	v3 =	vor.u32 v15, v62;
	[tilespmem:v7+s16+$0x0] =	vst.idx.add.f32.msk $0xffff, v49  }
0x23b: {  	[tilespmem:v6+s15+$0x0] =	vst.idx.add.f32.msk $0xffff, v37  }
0x23c: {  	v9 =	vmul.f32 v63, v35;
	v7 =	vor.u32 v15, v61;
	[tilespmem:v6+s16+$0x0] =	vst.idx.add.f32.msk $0xffff, v48  }
0x23d: {  	[tilespmem:v57+s15+$0x0] =	vst.idx.add.f32.msk $0xffff, v35  }
0x23e: {  	v8 =	vor.u32 v15, v52;
	v6 =	vmul.f32 v28, v33;
	[tilespmem:v57+s16+$0x0] =	vst.idx.add.f32.msk $0xffff, v9  }
0x23f: {  	[tilespmem:v3+s15+$0x0] =	vst.idx.add.f32.msk $0xffff, v33  }
0x240: {  	v58 =	vmul.f32 v2, v32;
	v59 =	vor.u32 v15, v50;
	[tilespmem:v3+s16+$0x0] =	vst.idx.add.f32.msk $0xffff, v6  }
0x241: {  	[tilespmem:v7+s15+$0x0] =	vst.idx.add.f32.msk $0xffff, v32  }
0x242: {  	v3 =	vmul.f32 v5, v31;
	v6 =	vor.u32 v15, v46;
	[tilespmem:v7+s16+$0x0] =	vst.idx.add.f32.msk $0xffff, v58  }
0x243: {  	[tilespmem:v8+s15+$0x0] =	vst.idx.add.f32.msk $0xffff, v31  }
0x244: {  	v60 =	vmul.f32 v23, v30;
	v7 =	vor.u32 v15, v45;
	[tilespmem:v8+s16+$0x0] =	vst.idx.add.f32.msk $0xffff, v3  }
0x245: {  	[tilespmem:v59+s15+$0x0] =	vst.idx.add.f32.msk $0xffff, v30  }
0x246: {  	v3 =	vmul.f32 v22, v29;
	v8 =	vor.u32 v15, v44;
	[tilespmem:v59+s16+$0x0] =	vst.idx.add.f32.msk $0xffff, v60  }
0x247: {  	[tilespmem:v6+s15+$0x0] =	vst.idx.add.f32.msk $0xffff, v29  }
0x248: {  	v4 =	vor.u32 v15, v4;
	v61 =	vmul.f32 v18, v27;
	[tilespmem:v6+s16+$0x0] =	vst.idx.add.f32.msk $0xffff, v3  }
0x249: {  	[tilespmem:v7+s15+$0x0] =	vst.idx.add.f32.msk $0xffff, v27  }
0x24a: {  	v0 =	vor.u32 v15, v0;
	v3 =	vmul.f32 v21, v26;
	[tilespmem:v7+s16+$0x0] =	vst.idx.add.f32.msk $0xffff, v61  }
0x24b: {  	[tilespmem:v8+s15+$0x0] =	vst.idx.add.f32.msk $0xffff, v26  }
0x24c: {  	v62 =	vmul.f32 v20, v25;
	[tilespmem:v8+s16+$0x0] =	vst.idx.add.f32.msk $0xffff, v3  }
0x24d: {  	[tilespmem:v4+s15+$0x0] =	vst.idx.add.f32.msk $0xffff, v25  }
0x24e: {  	v63 =	vmul.f32 v19, v24;
	[tilespmem:v4+s16+$0x0] =	vst.idx.add.f32.msk $0xffff, v62  }
0x24f: {  	[tilespmem:v0+s15+$0x0] =	vst.idx.add.f32.msk $0xffff, v24  }
.Ltmp7:
0x250: {  	[tilespmem:v0+s16+$0x0] =	vst.idx.add.f32.msk $0xffff, v63;
	(pc) =	sbr.rel @!p0 .LBB2_9-.Ltmp7, $2  }
0x251: {  	v16 =	vld [tilespmem:$0x1FFE0];
	_ =	sdelay $0x2  }
0x252: {  	v6 =	vimm.f32 $8.500000000e+00;
	v4 =	vimm.f32 $0.0e+00  }
0x253: {  	s24 =	simm.s32 $0x0;
	v6 =	vimm.s32 $0x17F;
	vm5 =	vmxor vm5, vm5  }
0x254: {  	s21 =	simm.s32 $0x7;
	s22 =	simm.s32 $0x3640;
	s23 =	simm.s32 $0x1E40;
	v7 =	vimm.f32 $0.0e+00;
	v5 =	vimm.f32 $0.0e+00;
	v0 =	vimm.f32 $0.0e+00  }
.LBB2_11:
0x255: {  	v1 =	vld [tilespmem:s23+$0xFFFFFFC0];
	_ =	sdelay $0x1  }
0x256: {  	v2 =	vld [tilespmem:s23+$0xFFFFFFD0];
	_ =	sdelay $0x1  }
0x257: {  	v3 =	vld [tilespmem:s23+$0xFFFFFFE0]  }
0x258: {  	v1 =	vadd.f32 v1, v0  }
0x259: {  	v0 =	vld [tilespmem:s23+$0xFFFFFFF0]  }
0x25a: {  	v2 =	vadd.f32 v2, v1  }
0x25b: {  	v8 =	vld [tilespmem:s23+$0x0]  }
0x25c: {  	v3 =	vadd.f32 v3, v2  }
0x25d: {  	v9 =	vld [tilespmem:s23+$0x10]  }
0x25e: {  	v10 =	vadd.f32 v0, v3  }
0x25f: {  	v0 =	vld [tilespmem:s23+$0x20]  }
0x260: {  	v8 =	vadd.f32 v8, v10  }
0x261: {  	v11 =	vld [tilespmem:s23+$0x30];
	vm0 =	vge.f32 v1, v16  }
0x262: {  	vm12 =	vmor vm5, vm0;
	vm13 =	vge.f32 v2, v16;
	v9 =	vadd.f32 v9, v8  }
0x263: {  	vm14 =	vmor vm12, vm13;
	vm15 =	vge.f32 v3, v16  }
0x264: {  	vm10 =	vmor vm14, vm15;
	vm8 =	vge.f32 v10, v16;
	v12 =	vadd.f32 v0, v9  }
0x265: {  	vm11 =	vmor vm10, vm8;
	vm9 =	vge.f32 v8, v16  }
0x266: {  	vm7 =	vmor vm11, vm9;
	vm3 =	vge.f32 v9, v16;
	v0 =	vadd.f32 v11, v12  }
0x267: {  	v61 =	vimm.s32 $0x0;
	vm2 =	vmor vm7, vm3;
	vm6 =	vge.f32 v12, v16  }
0x268: {  	v11 =	vsel vm2, $0xFFFFFFFF, v61;
	vm4 =	vmor vm2, vm6;
	vm2 =	vge.f32 v0, v16  }
0x269: {  	vm1 =	vmneg vm5;
	vm5 =	vmor vm4, vm2  }
0x26a: {  	v62 =	vld [tilespmem:s22+$0xFFFFFFC0];
	v13 =	vmpcnt.ones.xlane vm5;
	_ =	sdelay $0x1  }
0x26b: {  	v14 =	vld [tilespmem:s22+$0xFFFFFFD0];
	(v2sf) =	vpush v13, $0x0;
	_ =	sdelay $0x1  }
0x26c: {  	v13 =	vld [tilespmem:s22+$0xFFFFFFE0]  }
0x26d: {  	v5 =	vadd.f32 v62, v5;
	vm0 =	vmand vm0, vm1  }
0x26e: {  	v1 =	vsel vm0, v1, v7;
	v7 =	vld [tilespmem:s22+$0xFFFFFFF0]  }
0x26f: {  	v4 =	vsel vm0, v5, v4;
	v5 =	vadd.f32 v14, v5;
	vm12 =	vmneg vm12  }
0x270: {  	v63 =	vld [tilespmem:s22+$0x0];
	vm13 =	vmand vm13, vm12;
	vm14 =	vmneg vm14  }
0x271: {  	v1 =	vsel vm13, v2, v1;
	vm1 =	vmand vm15, vm14;
	v2 =	vadd.f32 v13, v5  }
0x272: {  	v4 =	vsel vm13, v5, v4;
	v1 =	vsel vm1, v3, v1;
	v3 =	vld [tilespmem:s22+$0x10]  }
0x273: {  	s25 =	sadd.s32 $0xFFFFFFF9, s21;
	vm10 =	vmneg vm10;
	v4 =	vsel vm1, v2, v4;
	v2 =	vadd.f32 v7, v2  }
0x274: {  	s31 =	sadd.s32 $0xFFFFFFFA, s21;
	v6 =	vsel vm0, s25, v6;
	vm0 =	vmand vm8, vm10  }
0x275: {  	s26 =	sadd.s32 $0xFFFFFFFB, s21;
	vm12 =	vmneg vm11;
	v5 =	vsel vm13, s31, v6;
	v7 =	vadd.f32 v63, v2  }
0x276: {  	[tilespmem:$0x1FDF0] =	vst v11;
	v6 =	vld [tilespmem:s22+$0x20];
	v5 =	vsel vm1, s26, v5;
	vm1 =	vmand vm9, vm12;
	v2 =	vsel vm0, v2, v4  }
0x277: {  	v2 =	vsel vm1, v7, v2;
	v3 =	vadd.f32 v3, v7;
	v7 =	vld [tilespmem:$0x1FDF0]  }
0x278: {  	s28 =	sadd.s32 $0xFFFFFFFC, s21  }
0x279: {  	p1 =	sgt.u32 s24, $0x2E;
	v1 =	vsel vm0, v10, v1;
	v4 =	vsel vm0, s28, v5;
	v5 =	vld [tilespmem:s22+$0x30];
	s25 =	spop (v2sf)  }
0x27a: {  	s29 =	sadd.s32 $0xFFFFFFFD, s21;
	vm13 =	vmneg vm7;
	v1 =	vsel vm1, v8, v1;
	p2 =	slt.s32 @!p1 s25, $0x10  }
0x27b: {  	vm0 =	vmand vm3, vm13;
	vm3 =	vmneg vm4;
	v4 =	vsel vm1, s29, v4;
	p1 =	por p1, !p2  }
.Ltmp8:
0x27c: {  	s30 =	sadd.s32 $0xFFFFFFFE, s21;
	v1 =	vsel vm0, v9, v1;
	v6 =	vadd.f32 v6, v3;
	vm14 =	vnez.u8 v7;
	(pc) =	sbr.rel @!p1 .LBB2_11-.Ltmp8, $4  }
0x27d: {  	vm15 =	vmand vm2, vm3;
	v4 =	vsel vm0, s30, v4;
	vm1 =	vmneg vm14  }
0x27e: {  	s31 =	sadd.s32 $0xFFFFFFFF, s21;
	v2 =	vsel vm0, v3, v2;
	v5 =	vadd.f32 v5, v6;
	vm1 =	vmand vm6, vm1  }
0x27f: {  	s24 =	sadd.s32 $0x1, s24;
	v4 =	vsel vm1, s31, v4;
	v1 =	vsel vm1, v12, v1;
	v2 =	vsel vm1, v6, v2  }
0x280: {  	s23 =	sadd.s32 $0x80, s23;
	s22 =	sadd.s32 $0x80, s22;
	v6 =	vsel vm15, s21, v4;
	v7 =	vsel vm15, v0, v1;
	v4 =	vsel vm15, v5, v2;
	s21 =	sadd.s32 $0x8, s21  }
.Ltmp9:
0x281: {  	(pc) =	sbr.rel .LBB2_13-.Ltmp9, $3  }
0x282: {  	v1 =	vadd.s32 $0x1, v6  }
0x283: {  	v1 =	vcvt.s32.f32 v1;
	_ =	sdelay $0x1  }
0x284: {  	v6 =	vmul.f32 $2.213541600e-02, v1  }
.LBB2_15:
0x285: {  	_ =	sfence.sel $0x180000  }
0x286: {  	[bflag:$0x0] =	sbarrier.arrive $0xFFFF  }
0x287: {  	p0 =	sne.s32 s0, $0x0;
	_ =	strace $0x90000047  }
0x288: {  	s0 =	sadd.s32 @!p0 $0x100000, s1;
	[bflag:$0x2] =	sbarrier.arrive $0xFFFF  }
0x289: {  	[sflag:s0] =	ssyncadd.tile.s32 @!p0 $0x1;
	_ =	shalt  }
.Lfunc_end2:
_tile_overlayer_lowered:
.L_overlay_start_2:
0x28a: {  	(tag) =	ssettag $0x2  }
0x28b: {  	s0 =	rddreg [dreg:$0x0];
	s2 =	stileid.u32  }
0x28c: {  	s1 =	rddreg [dreg:$0x1];
	p0 =	sne.s32 s2, $0x0  }
0x28d: {  	s3 =	rddreg [dreg:$0x2];
	[bflag:$0x3] =	sbarrier.arrive $0xFFFF;
	s2 =	simm.s32 @!p0 $0x1C01  }
0x28e: {  	[timem:s3], [sflag:s2] =	dma.local @!p0 [hbm:s0], s1  }
0x28f: {  	s0 =	simm.s32 @!p0 $0x1  }
0x290: {  	_ =	swait.ge @!p0 [sflag:s0], s1  }
0x291: {  	s1 =	ssub.s32 @!p0 $0x0, s1;
	[sflag:s0] =	ssyncset.done @!p0 $0x0  }
0x292: {  	[sflag:s0] =	ssyncadd.s32 @!p0 s1  }
0x293: {  	[bflag:$0x3] =	sbarrier.arrive $0xFFFF  }
0x294: {  	_ =	shalt  }

</sc_bundles>
